<compile_context>
chip_gen: v7x
topology: tpu7x:2x2x1
jax: 0.10.2.dev20260603
libtpu: 0.0.44.dev20260713+nightly
codegen_flags: <defaults>
</compile_context>

<pallas_src>
import functools

import jax
import jax.numpy as jnp
from jax import lax
from jax.experimental import pallas as pl
from jax.experimental.pallas import tpu as pltpu
from jax.experimental.pallas import tpu_sc as plsc

B = 4096
N = 8192
NC = 2
NS = 16
L = 16
NW = NC * NS
RPW = B // NW
K = 4
NCHUNK = RPW // K
LPR = N // 128
NBLK = RPW // 8

_mesh = plsc.VectorSubcoreMesh(core_axis_name="c", subcore_axis_name="s")


@functools.partial(
    pl.kernel,
    out_type=jax.ShapeDtypeStruct((B // 8, B // 128, 8, 128), jnp.float32),
    mesh=_mesh,
    compiler_params=pltpu.CompilerParams(needs_layout_passes=False,
                                         use_tc_tiling_on_sc=False),
    scratch_types=[
        pltpu.VMEM((B,), jnp.int32),
        pltpu.VMEM((NCHUNK, K * LPR), jnp.int32),
        pltpu.VMEM((2 * K * LPR, 128), jnp.float32),
        pltpu.VMEM((2, B // 128, K, 128), jnp.float32),
        pltpu.SemaphoreType.DMA,
        pltpu.SemaphoreType.DMA,
        pltpu.SemaphoreType.DMA,
        pltpu.SemaphoreType.DMA,
    ],
)
def _pairwise_sc(ri_hbm, gidx_hbm, compat_hbm, out_hbm,
                 ri_v, gidx_v, rowbuf, outbuf,
                 gsem0, gsem1, osem0, osem1):
    wid = lax.axis_index("s") * NC + lax.axis_index("c")
    gsems = (gsem0, gsem1)
    osems = (osem0, osem1)

    pltpu.sync_copy(ri_hbm, ri_v)
    pltpu.sync_copy(gidx_hbm.at[pl.ds(wid * NCHUNK, NCHUNK)], gidx_v)

    def start_gather(c, q):
        return pltpu.async_copy(compat_hbm.at[gidx_v.at[c]],
                                rowbuf.at[pl.ds(q * K * LPR, K * LPR)],
                                gsems[q])

    def compute_chunk(q, p):
        @plsc.parallel_loop(0, B // 128, unroll=2)
        def body(t):
            for u in range(8):
                riv = ri_v[pl.ds(t * 128 + u * L, L)]
                hi = lax.shift_right_logical(riv, 7)
                lo = lax.bitwise_and(riv, 127)
                for r in range(K):
                    idx0 = hi + (q * K * LPR + r * LPR)
                    vals = plsc.load_gather(rowbuf, [idx0, lo])
                    outbuf[p, t, r, pl.ds(u * L, L)] = vals

    def out_dst(blk, q):
        return out_hbm.at[wid * NBLK + blk, :, pl.ds(q * K, K)]

    start_gather(0, 0)

    def outer(cc, carry):
        for q in range(2):
            c = 2 * cc + q

            @pl.when(c + 1 < NCHUNK)
            def _():
                start_gather(c + 1, 1 - q)

            pltpu.make_async_copy(compat_hbm.at[gidx_v.at[c]],
                                  rowbuf.at[pl.ds(q * K * LPR, K * LPR)],
                                  gsems[q]).wait()

            @pl.when(c >= 2)
            def _():
                pltpu.make_async_copy(outbuf.at[q], out_dst(cc - 1, q),
                                      osems[q]).wait()

            compute_chunk(q, q)
            pltpu.async_copy(outbuf.at[q], out_dst(cc, q), osems[q])
        return carry

    lax.fori_loop(0, NCHUNK // 2, outer, 0)
    for q in range(2):
        pltpu.make_async_copy(outbuf.at[q], out_dst(NCHUNK // 2 - 1, q),
                              osems[q]).wait()


def kernel(root_indices, compat_matrix):
    ri = root_indices.astype(jnp.int32)
    compat_lines = (compat_matrix.reshape(N // 8, 8, N // 128, 128)
                    .transpose(0, 2, 1, 3).reshape(N * N // 128, 128))
    t8 = jnp.arange(LPR, dtype=jnp.int32) * 8
    gidx = ((ri >> 3) * 512 + (ri & 7))[:, None] + t8[None, :]
    gidx = gidx.reshape(B // K, K * LPR)
    out4 = _pairwise_sc(ri, gidx, compat_lines)
    return out4.transpose(0, 2, 1, 3).reshape(B, B)

# --- scband reference (transcript-rebuilt; emitter-appended) ---
"""Pipeline reference for scband-root-compatibility-matrix-74285754352262 (READ-ONLY COPY).

The authoritative reference and input builder live on the scoring server;
editing this copy changes nothing except your own understanding.
"""

import jax, jax.numpy as jnp
import numpy as np

NUM_ROOTS = 8192
HIDDEN_DIM = 64
B = 4096

def setup_inputs(seed: int = 0) -> dict:
    key = jax.random.key(seed)
    k1, k2 = jax.random.split(key)
    root_indices = jax.random.randint(k1, (B,), 0, NUM_ROOTS, dtype=jnp.int64 if jax.config.jax_enable_x64 else jnp.int32)
    # Parameter: initialized as identity per reset_parameters (nn.init.eye_)
    compat_matrix = jnp.eye(NUM_ROOTS, dtype=jnp.float32)
    return {"root_indices": root_indices, "compat_matrix": compat_matrix}

def reference(root_indices, compat_matrix):
    # compat_submatrix = self.compat_matrix[root_indices]  -> row gather
    compat_submatrix = jnp.take(compat_matrix, root_indices, axis=0)
    # pairwise_compat = compat_submatrix[:, root_indices]  -> column gather
    pairwise_compat = jnp.take(compat_submatrix, root_indices, axis=1)
    return pairwise_compat

if __name__ == "__main__":
    import jax
    _d = setup_inputs()
    print(jax.jit(kernel)(*tuple(_d.values())))

</pallas_src>

<mosaic_0001>
#map = affine_map<(d0, d1) -> (0)>
#map1 = affine_map<(d0, d1) -> (0, 0)>
#map2 = affine_map<(d0, d1) -> (0, 0, 0, 0)>
module attributes {stable_mosaic.version = 14 : i64} {
  func.func @_pairwise_sc(%arg0: i32, %arg1: i32, %arg2: memref<4096xi32, #tpu.memory_space<hbm>>, %arg3: memref<1024x256xi32, #tpu.memory_space<hbm>>, %arg4: memref<524288x128xf32, #tpu.memory_space<hbm>>, %arg5: memref<512x32x8x128xf32, #tpu.memory_space<hbm>>, %arg6: memref<4096xi32, #tpu.memory_space<vmem>>, %arg7: memref<32x256xi32, #tpu.memory_space<vmem>>, %arg8: memref<512x128xf32, #tpu.memory_space<vmem>>, %arg9: memref<2x32x4x128xf32, #tpu.memory_space<vmem>>, %arg10: memref<!tpu.dma_semaphore, #tpu.memory_space<semaphore_mem>>, %arg11: memref<!tpu.dma_semaphore, #tpu.memory_space<semaphore_mem>>, %arg12: memref<!tpu.dma_semaphore, #tpu.memory_space<semaphore_mem>>, %arg13: memref<!tpu.dma_semaphore, #tpu.memory_space<semaphore_mem>>) attributes {dimension_semantics = [#tpu.dimension_semantics<core_parallel>, #tpu.dimension_semantics<subcore_parallel>], iteration_bounds = array<i64: 2, 16>, scalar_prefetch = 0 : i64, scratch_operands = 8 : i64, tpu.core_type = #tpu.core_type<sc_vector_subcore>, window_params = [{transform_indices = #map}, {transform_indices = #map1}, {transform_indices = #map1}, {transform_indices = #map2}]} {
    %mul3A = arith.constant 2 : i32
    %mul3A_0 = arith.muli %arg1, %mul3A : i32
    %add3A = arith.addi %mul3A_0, %arg0 : i32
    "tpu.region"() ({
      %run_scoped3A = tpu.sem_alloc : memref<!tpu.dma_semaphore, #tpu.memory_space<semaphore_mem>>
      tpu.enqueue_dma source(%arg2 : memref<4096xi32, #tpu.memory_space<hbm>>) target(%arg6 : memref<4096xi32, #tpu.memory_space<vmem>>) target_semaphore(%run_scoped3A : memref<!tpu.dma_semaphore, #tpu.memory_space<semaphore_mem>>)
      tpu.wait_dma2 semaphore(%run_scoped3A : memref<!tpu.dma_semaphore, #tpu.memory_space<semaphore_mem>>) src(%arg2 : memref<4096xi32, #tpu.memory_space<hbm>>) dst(%arg6 : memref<4096xi32, #tpu.memory_space<vmem>>)
      tpu.yield
    }) : () -> ()
    %mul3A_1 = arith.constant 32 : i32
    %mul3A_2 = arith.muli %add3A, %mul3A_1 : i32
    "tpu.region"() ({
      %run_scoped3A = tpu.sem_alloc : memref<!tpu.dma_semaphore, #tpu.memory_space<semaphore_mem>>
      %dma_start3A_66 = arith.constant 0 : i32
      %dma_start3A_67 = tpu.memref_slice %arg3[%mul3A_2, %dma_start3A_66] : memref<1024x256xi32, #tpu.memory_space<hbm>> -> memref<32x256xi32, #tpu.memory_space<hbm>>
      %dma_start3A_68 = arith.constant 0 : i32
      %dma_start3A_69 = tpu.memref_slice %arg3[%mul3A_2, %dma_start3A_68] : memref<1024x256xi32, #tpu.memory_space<hbm>> -> memref<32x256xi32, #tpu.memory_space<hbm>>
      tpu.enqueue_dma source(%dma_start3A_69 : memref<32x256xi32, #tpu.memory_space<hbm>>) target(%arg7 : memref<32x256xi32, #tpu.memory_space<vmem>>) target_semaphore(%run_scoped3A : memref<!tpu.dma_semaphore, #tpu.memory_space<semaphore_mem>>)
      %dma_wait3A_70 = arith.constant 0 : i32
      %dma_wait3A_71 = tpu.memref_slice %arg3[%mul3A_2, %dma_wait3A_70] : memref<1024x256xi32, #tpu.memory_space<hbm>> -> memref<32x256xi32, #tpu.memory_space<hbm>>
      %dma_wait3A_72 = arith.constant 0 : i32
      %dma_wait3A_73 = tpu.memref_slice %arg3[%mul3A_2, %dma_wait3A_72] : memref<1024x256xi32, #tpu.memory_space<hbm>> -> memref<32x256xi32, #tpu.memory_space<hbm>>
      tpu.wait_dma2 semaphore(%run_scoped3A : memref<!tpu.dma_semaphore, #tpu.memory_space<semaphore_mem>>) src(%dma_wait3A_73 : memref<32x256xi32, #tpu.memory_space<hbm>>) dst(%arg7 : memref<32x256xi32, #tpu.memory_space<vmem>>)
      tpu.yield
    }) : () -> ()
    %dma_start3A = arith.constant 0 : i32
    %dma_start3A_3 = arith.constant 0 : i32
    %dma_start3A_4 = arith.constant 0 : i32
    %dma_start3A_5 = tpu.memref_slice %arg8[%dma_start3A_3, %dma_start3A_4] : memref<512x128xf32, #tpu.memory_space<vmem>> -> memref<256x128xf32, #tpu.memory_space<vmem>>
    %dma_start3A_6 = arith.constant 0 : i32
    %dma_start3A_7 = tpu.memref_slice %arg7[%dma_start3A, %dma_start3A_6] : memref<32x256xi32, #tpu.memory_space<vmem>> -> memref<1x256xi32, #tpu.memory_space<vmem>>
    %dma_start3A_8 = tpu.memref_squeeze %dma_start3A_7 : memref<1x256xi32, #tpu.memory_space<vmem>> -> memref<256xi32, #tpu.memory_space<vmem>>
    %dma_start3A_9 = arith.constant 0 : i32
    %dma_start3A_10 = arith.constant 0 : i32
    %dma_start3A_11 = tpu.memref_slice %arg4[%dma_start3A_9, %dma_start3A_10] : memref<524288x128xf32, #tpu.memory_space<hbm>> -> memref<524288x128xf32, #tpu.memory_space<hbm>>
    tpu.enqueue_indirect_dma source(%dma_start3A_11 : memref<524288x128xf32, #tpu.memory_space<hbm>>) target(%dma_start3A_5 : memref<256x128xf32, #tpu.memory_space<vmem>>) offsets(%dma_start3A_8 : memref<256xi32, #tpu.memory_space<vmem>>) semaphore(%arg10 : memref<!tpu.dma_semaphore, #tpu.memory_space<semaphore_mem>>)
    %scan3A = arith.constant 0 : i32
    %scan3A_12 = arith.constant 0 : i32
    %scan3A_13 = arith.constant 16 : i32
    %scan3A_14 = arith.addi %scan3A_12, %scan3A_13 : i32
    %scan3A_15 = arith.constant 1 : i32
    scf.for %scan3A_66 = %scan3A_12 to %scan3A_14 step %scan3A_15  : i32 {
      %mul3A_67 = arith.constant 2 : i32
      %mul3A_68 = arith.muli %mul3A_67, %scan3A_66 : i32
      %add3A_69 = arith.constant 0 : i32
      %add3A_70 = arith.addi %mul3A_68, %add3A_69 : i32
      %add3A_71 = arith.constant 1 : i32
      %add3A_72 = arith.addi %add3A_70, %add3A_71 : i32
      %lt3A = arith.constant 32 : i32
      %lt3A_73 = arith.cmpi slt, %add3A_72, %lt3A : i32
      %convert_element_type3A = arith.extui %lt3A_73 : i1 to i32
      %cond3A = arith.constant 0 : i32
      %cond3A_74 = arith.cmpi ne, %convert_element_type3A, %cond3A : i32
      scf.if %cond3A_74 {
        %add3A_166 = arith.constant 1 : i32
        %add3A_167 = arith.addi %add3A_70, %add3A_166 : i32
        %dma_start3A_168 = arith.constant 256 : i32
        %dma_start3A_169 = arith.constant 0 : i32
        %dma_start3A_170 = tpu.memref_slice %arg8[%dma_start3A_168, %dma_start3A_169] : memref<512x128xf32, #tpu.memory_space<vmem>> -> memref<256x128xf32, #tpu.memory_space<vmem>>
        %dma_start3A_171 = arith.constant 0 : i32
        %dma_start3A_172 = tpu.memref_slice %arg7[%add3A_167, %dma_start3A_171] : memref<32x256xi32, #tpu.memory_space<vmem>> -> memref<1x256xi32, #tpu.memory_space<vmem>>
        %dma_start3A_173 = tpu.memref_squeeze %dma_start3A_172 : memref<1x256xi32, #tpu.memory_space<vmem>> -> memref<256xi32, #tpu.memory_space<vmem>>
        %dma_start3A_174 = arith.constant 0 : i32
        %dma_start3A_175 = arith.constant 0 : i32
        %dma_start3A_176 = tpu.memref_slice %arg4[%dma_start3A_174, %dma_start3A_175] : memref<524288x128xf32, #tpu.memory_space<hbm>> -> memref<524288x128xf32, #tpu.memory_space<hbm>>
        tpu.enqueue_indirect_dma source(%dma_start3A_176 : memref<524288x128xf32, #tpu.memory_space<hbm>>) target(%dma_start3A_170 : memref<256x128xf32, #tpu.memory_space<vmem>>) offsets(%dma_start3A_173 : memref<256xi32, #tpu.memory_space<vmem>>) semaphore(%arg11 : memref<!tpu.dma_semaphore, #tpu.memory_space<semaphore_mem>>)
      } else {
      }
      %dma_wait3A_75 = arith.constant 0 : i32
      %dma_wait3A_76 = arith.constant 0 : i32
      %dma_wait3A_77 = tpu.memref_slice %arg8[%dma_wait3A_75, %dma_wait3A_76] : memref<512x128xf32, #tpu.memory_space<vmem>> -> memref<256x128xf32, #tpu.memory_space<vmem>>
      %dma_wait3A_78 = arith.constant 0 : i32
      %dma_wait3A_79 = tpu.memref_slice %arg7[%add3A_70, %dma_wait3A_78] : memref<32x256xi32, #tpu.memory_space<vmem>> -> memref<1x256xi32, #tpu.memory_space<vmem>>
      %dma_wait3A_80 = tpu.memref_squeeze %dma_wait3A_79 : memref<1x256xi32, #tpu.memory_space<vmem>> -> memref<256xi32, #tpu.memory_space<vmem>>
      %dma_wait3A_81 = arith.constant 0 : i32
      %dma_wait3A_82 = arith.constant 0 : i32
      %dma_wait3A_83 = tpu.memref_slice %arg4[%dma_wait3A_81, %dma_wait3A_82] : memref<524288x128xf32, #tpu.memory_space<hbm>> -> memref<524288x128xf32, #tpu.memory_space<hbm>>
      tpu.wait_indirect_dma semaphore(%arg10 : memref<!tpu.dma_semaphore, #tpu.memory_space<semaphore_mem>>) src(%dma_wait3A_83 : memref<524288x128xf32, #tpu.memory_space<hbm>>) dst(%dma_wait3A_77 : memref<256x128xf32, #tpu.memory_space<vmem>>)
      %ge3A = arith.constant 2 : i32
      %ge3A_84 = arith.cmpi sge, %add3A_70, %ge3A : i32
      %convert_element_type3A_85 = arith.extui %ge3A_84 : i1 to i32
      %cond3A_86 = arith.constant 0 : i32
      %cond3A_87 = arith.cmpi ne, %convert_element_type3A_85, %cond3A_86 : i32
      scf.if %cond3A_87 {
        %sub3A = arith.constant 1 : i32
        %sub3A_166 = arith.subi %scan3A_66, %sub3A : i32
        %mul3A_167 = arith.constant 16 : i32
        %mul3A_168 = arith.muli %add3A, %mul3A_167 : i32
        %add3A_169 = arith.addi %mul3A_168, %sub3A_166 : i32
        %dma_wait3A_170 = arith.constant 0 : i32
        %dma_wait3A_171 = arith.constant 0 : i32
        %dma_wait3A_172 = arith.constant 0 : i32
        %dma_wait3A_173 = arith.constant 0 : i32
        %dma_wait3A_174 = tpu.memref_slice %arg9[%dma_wait3A_170, %dma_wait3A_171, %dma_wait3A_172, %dma_wait3A_173] : memref<2x32x4x128xf32, #tpu.memory_space<vmem>> -> memref<1x32x4x128xf32, #tpu.memory_space<vmem>>
        %dma_wait3A_175 = tpu.memref_squeeze %dma_wait3A_174 : memref<1x32x4x128xf32, #tpu.memory_space<vmem>> -> memref<32x4x128xf32, #tpu.memory_space<vmem>>
        %dma_wait3A_176 = arith.constant 0 : i32
        %dma_wait3A_177 = arith.constant 0 : i32
        %dma_wait3A_178 = arith.constant 0 : i32
        %dma_wait3A_179 = tpu.memref_slice %arg5[%add3A_169, %dma_wait3A_176, %dma_wait3A_177, %dma_wait3A_178] : memref<512x32x8x128xf32, #tpu.memory_space<hbm>> -> memref<1x32x4x128xf32, #tpu.memory_space<hbm>>
        %dma_wait3A_180 = tpu.memref_squeeze %dma_wait3A_179 : memref<1x32x4x128xf32, #tpu.memory_space<hbm>> -> memref<32x4x128xf32, #tpu.memory_space<hbm>>
        %dma_wait3A_181 = arith.constant 0 : i32
        %dma_wait3A_182 = arith.constant 0 : i32
        %dma_wait3A_183 = arith.constant 0 : i32
        %dma_wait3A_184 = tpu.memref_slice %arg5[%add3A_169, %dma_wait3A_181, %dma_wait3A_182, %dma_wait3A_183] : memref<512x32x8x128xf32, #tpu.memory_space<hbm>> -> memref<1x32x4x128xf32, #tpu.memory_space<hbm>>
        %dma_wait3A_185 = tpu.memref_squeeze %dma_wait3A_184 : memref<1x32x4x128xf32, #tpu.memory_space<hbm>> -> memref<32x4x128xf32, #tpu.memory_space<hbm>>
        %dma_wait3A_186 = arith.constant 0 : i32
        %dma_wait3A_187 = arith.constant 0 : i32
        %dma_wait3A_188 = arith.constant 0 : i32
        %dma_wait3A_189 = tpu.memref_slice %arg9[%dma_wait3A_170, %dma_wait3A_186, %dma_wait3A_187, %dma_wait3A_188] : memref<2x32x4x128xf32, #tpu.memory_space<vmem>> -> memref<1x32x4x128xf32, #tpu.memory_space<vmem>>
        %dma_wait3A_190 = tpu.memref_squeeze %dma_wait3A_189 : memref<1x32x4x128xf32, #tpu.memory_space<vmem>> -> memref<32x4x128xf32, #tpu.memory_space<vmem>>
        tpu.wait_dma2 semaphore(%arg12 : memref<!tpu.dma_semaphore, #tpu.memory_space<semaphore_mem>>) src(%dma_wait3A_190 : memref<32x4x128xf32, #tpu.memory_space<vmem>>) dst(%dma_wait3A_185 : memref<32x4x128xf32, #tpu.memory_space<hbm>>)
      } else {
      }
      %parallel_loop3A = arith.constant 0 : i32
      %parallel_loop3A_88 = arith.constant 32 : i32
      %parallel_loop3A_89 = arith.constant 1 : i32
      scf.for %parallel_loop3A_166 = %parallel_loop3A to %parallel_loop3A_88 step %parallel_loop3A_89  : i32 {
        %parallel_loop3A_167 = arith.constant 128 : i32
        %parallel_loop3A_168 = arith.muli %parallel_loop3A_166, %parallel_loop3A_167 : i32
        %parallel_loop3A_169 = arith.constant 0 : i32
        %parallel_loop3A_170 = arith.addi %parallel_loop3A_168, %parallel_loop3A_169 : i32
        %parallel_loop3A_171 = arith.index_cast %parallel_loop3A_170 : i32 to index
        %parallel_loop3A_172 = tpu.vector_load %arg6[%parallel_loop3A_171] {strides = array<i32>} : memref<4096xi32, #tpu.memory_space<vmem>>, vector<16xi32>,
        %parallel_loop3A_173 = arith.constant 7 : i32
        %parallel_loop3A_174 = vector.broadcast %parallel_loop3A_173 : i32 to vector<16xi32>
        %parallel_loop3A_175 = arith.shrui %parallel_loop3A_172, %parallel_loop3A_174 : vector<16xi32>
        %parallel_loop3A_176 = arith.constant 127 : i32
        %parallel_loop3A_177 = vector.broadcast %parallel_loop3A_176 : i32 to vector<16xi32>
        %parallel_loop3A_178 = arith.andi %parallel_loop3A_172, %parallel_loop3A_177 : vector<16xi32>
        %parallel_loop3A_179 = arith.constant 0 : i32
        %parallel_loop3A_180 = vector.broadcast %parallel_loop3A_179 : i32 to vector<16xi32>
        %parallel_loop3A_181 = arith.addi %parallel_loop3A_175, %parallel_loop3A_180 : vector<16xi32>
        %parallel_loop3A_182 = tpu.vector_load_idx %arg8[%parallel_loop3A_181, %parallel_loop3A_178] : memref<512x128xf32, #tpu.memory_space<vmem>>[vector<16xi32>, vector<16xi32>], vector<16xf32>,
        %parallel_loop3A_183 = arith.constant 0 : i32
        %parallel_loop3A_184 = arith.constant 0 : i32
        %parallel_loop3A_185 = arith.index_cast %parallel_loop3A_183 : i32 to index
        %parallel_loop3A_186 = arith.index_cast %parallel_loop3A_166 : i32 to index
        %parallel_loop3A_187 = arith.index_cast %parallel_loop3A_184 : i32 to index
        %parallel_loop3A_188 = arith.constant 0 : index
        %parallel_loop3A_189 = tpu.vector_load %arg9[%parallel_loop3A_185, %parallel_loop3A_186, %parallel_loop3A_187, %parallel_loop3A_188] {strides = array<i32>} : memref<2x32x4x128xf32, #tpu.memory_space<vmem>>, vector<16xf32>,
        tpu.vector_store %arg9[%parallel_loop3A_185, %parallel_loop3A_186, %parallel_loop3A_187, %parallel_loop3A_188], %parallel_loop3A_182 {strides = array<i32>} : memref<2x32x4x128xf32, #tpu.memory_space<vmem>>, vector<16xf32>,
        %parallel_loop3A_190 = arith.constant 64 : i32
        %parallel_loop3A_191 = vector.broadcast %parallel_loop3A_190 : i32 to vector<16xi32>
        %parallel_loop3A_192 = arith.addi %parallel_loop3A_175, %parallel_loop3A_191 : vector<16xi32>
        %parallel_loop3A_193 = tpu.vector_load_idx %arg8[%parallel_loop3A_192, %parallel_loop3A_178] : memref<512x128xf32, #tpu.memory_space<vmem>>[vector<16xi32>, vector<16xi32>], vector<16xf32>,
        %parallel_loop3A_194 = arith.constant 0 : i32
        %parallel_loop3A_195 = arith.constant 1 : i32
        %parallel_loop3A_196 = arith.index_cast %parallel_loop3A_194 : i32 to index
        %parallel_loop3A_197 = arith.index_cast %parallel_loop3A_166 : i32 to index
        %parallel_loop3A_198 = arith.index_cast %parallel_loop3A_195 : i32 to index
        %parallel_loop3A_199 = arith.constant 0 : index
        %parallel_loop3A_200 = tpu.vector_load %arg9[%parallel_loop3A_196, %parallel_loop3A_197, %parallel_loop3A_198, %parallel_loop3A_199] {strides = array<i32>} : memref<2x32x4x128xf32, #tpu.memory_space<vmem>>, vector<16xf32>,
        tpu.vector_store %arg9[%parallel_loop3A_196, %parallel_loop3A_197, %parallel_loop3A_198, %parallel_loop3A_199], %parallel_loop3A_193 {strides = array<i32>} : memref<2x32x4x128xf32, #tpu.memory_space<vmem>>, vector<16xf32>,
        %parallel_loop3A_201 = arith.constant 128 : i32
        %parallel_loop3A_202 = vector.broadcast %parallel_loop3A_201 : i32 to vector<16xi32>
        %parallel_loop3A_203 = arith.addi %parallel_loop3A_175, %parallel_loop3A_202 : vector<16xi32>
        %parallel_loop3A_204 = tpu.vector_load_idx %arg8[%parallel_loop3A_203, %parallel_loop3A_178] : memref<512x128xf32, #tpu.memory_space<vmem>>[vector<16xi32>, vector<16xi32>], vector<16xf32>,
        %parallel_loop3A_205 = arith.constant 0 : i32
        %parallel_loop3A_206 = arith.constant 2 : i32
        %parallel_loop3A_207 = arith.index_cast %parallel_loop3A_205 : i32 to index
        %parallel_loop3A_208 = arith.index_cast %parallel_loop3A_166 : i32 to index
        %parallel_loop3A_209 = arith.index_cast %parallel_loop3A_206 : i32 to index
        %parallel_loop3A_210 = arith.constant 0 : index
        %parallel_loop3A_211 = tpu.vector_load %arg9[%parallel_loop3A_207, %parallel_loop3A_208, %parallel_loop3A_209, %parallel_loop3A_210] {strides = array<i32>} : memref<2x32x4x128xf32, #tpu.memory_space<vmem>>, vector<16xf32>,
        tpu.vector_store %arg9[%parallel_loop3A_207, %parallel_loop3A_208, %parallel_loop3A_209, %parallel_loop3A_210], %parallel_loop3A_204 {strides = array<i32>} : memref<2x32x4x128xf32, #tpu.memory_space<vmem>>, vector<16xf32>,
        %parallel_loop3A_212 = arith.constant 192 : i32
        %parallel_loop3A_213 = vector.broadcast %parallel_loop3A_212 : i32 to vector<16xi32>
        %parallel_loop3A_214 = arith.addi %parallel_loop3A_175, %parallel_loop3A_213 : vector<16xi32>
        %parallel_loop3A_215 = tpu.vector_load_idx %arg8[%parallel_loop3A_214, %parallel_loop3A_178] : memref<512x128xf32, #tpu.memory_space<vmem>>[vector<16xi32>, vector<16xi32>], vector<16xf32>,
        %parallel_loop3A_216 = arith.constant 0 : i32
        %parallel_loop3A_217 = arith.constant 3 : i32
        %parallel_loop3A_218 = arith.index_cast %parallel_loop3A_216 : i32 to index
        %parallel_loop3A_219 = arith.index_cast %parallel_loop3A_166 : i32 to index
        %parallel_loop3A_220 = arith.index_cast %parallel_loop3A_217 : i32 to index
        %parallel_loop3A_221 = arith.constant 0 : index
        %parallel_loop3A_222 = tpu.vector_load %arg9[%parallel_loop3A_218, %parallel_loop3A_219, %parallel_loop3A_220, %parallel_loop3A_221] {strides = array<i32>} : memref<2x32x4x128xf32, #tpu.memory_space<vmem>>, vector<16xf32>,
        tpu.vector_store %arg9[%parallel_loop3A_218, %parallel_loop3A_219, %parallel_loop3A_220, %parallel_loop3A_221], %parallel_loop3A_215 {strides = array<i32>} : memref<2x32x4x128xf32, #tpu.memory_space<vmem>>, vector<16xf32>,
        %parallel_loop3A_223 = arith.constant 128 : i32
        %parallel_loop3A_224 = arith.muli %parallel_loop3A_166, %parallel_loop3A_223 : i32
        %parallel_loop3A_225 = arith.constant 16 : i32
        %parallel_loop3A_226 = arith.addi %parallel_loop3A_224, %parallel_loop3A_225 : i32
        %parallel_loop3A_227 = arith.index_cast %parallel_loop3A_226 : i32 to index
        %parallel_loop3A_228 = tpu.vector_load %arg6[%parallel_loop3A_227] {strides = array<i32>} : memref<4096xi32, #tpu.memory_space<vmem>>, vector<16xi32>,
        %parallel_loop3A_229 = arith.constant 7 : i32
        %parallel_loop3A_230 = vector.broadcast %parallel_loop3A_229 : i32 to vector<16xi32>
        %parallel_loop3A_231 = arith.shrui %parallel_loop3A_228, %parallel_loop3A_230 : vector<16xi32>
        %parallel_loop3A_232 = arith.constant 127 : i32
        %parallel_loop3A_233 = vector.broadcast %parallel_loop3A_232 : i32 to vector<16xi32>
        %parallel_loop3A_234 = arith.andi %parallel_loop3A_228, %parallel_loop3A_233 : vector<16xi32>
        %parallel_loop3A_235 = arith.constant 0 : i32
        %parallel_loop3A_236 = vector.broadcast %parallel_loop3A_235 : i32 to vector<16xi32>
        %parallel_loop3A_237 = arith.addi %parallel_loop3A_231, %parallel_loop3A_236 : vector<16xi32>
        %parallel_loop3A_238 = tpu.vector_load_idx %arg8[%parallel_loop3A_237, %parallel_loop3A_234] : memref<512x128xf32, #tpu.memory_space<vmem>>[vector<16xi32>, vector<16xi32>], vector<16xf32>,
        %parallel_loop3A_239 = arith.constant 0 : i32
        %parallel_loop3A_240 = arith.constant 0 : i32
        %parallel_loop3A_241 = arith.index_cast %parallel_loop3A_239 : i32 to index
        %parallel_loop3A_242 = arith.index_cast %parallel_loop3A_166 : i32 to index
        %parallel_loop3A_243 = arith.index_cast %parallel_loop3A_240 : i32 to index
        %parallel_loop3A_244 = arith.constant 16 : index
        %parallel_loop3A_245 = tpu.vector_load %arg9[%parallel_loop3A_241, %parallel_loop3A_242, %parallel_loop3A_243, %parallel_loop3A_244] {strides = array<i32>} : memref<2x32x4x128xf32, #tpu.memory_space<vmem>>, vector<16xf32>,
        tpu.vector_store %arg9[%parallel_loop3A_241, %parallel_loop3A_242, %parallel_loop3A_243, %parallel_loop3A_244], %parallel_loop3A_238 {strides = array<i32>} : memref<2x32x4x128xf32, #tpu.memory_space<vmem>>, vector<16xf32>,
        %parallel_loop3A_246 = arith.constant 64 : i32
        %parallel_loop3A_247 = vector.broadcast %parallel_loop3A_246 : i32 to vector<16xi32>
        %parallel_loop3A_248 = arith.addi %parallel_loop3A_231, %parallel_loop3A_247 : vector<16xi32>
        %parallel_loop3A_249 = tpu.vector_load_idx %arg8[%parallel_loop3A_248, %parallel_loop3A_234] : memref<512x128xf32, #tpu.memory_space<vmem>>[vector<16xi32>, vector<16xi32>], vector<16xf32>,
        %parallel_loop3A_250 = arith.constant 0 : i32
        %parallel_loop3A_251 = arith.constant 1 : i32
        %parallel_loop3A_252 = arith.index_cast %parallel_loop3A_250 : i32 to index
        %parallel_loop3A_253 = arith.index_cast %parallel_loop3A_166 : i32 to index
        %parallel_loop3A_254 = arith.index_cast %parallel_loop3A_251 : i32 to index
        %parallel_loop3A_255 = arith.constant 16 : index
        %parallel_loop3A_256 = tpu.vector_load %arg9[%parallel_loop3A_252, %parallel_loop3A_253, %parallel_loop3A_254, %parallel_loop3A_255] {strides = array<i32>} : memref<2x32x4x128xf32, #tpu.memory_space<vmem>>, vector<16xf32>,
        tpu.vector_store %arg9[%parallel_loop3A_252, %parallel_loop3A_253, %parallel_loop3A_254, %parallel_loop3A_255], %parallel_loop3A_249 {strides = array<i32>} : memref<2x32x4x128xf32, #tpu.memory_space<vmem>>, vector<16xf32>,
        %parallel_loop3A_257 = arith.constant 128 : i32
        %parallel_loop3A_258 = vector.broadcast %parallel_loop3A_257 : i32 to vector<16xi32>
        %parallel_loop3A_259 = arith.addi %parallel_loop3A_231, %parallel_loop3A_258 : vector<16xi32>
        %parallel_loop3A_260 = tpu.vector_load_idx %arg8[%parallel_loop3A_259, %parallel_loop3A_234] : memref<512x128xf32, #tpu.memory_space<vmem>>[vector<16xi32>, vector<16xi32>], vector<16xf32>,
        %parallel_loop3A_261 = arith.constant 0 : i32
        %parallel_loop3A_262 = arith.constant 2 : i32
        %parallel_loop3A_263 = arith.index_cast %parallel_loop3A_261 : i32 to index
        %parallel_loop3A_264 = arith.index_cast %parallel_loop3A_166 : i32 to index
        %parallel_loop3A_265 = arith.index_cast %parallel_loop3A_262 : i32 to index
        %parallel_loop3A_266 = arith.constant 16 : index
        %parallel_loop3A_267 = tpu.vector_load %arg9[%parallel_loop3A_263, %parallel_loop3A_264, %parallel_loop3A_265, %parallel_loop3A_266] {strides = array<i32>} : memref<2x32x4x128xf32, #tpu.memory_space<vmem>>, vector<16xf32>,
        tpu.vector_store %arg9[%parallel_loop3A_263, %parallel_loop3A_264, %parallel_loop3A_265, %parallel_loop3A_266], %parallel_loop3A_260 {strides = array<i32>} : memref<2x32x4x128xf32, #tpu.memory_space<vmem>>, vector<16xf32>,
        %parallel_loop3A_268 = arith.constant 192 : i32
        %parallel_loop3A_269 = vector.broadcast %parallel_loop3A_268 : i32 to vector<16xi32>
        %parallel_loop3A_270 = arith.addi %parallel_loop3A_231, %parallel_loop3A_269 : vector<16xi32>
        %parallel_loop3A_271 = tpu.vector_load_idx %arg8[%parallel_loop3A_270, %parallel_loop3A_234] : memref<512x128xf32, #tpu.memory_space<vmem>>[vector<16xi32>, vector<16xi32>], vector<16xf32>,
        %parallel_loop3A_272 = arith.constant 0 : i32
        %parallel_loop3A_273 = arith.constant 3 : i32
        %parallel_loop3A_274 = arith.index_cast %parallel_loop3A_272 : i32 to index
        %parallel_loop3A_275 = arith.index_cast %parallel_loop3A_166 : i32 to index
        %parallel_loop3A_276 = arith.index_cast %parallel_loop3A_273 : i32 to index
        %parallel_loop3A_277 = arith.constant 16 : index
        %parallel_loop3A_278 = tpu.vector_load %arg9[%parallel_loop3A_274, %parallel_loop3A_275, %parallel_loop3A_276, %parallel_loop3A_277] {strides = array<i32>} : memref<2x32x4x128xf32, #tpu.memory_space<vmem>>, vector<16xf32>,
        tpu.vector_store %arg9[%parallel_loop3A_274, %parallel_loop3A_275, %parallel_loop3A_276, %parallel_loop3A_277], %parallel_loop3A_271 {strides = array<i32>} : memref<2x32x4x128xf32, #tpu.memory_space<vmem>>, vector<16xf32>,
        %parallel_loop3A_279 = arith.constant 128 : i32
        %parallel_loop3A_280 = arith.muli %parallel_loop3A_166, %parallel_loop3A_279 : i32
        %parallel_loop3A_281 = arith.constant 32 : i32
        %parallel_loop3A_282 = arith.addi %parallel_loop3A_280, %parallel_loop3A_281 : i32
        %parallel_loop3A_283 = arith.index_cast %parallel_loop3A_282 : i32 to index
        %parallel_loop3A_284 = tpu.vector_load %arg6[%parallel_loop3A_283] {strides = array<i32>} : memref<4096xi32, #tpu.memory_space<vmem>>, vector<16xi32>,
        %parallel_loop3A_285 = arith.constant 7 : i32
        %parallel_loop3A_286 = vector.broadcast %parallel_loop3A_285 : i32 to vector<16xi32>
        %parallel_loop3A_287 = arith.shrui %parallel_loop3A_284, %parallel_loop3A_286 : vector<16xi32>
        %parallel_loop3A_288 = arith.constant 127 : i32
        %parallel_loop3A_289 = vector.broadcast %parallel_loop3A_288 : i32 to vector<16xi32>
        %parallel_loop3A_290 = arith.andi %parallel_loop3A_284, %parallel_loop3A_289 : vector<16xi32>
        %parallel_loop3A_291 = arith.constant 0 : i32
        %parallel_loop3A_292 = vector.broadcast %parallel_loop3A_291 : i32 to vector<16xi32>
        %parallel_loop3A_293 = arith.addi %parallel_loop3A_287, %parallel_loop3A_292 : vector<16xi32>
        %parallel_loop3A_294 = tpu.vector_load_idx %arg8[%parallel_loop3A_293, %parallel_loop3A_290] : memref<512x128xf32, #tpu.memory_space<vmem>>[vector<16xi32>, vector<16xi32>], vector<16xf32>,
        %parallel_loop3A_295 = arith.constant 0 : i32
        %parallel_loop3A_296 = arith.constant 0 : i32
        %parallel_loop3A_297 = arith.index_cast %parallel_loop3A_295 : i32 to index
        %parallel_loop3A_298 = arith.index_cast %parallel_loop3A_166 : i32 to index
        %parallel_loop3A_299 = arith.index_cast %parallel_loop3A_296 : i32 to index
        %parallel_loop3A_300 = arith.constant 32 : index
        %parallel_loop3A_301 = tpu.vector_load %arg9[%parallel_loop3A_297, %parallel_loop3A_298, %parallel_loop3A_299, %parallel_loop3A_300] {strides = array<i32>} : memref<2x32x4x128xf32, #tpu.memory_space<vmem>>, vector<16xf32>,
        tpu.vector_store %arg9[%parallel_loop3A_297, %parallel_loop3A_298, %parallel_loop3A_299, %parallel_loop3A_300], %parallel_loop3A_294 {strides = array<i32>} : memref<2x32x4x128xf32, #tpu.memory_space<vmem>>, vector<16xf32>,
        %parallel_loop3A_302 = arith.constant 64 : i32
        %parallel_loop3A_303 = vector.broadcast %parallel_loop3A_302 : i32 to vector<16xi32>
        %parallel_loop3A_304 = arith.addi %parallel_loop3A_287, %parallel_loop3A_303 : vector<16xi32>
        %parallel_loop3A_305 = tpu.vector_load_idx %arg8[%parallel_loop3A_304, %parallel_loop3A_290] : memref<512x128xf32, #tpu.memory_space<vmem>>[vector<16xi32>, vector<16xi32>], vector<16xf32>,
        %parallel_loop3A_306 = arith.constant 0 : i32
        %parallel_loop3A_307 = arith.constant 1 : i32
        %parallel_loop3A_308 = arith.index_cast %parallel_loop3A_306 : i32 to index
        %parallel_loop3A_309 = arith.index_cast %parallel_loop3A_166 : i32 to index
        %parallel_loop3A_310 = arith.index_cast %parallel_loop3A_307 : i32 to index
        %parallel_loop3A_311 = arith.constant 32 : index
        %parallel_loop3A_312 = tpu.vector_load %arg9[%parallel_loop3A_308, %parallel_loop3A_309, %parallel_loop3A_310, %parallel_loop3A_311] {strides = array<i32>} : memref<2x32x4x128xf32, #tpu.memory_space<vmem>>, vector<16xf32>,
        tpu.vector_store %arg9[%parallel_loop3A_308, %parallel_loop3A_309, %parallel_loop3A_310, %parallel_loop3A_311], %parallel_loop3A_305 {strides = array<i32>} : memref<2x32x4x128xf32, #tpu.memory_space<vmem>>, vector<16xf32>,
        %parallel_loop3A_313 = arith.constant 128 : i32
        %parallel_loop3A_314 = vector.broadcast %parallel_loop3A_313 : i32 to vector<16xi32>
        %parallel_loop3A_315 = arith.addi %parallel_loop3A_287, %parallel_loop3A_314 : vector<16xi32>
        %parallel_loop3A_316 = tpu.vector_load_idx %arg8[%parallel_loop3A_315, %parallel_loop3A_290] : memref<512x128xf32, #tpu.memory_space<vmem>>[vector<16xi32>, vector<16xi32>], vector<16xf32>,
        %parallel_loop3A_317 = arith.constant 0 : i32
        %parallel_loop3A_318 = arith.constant 2 : i32
        %parallel_loop3A_319 = arith.index_cast %parallel_loop3A_317 : i32 to index
        %parallel_loop3A_320 = arith.index_cast %parallel_loop3A_166 : i32 to index
        %parallel_loop3A_321 = arith.index_cast %parallel_loop3A_318 : i32 to index
        %parallel_loop3A_322 = arith.constant 32 : index
        %parallel_loop3A_323 = tpu.vector_load %arg9[%parallel_loop3A_319, %parallel_loop3A_320, %parallel_loop3A_321, %parallel_loop3A_322] {strides = array<i32>} : memref<2x32x4x128xf32, #tpu.memory_space<vmem>>, vector<16xf32>,
        tpu.vector_store %arg9[%parallel_loop3A_319, %parallel_loop3A_320, %parallel_loop3A_321, %parallel_loop3A_322], %parallel_loop3A_316 {strides = array<i32>} : memref<2x32x4x128xf32, #tpu.memory_space<vmem>>, vector<16xf32>,
        %parallel_loop3A_324 = arith.constant 192 : i32
        %parallel_loop3A_325 = vector.broadcast %parallel_loop3A_324 : i32 to vector<16xi32>
        %parallel_loop3A_326 = arith.addi %parallel_loop3A_287, %parallel_loop3A_325 : vector<16xi32>
        %parallel_loop3A_327 = tpu.vector_load_idx %arg8[%parallel_loop3A_326, %parallel_loop3A_290] : memref<512x128xf32, #tpu.memory_space<vmem>>[vector<16xi32>, vector<16xi32>], vector<16xf32>,
        %parallel_loop3A_328 = arith.constant 0 : i32
        %parallel_loop3A_329 = arith.constant 3 : i32
        %parallel_loop3A_330 = arith.index_cast %parallel_loop3A_328 : i32 to index
        %parallel_loop3A_331 = arith.index_cast %parallel_loop3A_166 : i32 to index
        %parallel_loop3A_332 = arith.index_cast %parallel_loop3A_329 : i32 to index
        %parallel_loop3A_333 = arith.constant 32 : index
        %parallel_loop3A_334 = tpu.vector_load %arg9[%parallel_loop3A_330, %parallel_loop3A_331, %parallel_loop3A_332, %parallel_loop3A_333] {strides = array<i32>} : memref<2x32x4x128xf32, #tpu.memory_space<vmem>>, vector<16xf32>,
        tpu.vector_store %arg9[%parallel_loop3A_330, %parallel_loop3A_331, %parallel_loop3A_332, %parallel_loop3A_333], %parallel_loop3A_327 {strides = array<i32>} : memref<2x32x4x128xf32, #tpu.memory_space<vmem>>, vector<16xf32>,
        %parallel_loop3A_335 = arith.constant 128 : i32
        %parallel_loop3A_336 = arith.muli %parallel_loop3A_166, %parallel_loop3A_335 : i32
        %parallel_loop3A_337 = arith.constant 48 : i32
        %parallel_loop3A_338 = arith.addi %parallel_loop3A_336, %parallel_loop3A_337 : i32
        %parallel_loop3A_339 = arith.index_cast %parallel_loop3A_338 : i32 to index
        %parallel_loop3A_340 = tpu.vector_load %arg6[%parallel_loop3A_339] {strides = array<i32>} : memref<4096xi32, #tpu.memory_space<vmem>>, vector<16xi32>,
        %parallel_loop3A_341 = arith.constant 7 : i32
        %parallel_loop3A_342 = vector.broadcast %parallel_loop3A_341 : i32 to vector<16xi32>
        %parallel_loop3A_343 = arith.shrui %parallel_loop3A_340, %parallel_loop3A_342 : vector<16xi32>
        %parallel_loop3A_344 = arith.constant 127 : i32
        %parallel_loop3A_345 = vector.broadcast %parallel_loop3A_344 : i32 to vector<16xi32>
        %parallel_loop3A_346 = arith.andi %parallel_loop3A_340, %parallel_loop3A_345 : vector<16xi32>
        %parallel_loop3A_347 = arith.constant 0 : i32
        %parallel_loop3A_348 = vector.broadcast %parallel_loop3A_347 : i32 to vector<16xi32>
        %parallel_loop3A_349 = arith.addi %parallel_loop3A_343, %parallel_loop3A_348 : vector<16xi32>
        %parallel_loop3A_350 = tpu.vector_load_idx %arg8[%parallel_loop3A_349, %parallel_loop3A_346] : memref<512x128xf32, #tpu.memory_space<vmem>>[vector<16xi32>, vector<16xi32>], vector<16xf32>,
        %parallel_loop3A_351 = arith.constant 0 : i32
        %parallel_loop3A_352 = arith.constant 0 : i32
        %parallel_loop3A_353 = arith.index_cast %parallel_loop3A_351 : i32 to index
        %parallel_loop3A_354 = arith.index_cast %parallel_loop3A_166 : i32 to index
        %parallel_loop3A_355 = arith.index_cast %parallel_loop3A_352 : i32 to index
        %parallel_loop3A_356 = arith.constant 48 : index
        %parallel_loop3A_357 = tpu.vector_load %arg9[%parallel_loop3A_353, %parallel_loop3A_354, %parallel_loop3A_355, %parallel_loop3A_356] {strides = array<i32>} : memref<2x32x4x128xf32, #tpu.memory_space<vmem>>, vector<16xf32>,
        tpu.vector_store %arg9[%parallel_loop3A_353, %parallel_loop3A_354, %parallel_loop3A_355, %parallel_loop3A_356], %parallel_loop3A_350 {strides = array<i32>} : memref<2x32x4x128xf32, #tpu.memory_space<vmem>>, vector<16xf32>,
        %parallel_loop3A_358 = arith.constant 64 : i32
        %parallel_loop3A_359 = vector.broadcast %parallel_loop3A_358 : i32 to vector<16xi32>
        %parallel_loop3A_360 = arith.addi %parallel_loop3A_343, %parallel_loop3A_359 : vector<16xi32>
        %parallel_loop3A_361 = tpu.vector_load_idx %arg8[%parallel_loop3A_360, %parallel_loop3A_346] : memref<512x128xf32, #tpu.memory_space<vmem>>[vector<16xi32>, vector<16xi32>], vector<16xf32>,
        %parallel_loop3A_362 = arith.constant 0 : i32
        %parallel_loop3A_363 = arith.constant 1 : i32
        %parallel_loop3A_364 = arith.index_cast %parallel_loop3A_362 : i32 to index
        %parallel_loop3A_365 = arith.index_cast %parallel_loop3A_166 : i32 to index
        %parallel_loop3A_366 = arith.index_cast %parallel_loop3A_363 : i32 to index
        %parallel_loop3A_367 = arith.constant 48 : index
        %parallel_loop3A_368 = tpu.vector_load %arg9[%parallel_loop3A_364, %parallel_loop3A_365, %parallel_loop3A_366, %parallel_loop3A_367] {strides = array<i32>} : memref<2x32x4x128xf32, #tpu.memory_space<vmem>>, vector<16xf32>,
        tpu.vector_store %arg9[%parallel_loop3A_364, %parallel_loop3A_365, %parallel_loop3A_366, %parallel_loop3A_367], %parallel_loop3A_361 {strides = array<i32>} : memref<2x32x4x128xf32, #tpu.memory_space<vmem>>, vector<16xf32>,
        %parallel_loop3A_369 = arith.constant 128 : i32
        %parallel_loop3A_370 = vector.broadcast %parallel_loop3A_369 : i32 to vector<16xi32>
        %parallel_loop3A_371 = arith.addi %parallel_loop3A_343, %parallel_loop3A_370 : vector<16xi32>
        %parallel_loop3A_372 = tpu.vector_load_idx %arg8[%parallel_loop3A_371, %parallel_loop3A_346] : memref<512x128xf32, #tpu.memory_space<vmem>>[vector<16xi32>, vector<16xi32>], vector<16xf32>,
        %parallel_loop3A_373 = arith.constant 0 : i32
        %parallel_loop3A_374 = arith.constant 2 : i32
        %parallel_loop3A_375 = arith.index_cast %parallel_loop3A_373 : i32 to index
        %parallel_loop3A_376 = arith.index_cast %parallel_loop3A_166 : i32 to index
        %parallel_loop3A_377 = arith.index_cast %parallel_loop3A_374 : i32 to index
        %parallel_loop3A_378 = arith.constant 48 : index
        %parallel_loop3A_379 = tpu.vector_load %arg9[%parallel_loop3A_375, %parallel_loop3A_376, %parallel_loop3A_377, %parallel_loop3A_378] {strides = array<i32>} : memref<2x32x4x128xf32, #tpu.memory_space<vmem>>, vector<16xf32>,
        tpu.vector_store %arg9[%parallel_loop3A_375, %parallel_loop3A_376, %parallel_loop3A_377, %parallel_loop3A_378], %parallel_loop3A_372 {strides = array<i32>} : memref<2x32x4x128xf32, #tpu.memory_space<vmem>>, vector<16xf32>,
        %parallel_loop3A_380 = arith.constant 192 : i32
        %parallel_loop3A_381 = vector.broadcast %parallel_loop3A_380 : i32 to vector<16xi32>
        %parallel_loop3A_382 = arith.addi %parallel_loop3A_343, %parallel_loop3A_381 : vector<16xi32>
        %parallel_loop3A_383 = tpu.vector_load_idx %arg8[%parallel_loop3A_382, %parallel_loop3A_346] : memref<512x128xf32, #tpu.memory_space<vmem>>[vector<16xi32>, vector<16xi32>], vector<16xf32>,
        %parallel_loop3A_384 = arith.constant 0 : i32
        %parallel_loop3A_385 = arith.constant 3 : i32
        %parallel_loop3A_386 = arith.index_cast %parallel_loop3A_384 : i32 to index
        %parallel_loop3A_387 = arith.index_cast %parallel_loop3A_166 : i32 to index
        %parallel_loop3A_388 = arith.index_cast %parallel_loop3A_385 : i32 to index
        %parallel_loop3A_389 = arith.constant 48 : index
        %parallel_loop3A_390 = tpu.vector_load %arg9[%parallel_loop3A_386, %parallel_loop3A_387, %parallel_loop3A_388, %parallel_loop3A_389] {strides = array<i32>} : memref<2x32x4x128xf32, #tpu.memory_space<vmem>>, vector<16xf32>,
        tpu.vector_store %arg9[%parallel_loop3A_386, %parallel_loop3A_387, %parallel_loop3A_388, %parallel_loop3A_389], %parallel_loop3A_383 {strides = array<i32>} : memref<2x32x4x128xf32, #tpu.memory_space<vmem>>, vector<16xf32>,
        %parallel_loop3A_391 = arith.constant 128 : i32
        %parallel_loop3A_392 = arith.muli %parallel_loop3A_166, %parallel_loop3A_391 : i32
        %parallel_loop3A_393 = arith.constant 64 : i32
        %parallel_loop3A_394 = arith.addi %parallel_loop3A_392, %parallel_loop3A_393 : i32
        %parallel_loop3A_395 = arith.index_cast %parallel_loop3A_394 : i32 to index
        %parallel_loop3A_396 = tpu.vector_load %arg6[%parallel_loop3A_395] {strides = array<i32>} : memref<4096xi32, #tpu.memory_space<vmem>>, vector<16xi32>,
        %parallel_loop3A_397 = arith.constant 7 : i32
        %parallel_loop3A_398 = vector.broadcast %parallel_loop3A_397 : i32 to vector<16xi32>
        %parallel_loop3A_399 = arith.shrui %parallel_loop3A_396, %parallel_loop3A_398 : vector<16xi32>
        %parallel_loop3A_400 = arith.constant 127 : i32
        %parallel_loop3A_401 = vector.broadcast %parallel_loop3A_400 : i32 to vector<16xi32>
        %parallel_loop3A_402 = arith.andi %parallel_loop3A_396, %parallel_loop3A_401 : vector<16xi32>
        %parallel_loop3A_403 = arith.constant 0 : i32
        %parallel_loop3A_404 = vector.broadcast %parallel_loop3A_403 : i32 to vector<16xi32>
        %parallel_loop3A_405 = arith.addi %parallel_loop3A_399, %parallel_loop3A_404 : vector<16xi32>
        %parallel_loop3A_406 = tpu.vector_load_idx %arg8[%parallel_loop3A_405, %parallel_loop3A_402] : memref<512x128xf32, #tpu.memory_space<vmem>>[vector<16xi32>, vector<16xi32>], vector<16xf32>,
        %parallel_loop3A_407 = arith.constant 0 : i32
        %parallel_loop3A_408 = arith.constant 0 : i32
        %parallel_loop3A_409 = arith.index_cast %parallel_loop3A_407 : i32 to index
        %parallel_loop3A_410 = arith.index_cast %parallel_loop3A_166 : i32 to index
        %parallel_loop3A_411 = arith.index_cast %parallel_loop3A_408 : i32 to index
        %parallel_loop3A_412 = arith.constant 64 : index
        %parallel_loop3A_413 = tpu.vector_load %arg9[%parallel_loop3A_409, %parallel_loop3A_410, %parallel_loop3A_411, %parallel_loop3A_412] {strides = array<i32>} : memref<2x32x4x128xf32, #tpu.memory_space<vmem>>, vector<16xf32>,
        tpu.vector_store %arg9[%parallel_loop3A_409, %parallel_loop3A_410, %parallel_loop3A_411, %parallel_loop3A_412], %parallel_loop3A_406 {strides = array<i32>} : memref<2x32x4x128xf32, #tpu.memory_space<vmem>>, vector<16xf32>,
        %parallel_loop3A_414 = arith.constant 64 : i32
        %parallel_loop3A_415 = vector.broadcast %parallel_loop3A_414 : i32 to vector<16xi32>
        %parallel_loop3A_416 = arith.addi %parallel_loop3A_399, %parallel_loop3A_415 : vector<16xi32>
        %parallel_loop3A_417 = tpu.vector_load_idx %arg8[%parallel_loop3A_416, %parallel_loop3A_402] : memref<512x128xf32, #tpu.memory_space<vmem>>[vector<16xi32>, vector<16xi32>], vector<16xf32>,
        %parallel_loop3A_418 = arith.constant 0 : i32
        %parallel_loop3A_419 = arith.constant 1 : i32
        %parallel_loop3A_420 = arith.index_cast %parallel_loop3A_418 : i32 to index
        %parallel_loop3A_421 = arith.index_cast %parallel_loop3A_166 : i32 to index
        %parallel_loop3A_422 = arith.index_cast %parallel_loop3A_419 : i32 to index
        %parallel_loop3A_423 = arith.constant 64 : index
        %parallel_loop3A_424 = tpu.vector_load %arg9[%parallel_loop3A_420, %parallel_loop3A_421, %parallel_loop3A_422, %parallel_loop3A_423] {strides = array<i32>} : memref<2x32x4x128xf32, #tpu.memory_space<vmem>>, vector<16xf32>,
        tpu.vector_store %arg9[%parallel_loop3A_420, %parallel_loop3A_421, %parallel_loop3A_422, %parallel_loop3A_423], %parallel_loop3A_417 {strides = array<i32>} : memref<2x32x4x128xf32, #tpu.memory_space<vmem>>, vector<16xf32>,
        %parallel_loop3A_425 = arith.constant 128 : i32
        %parallel_loop3A_426 = vector.broadcast %parallel_loop3A_425 : i32 to vector<16xi32>
        %parallel_loop3A_427 = arith.addi %parallel_loop3A_399, %parallel_loop3A_426 : vector<16xi32>
        %parallel_loop3A_428 = tpu.vector_load_idx %arg8[%parallel_loop3A_427, %parallel_loop3A_402] : memref<512x128xf32, #tpu.memory_space<vmem>>[vector<16xi32>, vector<16xi32>], vector<16xf32>,
        %parallel_loop3A_429 = arith.constant 0 : i32
        %parallel_loop3A_430 = arith.constant 2 : i32
        %parallel_loop3A_431 = arith.index_cast %parallel_loop3A_429 : i32 to index
        %parallel_loop3A_432 = arith.index_cast %parallel_loop3A_166 : i32 to index
        %parallel_loop3A_433 = arith.index_cast %parallel_loop3A_430 : i32 to index
        %parallel_loop3A_434 = arith.constant 64 : index
        %parallel_loop3A_435 = tpu.vector_load %arg9[%parallel_loop3A_431, %parallel_loop3A_432, %parallel_loop3A_433, %parallel_loop3A_434] {strides = array<i32>} : memref<2x32x4x128xf32, #tpu.memory_space<vmem>>, vector<16xf32>,
        tpu.vector_store %arg9[%parallel_loop3A_431, %parallel_loop3A_432, %parallel_loop3A_433, %parallel_loop3A_434], %parallel_loop3A_428 {strides = array<i32>} : memref<2x32x4x128xf32, #tpu.memory_space<vmem>>, vector<16xf32>,
        %parallel_loop3A_436 = arith.constant 192 : i32
        %parallel_loop3A_437 = vector.broadcast %parallel_loop3A_436 : i32 to vector<16xi32>
        %parallel_loop3A_438 = arith.addi %parallel_loop3A_399, %parallel_loop3A_437 : vector<16xi32>
        %parallel_loop3A_439 = tpu.vector_load_idx %arg8[%parallel_loop3A_438, %parallel_loop3A_402] : memref<512x128xf32, #tpu.memory_space<vmem>>[vector<16xi32>, vector<16xi32>], vector<16xf32>,
        %parallel_loop3A_440 = arith.constant 0 : i32
        %parallel_loop3A_441 = arith.constant 3 : i32
        %parallel_loop3A_442 = arith.index_cast %parallel_loop3A_440 : i32 to index
        %parallel_loop3A_443 = arith.index_cast %parallel_loop3A_166 : i32 to index
        %parallel_loop3A_444 = arith.index_cast %parallel_loop3A_441 : i32 to index
        %parallel_loop3A_445 = arith.constant 64 : index
        %parallel_loop3A_446 = tpu.vector_load %arg9[%parallel_loop3A_442, %parallel_loop3A_443, %parallel_loop3A_444, %parallel_loop3A_445] {strides = array<i32>} : memref<2x32x4x128xf32, #tpu.memory_space<vmem>>, vector<16xf32>,
        tpu.vector_store %arg9[%parallel_loop3A_442, %parallel_loop3A_443, %parallel_loop3A_444, %parallel_loop3A_445], %parallel_loop3A_439 {strides = array<i32>} : memref<2x32x4x128xf32, #tpu.memory_space<vmem>>, vector<16xf32>,
        %parallel_loop3A_447 = arith.constant 128 : i32
        %parallel_loop3A_448 = arith.muli %parallel_loop3A_166, %parallel_loop3A_447 : i32
        %parallel_loop3A_449 = arith.constant 80 : i32
        %parallel_loop3A_450 = arith.addi %parallel_loop3A_448, %parallel_loop3A_449 : i32
        %parallel_loop3A_451 = arith.index_cast %parallel_loop3A_450 : i32 to index
        %parallel_loop3A_452 = tpu.vector_load %arg6[%parallel_loop3A_451] {strides = array<i32>} : memref<4096xi32, #tpu.memory_space<vmem>>, vector<16xi32>,
        %parallel_loop3A_453 = arith.constant 7 : i32
        %parallel_loop3A_454 = vector.broadcast %parallel_loop3A_453 : i32 to vector<16xi32>
        %parallel_loop3A_455 = arith.shrui %parallel_loop3A_452, %parallel_loop3A_454 : vector<16xi32>
        %parallel_loop3A_456 = arith.constant 127 : i32
        %parallel_loop3A_457 = vector.broadcast %parallel_loop3A_456 : i32 to vector<16xi32>
        %parallel_loop3A_458 = arith.andi %parallel_loop3A_452, %parallel_loop3A_457 : vector<16xi32>
        %parallel_loop3A_459 = arith.constant 0 : i32
        %parallel_loop3A_460 = vector.broadcast %parallel_loop3A_459 : i32 to vector<16xi32>
        %parallel_loop3A_461 = arith.addi %parallel_loop3A_455, %parallel_loop3A_460 : vector<16xi32>
        %parallel_loop3A_462 = tpu.vector_load_idx %arg8[%parallel_loop3A_461, %parallel_loop3A_458] : memref<512x128xf32, #tpu.memory_space<vmem>>[vector<16xi32>, vector<16xi32>], vector<16xf32>,
        %parallel_loop3A_463 = arith.constant 0 : i32
        %parallel_loop3A_464 = arith.constant 0 : i32
        %parallel_loop3A_465 = arith.index_cast %parallel_loop3A_463 : i32 to index
        %parallel_loop3A_466 = arith.index_cast %parallel_loop3A_166 : i32 to index
        %parallel_loop3A_467 = arith.index_cast %parallel_loop3A_464 : i32 to index
        %parallel_loop3A_468 = arith.constant 80 : index
        %parallel_loop3A_469 = tpu.vector_load %arg9[%parallel_loop3A_465, %parallel_loop3A_466, %parallel_loop3A_467, %parallel_loop3A_468] {strides = array<i32>} : memref<2x32x4x128xf32, #tpu.memory_space<vmem>>, vector<16xf32>,
        tpu.vector_store %arg9[%parallel_loop3A_465, %parallel_loop3A_466, %parallel_loop3A_467, %parallel_loop3A_468], %parallel_loop3A_462 {strides = array<i32>} : memref<2x32x4x128xf32, #tpu.memory_space<vmem>>, vector<16xf32>,
        %parallel_loop3A_470 = arith.constant 64 : i32
        %parallel_loop3A_471 = vector.broadcast %parallel_loop3A_470 : i32 to vector<16xi32>
        %parallel_loop3A_472 = arith.addi %parallel_loop3A_455, %parallel_loop3A_471 : vector<16xi32>
        %parallel_loop3A_473 = tpu.vector_load_idx %arg8[%parallel_loop3A_472, %parallel_loop3A_458] : memref<512x128xf32, #tpu.memory_space<vmem>>[vector<16xi32>, vector<16xi32>], vector<16xf32>,
        %parallel_loop3A_474 = arith.constant 0 : i32
        %parallel_loop3A_475 = arith.constant 1 : i32
        %parallel_loop3A_476 = arith.index_cast %parallel_loop3A_474 : i32 to index
        %parallel_loop3A_477 = arith.index_cast %parallel_loop3A_166 : i32 to index
        %parallel_loop3A_478 = arith.index_cast %parallel_loop3A_475 : i32 to index
        %parallel_loop3A_479 = arith.constant 80 : index
        %parallel_loop3A_480 = tpu.vector_load %arg9[%parallel_loop3A_476, %parallel_loop3A_477, %parallel_loop3A_478, %parallel_loop3A_479] {strides = array<i32>} : memref<2x32x4x128xf32, #tpu.memory_space<vmem>>, vector<16xf32>,
        tpu.vector_store %arg9[%parallel_loop3A_476, %parallel_loop3A_477, %parallel_loop3A_478, %parallel_loop3A_479], %parallel_loop3A_473 {strides = array<i32>} : memref<2x32x4x128xf32, #tpu.memory_space<vmem>>, vector<16xf32>,
        %parallel_loop3A_481 = arith.constant 128 : i32
        %parallel_loop3A_482 = vector.broadcast %parallel_loop3A_481 : i32 to vector<16xi32>
        %parallel_loop3A_483 = arith.addi %parallel_loop3A_455, %parallel_loop3A_482 : vector<16xi32>
        %parallel_loop3A_484 = tpu.vector_load_idx %arg8[%parallel_loop3A_483, %parallel_loop3A_458] : memref<512x128xf32, #tpu.memory_space<vmem>>[vector<16xi32>, vector<16xi32>], vector<16xf32>,
        %parallel_loop3A_485 = arith.constant 0 : i32
        %parallel_loop3A_486 = arith.constant 2 : i32
        %parallel_loop3A_487 = arith.index_cast %parallel_loop3A_485 : i32 to index
        %parallel_loop3A_488 = arith.index_cast %parallel_loop3A_166 : i32 to index
        %parallel_loop3A_489 = arith.index_cast %parallel_loop3A_486 : i32 to index
        %parallel_loop3A_490 = arith.constant 80 : index
        %parallel_loop3A_491 = tpu.vector_load %arg9[%parallel_loop3A_487, %parallel_loop3A_488, %parallel_loop3A_489, %parallel_loop3A_490] {strides = array<i32>} : memref<2x32x4x128xf32, #tpu.memory_space<vmem>>, vector<16xf32>,
        tpu.vector_store %arg9[%parallel_loop3A_487, %parallel_loop3A_488, %parallel_loop3A_489, %parallel_loop3A_490], %parallel_loop3A_484 {strides = array<i32>} : memref<2x32x4x128xf32, #tpu.memory_space<vmem>>, vector<16xf32>,
        %parallel_loop3A_492 = arith.constant 192 : i32
        %parallel_loop3A_493 = vector.broadcast %parallel_loop3A_492 : i32 to vector<16xi32>
        %parallel_loop3A_494 = arith.addi %parallel_loop3A_455, %parallel_loop3A_493 : vector<16xi32>
        %parallel_loop3A_495 = tpu.vector_load_idx %arg8[%parallel_loop3A_494, %parallel_loop3A_458] : memref<512x128xf32, #tpu.memory_space<vmem>>[vector<16xi32>, vector<16xi32>], vector<16xf32>,
        %parallel_loop3A_496 = arith.constant 0 : i32
        %parallel_loop3A_497 = arith.constant 3 : i32
        %parallel_loop3A_498 = arith.index_cast %parallel_loop3A_496 : i32 to index
        %parallel_loop3A_499 = arith.index_cast %parallel_loop3A_166 : i32 to index
        %parallel_loop3A_500 = arith.index_cast %parallel_loop3A_497 : i32 to index
        %parallel_loop3A_501 = arith.constant 80 : index
        %parallel_loop3A_502 = tpu.vector_load %arg9[%parallel_loop3A_498, %parallel_loop3A_499, %parallel_loop3A_500, %parallel_loop3A_501] {strides = array<i32>} : memref<2x32x4x128xf32, #tpu.memory_space<vmem>>, vector<16xf32>,
        tpu.vector_store %arg9[%parallel_loop3A_498, %parallel_loop3A_499, %parallel_loop3A_500, %parallel_loop3A_501], %parallel_loop3A_495 {strides = array<i32>} : memref<2x32x4x128xf32, #tpu.memory_space<vmem>>, vector<16xf32>,
        %parallel_loop3A_503 = arith.constant 128 : i32
        %parallel_loop3A_504 = arith.muli %parallel_loop3A_166, %parallel_loop3A_503 : i32
        %parallel_loop3A_505 = arith.constant 96 : i32
        %parallel_loop3A_506 = arith.addi %parallel_loop3A_504, %parallel_loop3A_505 : i32
        %parallel_loop3A_507 = arith.index_cast %parallel_loop3A_506 : i32 to index
        %parallel_loop3A_508 = tpu.vector_load %arg6[%parallel_loop3A_507] {strides = array<i32>} : memref<4096xi32, #tpu.memory_space<vmem>>, vector<16xi32>,
        %parallel_loop3A_509 = arith.constant 7 : i32
        %parallel_loop3A_510 = vector.broadcast %parallel_loop3A_509 : i32 to vector<16xi32>
        %parallel_loop3A_511 = arith.shrui %parallel_loop3A_508, %parallel_loop3A_510 : vector<16xi32>
        %parallel_loop3A_512 = arith.constant 127 : i32
        %parallel_loop3A_513 = vector.broadcast %parallel_loop3A_512 : i32 to vector<16xi32>
        %parallel_loop3A_514 = arith.andi %parallel_loop3A_508, %parallel_loop3A_513 : vector<16xi32>
        %parallel_loop3A_515 = arith.constant 0 : i32
        %parallel_loop3A_516 = vector.broadcast %parallel_loop3A_515 : i32 to vector<16xi32>
        %parallel_loop3A_517 = arith.addi %parallel_loop3A_511, %parallel_loop3A_516 : vector<16xi32>
        %parallel_loop3A_518 = tpu.vector_load_idx %arg8[%parallel_loop3A_517, %parallel_loop3A_514] : memref<512x128xf32, #tpu.memory_space<vmem>>[vector<16xi32>, vector<16xi32>], vector<16xf32>,
        %parallel_loop3A_519 = arith.constant 0 : i32
        %parallel_loop3A_520 = arith.constant 0 : i32
        %parallel_loop3A_521 = arith.index_cast %parallel_loop3A_519 : i32 to index
        %parallel_loop3A_522 = arith.index_cast %parallel_loop3A_166 : i32 to index
        %parallel_loop3A_523 = arith.index_cast %parallel_loop3A_520 : i32 to index
        %parallel_loop3A_524 = arith.constant 96 : index
        %parallel_loop3A_525 = tpu.vector_load %arg9[%parallel_loop3A_521, %parallel_loop3A_522, %parallel_loop3A_523, %parallel_loop3A_524] {strides = array<i32>} : memref<2x32x4x128xf32, #tpu.memory_space<vmem>>, vector<16xf32>,
        tpu.vector_store %arg9[%parallel_loop3A_521, %parallel_loop3A_522, %parallel_loop3A_523, %parallel_loop3A_524], %parallel_loop3A_518 {strides = array<i32>} : memref<2x32x4x128xf32, #tpu.memory_space<vmem>>, vector<16xf32>,
        %parallel_loop3A_526 = arith.constant 64 : i32
        %parallel_loop3A_527 = vector.broadcast %parallel_loop3A_526 : i32 to vector<16xi32>
        %parallel_loop3A_528 = arith.addi %parallel_loop3A_511, %parallel_loop3A_527 : vector<16xi32>
        %parallel_loop3A_529 = tpu.vector_load_idx %arg8[%parallel_loop3A_528, %parallel_loop3A_514] : memref<512x128xf32, #tpu.memory_space<vmem>>[vector<16xi32>, vector<16xi32>], vector<16xf32>,
        %parallel_loop3A_530 = arith.constant 0 : i32
        %parallel_loop3A_531 = arith.constant 1 : i32
        %parallel_loop3A_532 = arith.index_cast %parallel_loop3A_530 : i32 to index
        %parallel_loop3A_533 = arith.index_cast %parallel_loop3A_166 : i32 to index
        %parallel_loop3A_534 = arith.index_cast %parallel_loop3A_531 : i32 to index
        %parallel_loop3A_535 = arith.constant 96 : index
        %parallel_loop3A_536 = tpu.vector_load %arg9[%parallel_loop3A_532, %parallel_loop3A_533, %parallel_loop3A_534, %parallel_loop3A_535] {strides = array<i32>} : memref<2x32x4x128xf32, #tpu.memory_space<vmem>>, vector<16xf32>,
        tpu.vector_store %arg9[%parallel_loop3A_532, %parallel_loop3A_533, %parallel_loop3A_534, %parallel_loop3A_535], %parallel_loop3A_529 {strides = array<i32>} : memref<2x32x4x128xf32, #tpu.memory_space<vmem>>, vector<16xf32>,
        %parallel_loop3A_537 = arith.constant 128 : i32
        %parallel_loop3A_538 = vector.broadcast %parallel_loop3A_537 : i32 to vector<16xi32>
        %parallel_loop3A_539 = arith.addi %parallel_loop3A_511, %parallel_loop3A_538 : vector<16xi32>
        %parallel_loop3A_540 = tpu.vector_load_idx %arg8[%parallel_loop3A_539, %parallel_loop3A_514] : memref<512x128xf32, #tpu.memory_space<vmem>>[vector<16xi32>, vector<16xi32>], vector<16xf32>,
        %parallel_loop3A_541 = arith.constant 0 : i32
        %parallel_loop3A_542 = arith.constant 2 : i32
        %parallel_loop3A_543 = arith.index_cast %parallel_loop3A_541 : i32 to index
        %parallel_loop3A_544 = arith.index_cast %parallel_loop3A_166 : i32 to index
        %parallel_loop3A_545 = arith.index_cast %parallel_loop3A_542 : i32 to index
        %parallel_loop3A_546 = arith.constant 96 : index
        %parallel_loop3A_547 = tpu.vector_load %arg9[%parallel_loop3A_543, %parallel_loop3A_544, %parallel_loop3A_545, %parallel_loop3A_546] {strides = array<i32>} : memref<2x32x4x128xf32, #tpu.memory_space<vmem>>, vector<16xf32>,
        tpu.vector_store %arg9[%parallel_loop3A_543, %parallel_loop3A_544, %parallel_loop3A_545, %parallel_loop3A_546], %parallel_loop3A_540 {strides = array<i32>} : memref<2x32x4x128xf32, #tpu.memory_space<vmem>>, vector<16xf32>,
        %parallel_loop3A_548 = arith.constant 192 : i32
        %parallel_loop3A_549 = vector.broadcast %parallel_loop3A_548 : i32 to vector<16xi32>
        %parallel_loop3A_550 = arith.addi %parallel_loop3A_511, %parallel_loop3A_549 : vector<16xi32>
        %parallel_loop3A_551 = tpu.vector_load_idx %arg8[%parallel_loop3A_550, %parallel_loop3A_514] : memref<512x128xf32, #tpu.memory_space<vmem>>[vector<16xi32>, vector<16xi32>], vector<16xf32>,
        %parallel_loop3A_552 = arith.constant 0 : i32
        %parallel_loop3A_553 = arith.constant 3 : i32
        %parallel_loop3A_554 = arith.index_cast %parallel_loop3A_552 : i32 to index
        %parallel_loop3A_555 = arith.index_cast %parallel_loop3A_166 : i32 to index
        %parallel_loop3A_556 = arith.index_cast %parallel_loop3A_553 : i32 to index
        %parallel_loop3A_557 = arith.constant 96 : index
        %parallel_loop3A_558 = tpu.vector_load %arg9[%parallel_loop3A_554, %parallel_loop3A_555, %parallel_loop3A_556, %parallel_loop3A_557] {strides = array<i32>} : memref<2x32x4x128xf32, #tpu.memory_space<vmem>>, vector<16xf32>,
        tpu.vector_store %arg9[%parallel_loop3A_554, %parallel_loop3A_555, %parallel_loop3A_556, %parallel_loop3A_557], %parallel_loop3A_551 {strides = array<i32>} : memref<2x32x4x128xf32, #tpu.memory_space<vmem>>, vector<16xf32>,
        %parallel_loop3A_559 = arith.constant 128 : i32
        %parallel_loop3A_560 = arith.muli %parallel_loop3A_166, %parallel_loop3A_559 : i32
        %parallel_loop3A_561 = arith.constant 112 : i32
        %parallel_loop3A_562 = arith.addi %parallel_loop3A_560, %parallel_loop3A_561 : i32
        %parallel_loop3A_563 = arith.index_cast %parallel_loop3A_562 : i32 to index
        %parallel_loop3A_564 = tpu.vector_load %arg6[%parallel_loop3A_563] {strides = array<i32>} : memref<4096xi32, #tpu.memory_space<vmem>>, vector<16xi32>,
        %parallel_loop3A_565 = arith.constant 7 : i32
        %parallel_loop3A_566 = vector.broadcast %parallel_loop3A_565 : i32 to vector<16xi32>
        %parallel_loop3A_567 = arith.shrui %parallel_loop3A_564, %parallel_loop3A_566 : vector<16xi32>
        %parallel_loop3A_568 = arith.constant 127 : i32
        %parallel_loop3A_569 = vector.broadcast %parallel_loop3A_568 : i32 to vector<16xi32>
        %parallel_loop3A_570 = arith.andi %parallel_loop3A_564, %parallel_loop3A_569 : vector<16xi32>
        %parallel_loop3A_571 = arith.constant 0 : i32
        %parallel_loop3A_572 = vector.broadcast %parallel_loop3A_571 : i32 to vector<16xi32>
        %parallel_loop3A_573 = arith.addi %parallel_loop3A_567, %parallel_loop3A_572 : vector<16xi32>
        %parallel_loop3A_574 = tpu.vector_load_idx %arg8[%parallel_loop3A_573, %parallel_loop3A_570] : memref<512x128xf32, #tpu.memory_space<vmem>>[vector<16xi32>, vector<16xi32>], vector<16xf32>,
        %parallel_loop3A_575 = arith.constant 0 : i32
        %parallel_loop3A_576 = arith.constant 0 : i32
        %parallel_loop3A_577 = arith.index_cast %parallel_loop3A_575 : i32 to index
        %parallel_loop3A_578 = arith.index_cast %parallel_loop3A_166 : i32 to index
        %parallel_loop3A_579 = arith.index_cast %parallel_loop3A_576 : i32 to index
        %parallel_loop3A_580 = arith.constant 112 : index
        %parallel_loop3A_581 = tpu.vector_load %arg9[%parallel_loop3A_577, %parallel_loop3A_578, %parallel_loop3A_579, %parallel_loop3A_580] {strides = array<i32>} : memref<2x32x4x128xf32, #tpu.memory_space<vmem>>, vector<16xf32>,
        tpu.vector_store %arg9[%parallel_loop3A_577, %parallel_loop3A_578, %parallel_loop3A_579, %parallel_loop3A_580], %parallel_loop3A_574 {strides = array<i32>} : memref<2x32x4x128xf32, #tpu.memory_space<vmem>>, vector<16xf32>,
        %parallel_loop3A_582 = arith.constant 64 : i32
        %parallel_loop3A_583 = vector.broadcast %parallel_loop3A_582 : i32 to vector<16xi32>
        %parallel_loop3A_584 = arith.addi %parallel_loop3A_567, %parallel_loop3A_583 : vector<16xi32>
        %parallel_loop3A_585 = tpu.vector_load_idx %arg8[%parallel_loop3A_584, %parallel_loop3A_570] : memref<512x128xf32, #tpu.memory_space<vmem>>[vector<16xi32>, vector<16xi32>], vector<16xf32>,
        %parallel_loop3A_586 = arith.constant 0 : i32
        %parallel_loop3A_587 = arith.constant 1 : i32
        %parallel_loop3A_588 = arith.index_cast %parallel_loop3A_586 : i32 to index
        %parallel_loop3A_589 = arith.index_cast %parallel_loop3A_166 : i32 to index
        %parallel_loop3A_590 = arith.index_cast %parallel_loop3A_587 : i32 to index
        %parallel_loop3A_591 = arith.constant 112 : index
        %parallel_loop3A_592 = tpu.vector_load %arg9[%parallel_loop3A_588, %parallel_loop3A_589, %parallel_loop3A_590, %parallel_loop3A_591] {strides = array<i32>} : memref<2x32x4x128xf32, #tpu.memory_space<vmem>>, vector<16xf32>,
        tpu.vector_store %arg9[%parallel_loop3A_588, %parallel_loop3A_589, %parallel_loop3A_590, %parallel_loop3A_591], %parallel_loop3A_585 {strides = array<i32>} : memref<2x32x4x128xf32, #tpu.memory_space<vmem>>, vector<16xf32>,
        %parallel_loop3A_593 = arith.constant 128 : i32
        %parallel_loop3A_594 = vector.broadcast %parallel_loop3A_593 : i32 to vector<16xi32>
        %parallel_loop3A_595 = arith.addi %parallel_loop3A_567, %parallel_loop3A_594 : vector<16xi32>
        %parallel_loop3A_596 = tpu.vector_load_idx %arg8[%parallel_loop3A_595, %parallel_loop3A_570] : memref<512x128xf32, #tpu.memory_space<vmem>>[vector<16xi32>, vector<16xi32>], vector<16xf32>,
        %parallel_loop3A_597 = arith.constant 0 : i32
        %parallel_loop3A_598 = arith.constant 2 : i32
        %parallel_loop3A_599 = arith.index_cast %parallel_loop3A_597 : i32 to index
        %parallel_loop3A_600 = arith.index_cast %parallel_loop3A_166 : i32 to index
        %parallel_loop3A_601 = arith.index_cast %parallel_loop3A_598 : i32 to index
        %parallel_loop3A_602 = arith.constant 112 : index
        %parallel_loop3A_603 = tpu.vector_load %arg9[%parallel_loop3A_599, %parallel_loop3A_600, %parallel_loop3A_601, %parallel_loop3A_602] {strides = array<i32>} : memref<2x32x4x128xf32, #tpu.memory_space<vmem>>, vector<16xf32>,
        tpu.vector_store %arg9[%parallel_loop3A_599, %parallel_loop3A_600, %parallel_loop3A_601, %parallel_loop3A_602], %parallel_loop3A_596 {strides = array<i32>} : memref<2x32x4x128xf32, #tpu.memory_space<vmem>>, vector<16xf32>,
        %parallel_loop3A_604 = arith.constant 192 : i32
        %parallel_loop3A_605 = vector.broadcast %parallel_loop3A_604 : i32 to vector<16xi32>
        %parallel_loop3A_606 = arith.addi %parallel_loop3A_567, %parallel_loop3A_605 : vector<16xi32>
        %parallel_loop3A_607 = tpu.vector_load_idx %arg8[%parallel_loop3A_606, %parallel_loop3A_570] : memref<512x128xf32, #tpu.memory_space<vmem>>[vector<16xi32>, vector<16xi32>], vector<16xf32>,
        %parallel_loop3A_608 = arith.constant 0 : i32
        %parallel_loop3A_609 = arith.constant 3 : i32
        %parallel_loop3A_610 = arith.index_cast %parallel_loop3A_608 : i32 to index
        %parallel_loop3A_611 = arith.index_cast %parallel_loop3A_166 : i32 to index
        %parallel_loop3A_612 = arith.index_cast %parallel_loop3A_609 : i32 to index
        %parallel_loop3A_613 = arith.constant 112 : index
        %parallel_loop3A_614 = tpu.vector_load %arg9[%parallel_loop3A_610, %parallel_loop3A_611, %parallel_loop3A_612, %parallel_loop3A_613] {strides = array<i32>} : memref<2x32x4x128xf32, #tpu.memory_space<vmem>>, vector<16xf32>,
        tpu.vector_store %arg9[%parallel_loop3A_610, %parallel_loop3A_611, %parallel_loop3A_612, %parallel_loop3A_613], %parallel_loop3A_607 {strides = array<i32>} : memref<2x32x4x128xf32, #tpu.memory_space<vmem>>, vector<16xf32>,
      } {sc.loop_unroll_factor = 2 : i64, sc.parallel_access}
      %mul3A_90 = arith.constant 16 : i32
      %mul3A_91 = arith.muli %add3A, %mul3A_90 : i32
      %add3A_92 = arith.addi %mul3A_91, %scan3A_66 : i32
      %dma_start3A_93 = arith.constant 0 : i32
      %dma_start3A_94 = arith.constant 0 : i32
      %dma_start3A_95 = arith.constant 0 : i32
      %dma_start3A_96 = arith.constant 0 : i32
      %dma_start3A_97 = tpu.memref_slice %arg9[%dma_start3A_93, %dma_start3A_94, %dma_start3A_95, %dma_start3A_96] : memref<2x32x4x128xf32, #tpu.memory_space<vmem>> -> memref<1x32x4x128xf32, #tpu.memory_space<vmem>>
      %dma_start3A_98 = tpu.memref_squeeze %dma_start3A_97 : memref<1x32x4x128xf32, #tpu.memory_space<vmem>> -> memref<32x4x128xf32, #tpu.memory_space<vmem>>
      %dma_start3A_99 = arith.constant 0 : i32
      %dma_start3A_100 = arith.constant 0 : i32
      %dma_start3A_101 = arith.constant 0 : i32
      %dma_start3A_102 = tpu.memref_slice %arg5[%add3A_92, %dma_start3A_99, %dma_start3A_100, %dma_start3A_101] : memref<512x32x8x128xf32, #tpu.memory_space<hbm>> -> memref<1x32x4x128xf32, #tpu.memory_space<hbm>>
      %dma_start3A_103 = tpu.memref_squeeze %dma_start3A_102 : memref<1x32x4x128xf32, #tpu.memory_space<hbm>> -> memref<32x4x128xf32, #tpu.memory_space<hbm>>
      %dma_start3A_104 = arith.constant 0 : i32
      %dma_start3A_105 = arith.constant 0 : i32
      %dma_start3A_106 = arith.constant 0 : i32
      %dma_start3A_107 = tpu.memref_slice %arg5[%add3A_92, %dma_start3A_104, %dma_start3A_105, %dma_start3A_106] : memref<512x32x8x128xf32, #tpu.memory_space<hbm>> -> memref<1x32x4x128xf32, #tpu.memory_space<hbm>>
      %dma_start3A_108 = tpu.memref_squeeze %dma_start3A_107 : memref<1x32x4x128xf32, #tpu.memory_space<hbm>> -> memref<32x4x128xf32, #tpu.memory_space<hbm>>
      %dma_start3A_109 = arith.constant 0 : i32
      %dma_start3A_110 = arith.constant 0 : i32
      %dma_start3A_111 = arith.constant 0 : i32
      %dma_start3A_112 = tpu.memref_slice %arg9[%dma_start3A_93, %dma_start3A_109, %dma_start3A_110, %dma_start3A_111] : memref<2x32x4x128xf32, #tpu.memory_space<vmem>> -> memref<1x32x4x128xf32, #tpu.memory_space<vmem>>
      %dma_start3A_113 = tpu.memref_squeeze %dma_start3A_112 : memref<1x32x4x128xf32, #tpu.memory_space<vmem>> -> memref<32x4x128xf32, #tpu.memory_space<vmem>>
      tpu.enqueue_dma source(%dma_start3A_113 : memref<32x4x128xf32, #tpu.memory_space<vmem>>) target(%dma_start3A_108 : memref<32x4x128xf32, #tpu.memory_space<hbm>>) target_semaphore(%arg12 : memref<!tpu.dma_semaphore, #tpu.memory_space<semaphore_mem>>)
      %mul3A_114 = arith.constant 2 : i32
      %mul3A_115 = arith.muli %mul3A_114, %scan3A_66 : i32
      %add3A_116 = arith.constant 1 : i32
      %add3A_117 = arith.addi %mul3A_115, %add3A_116 : i32
      %add3A_118 = arith.constant 1 : i32
      %add3A_119 = arith.addi %add3A_117, %add3A_118 : i32
      %lt3A_120 = arith.constant 32 : i32
      %lt3A_121 = arith.cmpi slt, %add3A_119, %lt3A_120 : i32
      %convert_element_type3A_122 = arith.extui %lt3A_121 : i1 to i32
      %cond3A_123 = arith.constant 0 : i32
      %cond3A_124 = arith.cmpi ne, %convert_element_type3A_122, %cond3A_123 : i32
      scf.if %cond3A_124 {
        %add3A_166 = arith.constant 1 : i32
        %add3A_167 = arith.addi %add3A_117, %add3A_166 : i32
        %dma_start3A_168 = arith.constant 0 : i32
        %dma_start3A_169 = arith.constant 0 : i32
        %dma_start3A_170 = tpu.memref_slice %arg8[%dma_start3A_168, %dma_start3A_169] : memref<512x128xf32, #tpu.memory_space<vmem>> -> memref<256x128xf32, #tpu.memory_space<vmem>>
        %dma_start3A_171 = arith.constant 0 : i32
        %dma_start3A_172 = tpu.memref_slice %arg7[%add3A_167, %dma_start3A_171] : memref<32x256xi32, #tpu.memory_space<vmem>> -> memref<1x256xi32, #tpu.memory_space<vmem>>
        %dma_start3A_173 = tpu.memref_squeeze %dma_start3A_172 : memref<1x256xi32, #tpu.memory_space<vmem>> -> memref<256xi32, #tpu.memory_space<vmem>>
        %dma_start3A_174 = arith.constant 0 : i32
        %dma_start3A_175 = arith.constant 0 : i32
        %dma_start3A_176 = tpu.memref_slice %arg4[%dma_start3A_174, %dma_start3A_175] : memref<524288x128xf32, #tpu.memory_space<hbm>> -> memref<524288x128xf32, #tpu.memory_space<hbm>>
        tpu.enqueue_indirect_dma source(%dma_start3A_176 : memref<524288x128xf32, #tpu.memory_space<hbm>>) target(%dma_start3A_170 : memref<256x128xf32, #tpu.memory_space<vmem>>) offsets(%dma_start3A_173 : memref<256xi32, #tpu.memory_space<vmem>>) semaphore(%arg10 : memref<!tpu.dma_semaphore, #tpu.memory_space<semaphore_mem>>)
      } else {
      }
      %dma_wait3A_125 = arith.constant 256 : i32
      %dma_wait3A_126 = arith.constant 0 : i32
      %dma_wait3A_127 = tpu.memref_slice %arg8[%dma_wait3A_125, %dma_wait3A_126] : memref<512x128xf32, #tpu.memory_space<vmem>> -> memref<256x128xf32, #tpu.memory_space<vmem>>
      %dma_wait3A_128 = arith.constant 0 : i32
      %dma_wait3A_129 = tpu.memref_slice %arg7[%add3A_117, %dma_wait3A_128] : memref<32x256xi32, #tpu.memory_space<vmem>> -> memref<1x256xi32, #tpu.memory_space<vmem>>
      %dma_wait3A_130 = tpu.memref_squeeze %dma_wait3A_129 : memref<1x256xi32, #tpu.memory_space<vmem>> -> memref<256xi32, #tpu.memory_space<vmem>>
      %dma_wait3A_131 = arith.constant 0 : i32
      %dma_wait3A_132 = arith.constant 0 : i32
      %dma_wait3A_133 = tpu.memref_slice %arg4[%dma_wait3A_131, %dma_wait3A_132] : memref<524288x128xf32, #tpu.memory_space<hbm>> -> memref<524288x128xf32, #tpu.memory_space<hbm>>
      tpu.wait_indirect_dma semaphore(%arg11 : memref<!tpu.dma_semaphore, #tpu.memory_space<semaphore_mem>>) src(%dma_wait3A_133 : memref<524288x128xf32, #tpu.memory_space<hbm>>) dst(%dma_wait3A_127 : memref<256x128xf32, #tpu.memory_space<vmem>>)
      %ge3A_134 = arith.constant 2 : i32
      %ge3A_135 = arith.cmpi sge, %add3A_117, %ge3A_134 : i32
      %convert_element_type3A_136 = arith.extui %ge3A_135 : i1 to i32
      %cond3A_137 = arith.constant 0 : i32
      %cond3A_138 = arith.cmpi ne, %convert_element_type3A_136, %cond3A_137 : i32
      scf.if %cond3A_138 {
        %sub3A = arith.constant 1 : i32
        %sub3A_166 = arith.subi %scan3A_66, %sub3A : i32
        %mul3A_167 = arith.constant 16 : i32
        %mul3A_168 = arith.muli %add3A, %mul3A_167 : i32
        %add3A_169 = arith.addi %mul3A_168, %sub3A_166 : i32
        %dma_wait3A_170 = arith.constant 1 : i32
        %dma_wait3A_171 = arith.constant 0 : i32
        %dma_wait3A_172 = arith.constant 0 : i32
        %dma_wait3A_173 = arith.constant 0 : i32
        %dma_wait3A_174 = tpu.memref_slice %arg9[%dma_wait3A_170, %dma_wait3A_171, %dma_wait3A_172, %dma_wait3A_173] : memref<2x32x4x128xf32, #tpu.memory_space<vmem>> -> memref<1x32x4x128xf32, #tpu.memory_space<vmem>>
        %dma_wait3A_175 = tpu.memref_squeeze %dma_wait3A_174 : memref<1x32x4x128xf32, #tpu.memory_space<vmem>> -> memref<32x4x128xf32, #tpu.memory_space<vmem>>
        %dma_wait3A_176 = arith.constant 0 : i32
        %dma_wait3A_177 = arith.constant 4 : i32
        %dma_wait3A_178 = arith.constant 0 : i32
        %dma_wait3A_179 = tpu.memref_slice %arg5[%add3A_169, %dma_wait3A_176, %dma_wait3A_177, %dma_wait3A_178] : memref<512x32x8x128xf32, #tpu.memory_space<hbm>> -> memref<1x32x4x128xf32, #tpu.memory_space<hbm>>
        %dma_wait3A_180 = tpu.memref_squeeze %dma_wait3A_179 : memref<1x32x4x128xf32, #tpu.memory_space<hbm>> -> memref<32x4x128xf32, #tpu.memory_space<hbm>>
        %dma_wait3A_181 = arith.constant 0 : i32
        %dma_wait3A_182 = arith.constant 4 : i32
        %dma_wait3A_183 = arith.constant 0 : i32
        %dma_wait3A_184 = tpu.memref_slice %arg5[%add3A_169, %dma_wait3A_181, %dma_wait3A_182, %dma_wait3A_183] : memref<512x32x8x128xf32, #tpu.memory_space<hbm>> -> memref<1x32x4x128xf32, #tpu.memory_space<hbm>>
        %dma_wait3A_185 = tpu.memref_squeeze %dma_wait3A_184 : memref<1x32x4x128xf32, #tpu.memory_space<hbm>> -> memref<32x4x128xf32, #tpu.memory_space<hbm>>
        %dma_wait3A_186 = arith.constant 0 : i32
        %dma_wait3A_187 = arith.constant 0 : i32
        %dma_wait3A_188 = arith.constant 0 : i32
        %dma_wait3A_189 = tpu.memref_slice %arg9[%dma_wait3A_170, %dma_wait3A_186, %dma_wait3A_187, %dma_wait3A_188] : memref<2x32x4x128xf32, #tpu.memory_space<vmem>> -> memref<1x32x4x128xf32, #tpu.memory_space<vmem>>
        %dma_wait3A_190 = tpu.memref_squeeze %dma_wait3A_189 : memref<1x32x4x128xf32, #tpu.memory_space<vmem>> -> memref<32x4x128xf32, #tpu.memory_space<vmem>>
        tpu.wait_dma2 semaphore(%arg13 : memref<!tpu.dma_semaphore, #tpu.memory_space<semaphore_mem>>) src(%dma_wait3A_190 : memref<32x4x128xf32, #tpu.memory_space<vmem>>) dst(%dma_wait3A_185 : memref<32x4x128xf32, #tpu.memory_space<hbm>>)
      } else {
      }
      %parallel_loop3A_139 = arith.constant 0 : i32
      %parallel_loop3A_140 = arith.constant 32 : i32
      %parallel_loop3A_141 = arith.constant 1 : i32
      scf.for %parallel_loop3A_166 = %parallel_loop3A_139 to %parallel_loop3A_140 step %parallel_loop3A_141  : i32 {
        %parallel_loop3A_167 = arith.constant 128 : i32
        %parallel_loop3A_168 = arith.muli %parallel_loop3A_166, %parallel_loop3A_167 : i32
        %parallel_loop3A_169 = arith.constant 0 : i32
        %parallel_loop3A_170 = arith.addi %parallel_loop3A_168, %parallel_loop3A_169 : i32
        %parallel_loop3A_171 = arith.index_cast %parallel_loop3A_170 : i32 to index
        %parallel_loop3A_172 = tpu.vector_load %arg6[%parallel_loop3A_171] {strides = array<i32>} : memref<4096xi32, #tpu.memory_space<vmem>>, vector<16xi32>,
        %parallel_loop3A_173 = arith.constant 7 : i32
        %parallel_loop3A_174 = vector.broadcast %parallel_loop3A_173 : i32 to vector<16xi32>
        %parallel_loop3A_175 = arith.shrui %parallel_loop3A_172, %parallel_loop3A_174 : vector<16xi32>
        %parallel_loop3A_176 = arith.constant 127 : i32
        %parallel_loop3A_177 = vector.broadcast %parallel_loop3A_176 : i32 to vector<16xi32>
        %parallel_loop3A_178 = arith.andi %parallel_loop3A_172, %parallel_loop3A_177 : vector<16xi32>
        %parallel_loop3A_179 = arith.constant 256 : i32
        %parallel_loop3A_180 = vector.broadcast %parallel_loop3A_179 : i32 to vector<16xi32>
        %parallel_loop3A_181 = arith.addi %parallel_loop3A_175, %parallel_loop3A_180 : vector<16xi32>
        %parallel_loop3A_182 = tpu.vector_load_idx %arg8[%parallel_loop3A_181, %parallel_loop3A_178] : memref<512x128xf32, #tpu.memory_space<vmem>>[vector<16xi32>, vector<16xi32>], vector<16xf32>,
        %parallel_loop3A_183 = arith.constant 1 : i32
        %parallel_loop3A_184 = arith.constant 0 : i32
        %parallel_loop3A_185 = arith.index_cast %parallel_loop3A_183 : i32 to index
        %parallel_loop3A_186 = arith.index_cast %parallel_loop3A_166 : i32 to index
        %parallel_loop3A_187 = arith.index_cast %parallel_loop3A_184 : i32 to index
        %parallel_loop3A_188 = arith.constant 0 : index
        %parallel_loop3A_189 = tpu.vector_load %arg9[%parallel_loop3A_185, %parallel_loop3A_186, %parallel_loop3A_187, %parallel_loop3A_188] {strides = array<i32>} : memref<2x32x4x128xf32, #tpu.memory_space<vmem>>, vector<16xf32>,
        tpu.vector_store %arg9[%parallel_loop3A_185, %parallel_loop3A_186, %parallel_loop3A_187, %parallel_loop3A_188], %parallel_loop3A_182 {strides = array<i32>} : memref<2x32x4x128xf32, #tpu.memory_space<vmem>>, vector<16xf32>,
        %parallel_loop3A_190 = arith.constant 320 : i32
        %parallel_loop3A_191 = vector.broadcast %parallel_loop3A_190 : i32 to vector<16xi32>
        %parallel_loop3A_192 = arith.addi %parallel_loop3A_175, %parallel_loop3A_191 : vector<16xi32>
        %parallel_loop3A_193 = tpu.vector_load_idx %arg8[%parallel_loop3A_192, %parallel_loop3A_178] : memref<512x128xf32, #tpu.memory_space<vmem>>[vector<16xi32>, vector<16xi32>], vector<16xf32>,
        %parallel_loop3A_194 = arith.constant 1 : i32
        %parallel_loop3A_195 = arith.constant 1 : i32
        %parallel_loop3A_196 = arith.index_cast %parallel_loop3A_194 : i32 to index
        %parallel_loop3A_197 = arith.index_cast %parallel_loop3A_166 : i32 to index
        %parallel_loop3A_198 = arith.index_cast %parallel_loop3A_195 : i32 to index
        %parallel_loop3A_199 = arith.constant 0 : index
        %parallel_loop3A_200 = tpu.vector_load %arg9[%parallel_loop3A_196, %parallel_loop3A_197, %parallel_loop3A_198, %parallel_loop3A_199] {strides = array<i32>} : memref<2x32x4x128xf32, #tpu.memory_space<vmem>>, vector<16xf32>,
        tpu.vector_store %arg9[%parallel_loop3A_196, %parallel_loop3A_197, %parallel_loop3A_198, %parallel_loop3A_199], %parallel_loop3A_193 {strides = array<i32>} : memref<2x32x4x128xf32, #tpu.memory_space<vmem>>, vector<16xf32>,
        %parallel_loop3A_201 = arith.constant 384 : i32
        %parallel_loop3A_202 = vector.broadcast %parallel_loop3A_201 : i32 to vector<16xi32>
        %parallel_loop3A_203 = arith.addi %parallel_loop3A_175, %parallel_loop3A_202 : vector<16xi32>
        %parallel_loop3A_204 = tpu.vector_load_idx %arg8[%parallel_loop3A_203, %parallel_loop3A_178] : memref<512x128xf32, #tpu.memory_space<vmem>>[vector<16xi32>, vector<16xi32>], vector<16xf32>,
        %parallel_loop3A_205 = arith.constant 1 : i32
        %parallel_loop3A_206 = arith.constant 2 : i32
        %parallel_loop3A_207 = arith.index_cast %parallel_loop3A_205 : i32 to index
        %parallel_loop3A_208 = arith.index_cast %parallel_loop3A_166 : i32 to index
        %parallel_loop3A_209 = arith.index_cast %parallel_loop3A_206 : i32 to index
        %parallel_loop3A_210 = arith.constant 0 : index
        %parallel_loop3A_211 = tpu.vector_load %arg9[%parallel_loop3A_207, %parallel_loop3A_208, %parallel_loop3A_209, %parallel_loop3A_210] {strides = array<i32>} : memref<2x32x4x128xf32, #tpu.memory_space<vmem>>, vector<16xf32>,
        tpu.vector_store %arg9[%parallel_loop3A_207, %parallel_loop3A_208, %parallel_loop3A_209, %parallel_loop3A_210], %parallel_loop3A_204 {strides = array<i32>} : memref<2x32x4x128xf32, #tpu.memory_space<vmem>>, vector<16xf32>,
        %parallel_loop3A_212 = arith.constant 448 : i32
        %parallel_loop3A_213 = vector.broadcast %parallel_loop3A_212 : i32 to vector<16xi32>
        %parallel_loop3A_214 = arith.addi %parallel_loop3A_175, %parallel_loop3A_213 : vector<16xi32>
        %parallel_loop3A_215 = tpu.vector_load_idx %arg8[%parallel_loop3A_214, %parallel_loop3A_178] : memref<512x128xf32, #tpu.memory_space<vmem>>[vector<16xi32>, vector<16xi32>], vector<16xf32>,
        %parallel_loop3A_216 = arith.constant 1 : i32
        %parallel_loop3A_217 = arith.constant 3 : i32
        %parallel_loop3A_218 = arith.index_cast %parallel_loop3A_216 : i32 to index
        %parallel_loop3A_219 = arith.index_cast %parallel_loop3A_166 : i32 to index
        %parallel_loop3A_220 = arith.index_cast %parallel_loop3A_217 : i32 to index
        %parallel_loop3A_221 = arith.constant 0 : index
        %parallel_loop3A_222 = tpu.vector_load %arg9[%parallel_loop3A_218, %parallel_loop3A_219, %parallel_loop3A_220, %parallel_loop3A_221] {strides = array<i32>} : memref<2x32x4x128xf32, #tpu.memory_space<vmem>>, vector<16xf32>,
        tpu.vector_store %arg9[%parallel_loop3A_218, %parallel_loop3A_219, %parallel_loop3A_220, %parallel_loop3A_221], %parallel_loop3A_215 {strides = array<i32>} : memref<2x32x4x128xf32, #tpu.memory_space<vmem>>, vector<16xf32>,
        %parallel_loop3A_223 = arith.constant 128 : i32
        %parallel_loop3A_224 = arith.muli %parallel_loop3A_166, %parallel_loop3A_223 : i32
        %parallel_loop3A_225 = arith.constant 16 : i32
        %parallel_loop3A_226 = arith.addi %parallel_loop3A_224, %parallel_loop3A_225 : i32
        %parallel_loop3A_227 = arith.index_cast %parallel_loop3A_226 : i32 to index
        %parallel_loop3A_228 = tpu.vector_load %arg6[%parallel_loop3A_227] {strides = array<i32>} : memref<4096xi32, #tpu.memory_space<vmem>>, vector<16xi32>,
        %parallel_loop3A_229 = arith.constant 7 : i32
        %parallel_loop3A_230 = vector.broadcast %parallel_loop3A_229 : i32 to vector<16xi32>
        %parallel_loop3A_231 = arith.shrui %parallel_loop3A_228, %parallel_loop3A_230 : vector<16xi32>
        %parallel_loop3A_232 = arith.constant 127 : i32
        %parallel_loop3A_233 = vector.broadcast %parallel_loop3A_232 : i32 to vector<16xi32>
        %parallel_loop3A_234 = arith.andi %parallel_loop3A_228, %parallel_loop3A_233 : vector<16xi32>
        %parallel_loop3A_235 = arith.constant 256 : i32
        %parallel_loop3A_236 = vector.broadcast %parallel_loop3A_235 : i32 to vector<16xi32>
        %parallel_loop3A_237 = arith.addi %parallel_loop3A_231, %parallel_loop3A_236 : vector<16xi32>
        %parallel_loop3A_238 = tpu.vector_load_idx %arg8[%parallel_loop3A_237, %parallel_loop3A_234] : memref<512x128xf32, #tpu.memory_space<vmem>>[vector<16xi32>, vector<16xi32>], vector<16xf32>,
        %parallel_loop3A_239 = arith.constant 1 : i32
        %parallel_loop3A_240 = arith.constant 0 : i32
        %parallel_loop3A_241 = arith.index_cast %parallel_loop3A_239 : i32 to index
        %parallel_loop3A_242 = arith.index_cast %parallel_loop3A_166 : i32 to index
        %parallel_loop3A_243 = arith.index_cast %parallel_loop3A_240 : i32 to index
        %parallel_loop3A_244 = arith.constant 16 : index
        %parallel_loop3A_245 = tpu.vector_load %arg9[%parallel_loop3A_241, %parallel_loop3A_242, %parallel_loop3A_243, %parallel_loop3A_244] {strides = array<i32>} : memref<2x32x4x128xf32, #tpu.memory_space<vmem>>, vector<16xf32>,
        tpu.vector_store %arg9[%parallel_loop3A_241, %parallel_loop3A_242, %parallel_loop3A_243, %parallel_loop3A_244], %parallel_loop3A_238 {strides = array<i32>} : memref<2x32x4x128xf32, #tpu.memory_space<vmem>>, vector<16xf32>,
        %parallel_loop3A_246 = arith.constant 320 : i32
        %parallel_loop3A_247 = vector.broadcast %parallel_loop3A_246 : i32 to vector<16xi32>
        %parallel_loop3A_248 = arith.addi %parallel_loop3A_231, %parallel_loop3A_247 : vector<16xi32>
        %parallel_loop3A_249 = tpu.vector_load_idx %arg8[%parallel_loop3A_248, %parallel_loop3A_234] : memref<512x128xf32, #tpu.memory_space<vmem>>[vector<16xi32>, vector<16xi32>], vector<16xf32>,
        %parallel_loop3A_250 = arith.constant 1 : i32
        %parallel_loop3A_251 = arith.constant 1 : i32
        %parallel_loop3A_252 = arith.index_cast %parallel_loop3A_250 : i32 to index
        %parallel_loop3A_253 = arith.index_cast %parallel_loop3A_166 : i32 to index
        %parallel_loop3A_254 = arith.index_cast %parallel_loop3A_251 : i32 to index
        %parallel_loop3A_255 = arith.constant 16 : index
        %parallel_loop3A_256 = tpu.vector_load %arg9[%parallel_loop3A_252, %parallel_loop3A_253, %parallel_loop3A_254, %parallel_loop3A_255] {strides = array<i32>} : memref<2x32x4x128xf32, #tpu.memory_space<vmem>>, vector<16xf32>,
        tpu.vector_store %arg9[%parallel_loop3A_252, %parallel_loop3A_253, %parallel_loop3A_254, %parallel_loop3A_255], %parallel_loop3A_249 {strides = array<i32>} : memref<2x32x4x128xf32, #tpu.memory_space<vmem>>, vector<16xf32>,
        %parallel_loop3A_257 = arith.constant 384 : i32
        %parallel_loop3A_258 = vector.broadcast %parallel_loop3A_257 : i32 to vector<16xi32>
        %parallel_loop3A_259 = arith.addi %parallel_loop3A_231, %parallel_loop3A_258 : vector<16xi32>
        %parallel_loop3A_260 = tpu.vector_load_idx %arg8[%parallel_loop3A_259, %parallel_loop3A_234] : memref<512x128xf32, #tpu.memory_space<vmem>>[vector<16xi32>, vector<16xi32>], vector<16xf32>,
        %parallel_loop3A_261 = arith.constant 1 : i32
        %parallel_loop3A_262 = arith.constant 2 : i32
        %parallel_loop3A_263 = arith.index_cast %parallel_loop3A_261 : i32 to index
        %parallel_loop3A_264 = arith.index_cast %parallel_loop3A_166 : i32 to index
        %parallel_loop3A_265 = arith.index_cast %parallel_loop3A_262 : i32 to index
        %parallel_loop3A_266 = arith.constant 16 : index
        %parallel_loop3A_267 = tpu.vector_load %arg9[%parallel_loop3A_263, %parallel_loop3A_264, %parallel_loop3A_265, %parallel_loop3A_266] {strides = array<i32>} : memref<2x32x4x128xf32, #tpu.memory_space<vmem>>, vector<16xf32>,
        tpu.vector_store %arg9[%parallel_loop3A_263, %parallel_loop3A_264, %parallel_loop3A_265, %parallel_loop3A_266], %parallel_loop3A_260 {strides = array<i32>} : memref<2x32x4x128xf32, #tpu.memory_space<vmem>>, vector<16xf32>,
        %parallel_loop3A_268 = arith.constant 448 : i32
        %parallel_loop3A_269 = vector.broadcast %parallel_loop3A_268 : i32 to vector<16xi32>
        %parallel_loop3A_270 = arith.addi %parallel_loop3A_231, %parallel_loop3A_269 : vector<16xi32>
        %parallel_loop3A_271 = tpu.vector_load_idx %arg8[%parallel_loop3A_270, %parallel_loop3A_234] : memref<512x128xf32, #tpu.memory_space<vmem>>[vector<16xi32>, vector<16xi32>], vector<16xf32>,
        %parallel_loop3A_272 = arith.constant 1 : i32
        %parallel_loop3A_273 = arith.constant 3 : i32
        %parallel_loop3A_274 = arith.index_cast %parallel_loop3A_272 : i32 to index
        %parallel_loop3A_275 = arith.index_cast %parallel_loop3A_166 : i32 to index
        %parallel_loop3A_276 = arith.index_cast %parallel_loop3A_273 : i32 to index
        %parallel_loop3A_277 = arith.constant 16 : index
        %parallel_loop3A_278 = tpu.vector_load %arg9[%parallel_loop3A_274, %parallel_loop3A_275, %parallel_loop3A_276, %parallel_loop3A_277] {strides = array<i32>} : memref<2x32x4x128xf32, #tpu.memory_space<vmem>>, vector<16xf32>,
        tpu.vector_store %arg9[%parallel_loop3A_274, %parallel_loop3A_275, %parallel_loop3A_276, %parallel_loop3A_277], %parallel_loop3A_271 {strides = array<i32>} : memref<2x32x4x128xf32, #tpu.memory_space<vmem>>, vector<16xf32>,
        %parallel_loop3A_279 = arith.constant 128 : i32
        %parallel_loop3A_280 = arith.muli %parallel_loop3A_166, %parallel_loop3A_279 : i32
        %parallel_loop3A_281 = arith.constant 32 : i32
        %parallel_loop3A_282 = arith.addi %parallel_loop3A_280, %parallel_loop3A_281 : i32
        %parallel_loop3A_283 = arith.index_cast %parallel_loop3A_282 : i32 to index
        %parallel_loop3A_284 = tpu.vector_load %arg6[%parallel_loop3A_283] {strides = array<i32>} : memref<4096xi32, #tpu.memory_space<vmem>>, vector<16xi32>,
        %parallel_loop3A_285 = arith.constant 7 : i32
        %parallel_loop3A_286 = vector.broadcast %parallel_loop3A_285 : i32 to vector<16xi32>
        %parallel_loop3A_287 = arith.shrui %parallel_loop3A_284, %parallel_loop3A_286 : vector<16xi32>
        %parallel_loop3A_288 = arith.constant 127 : i32
        %parallel_loop3A_289 = vector.broadcast %parallel_loop3A_288 : i32 to vector<16xi32>
        %parallel_loop3A_290 = arith.andi %parallel_loop3A_284, %parallel_loop3A_289 : vector<16xi32>
        %parallel_loop3A_291 = arith.constant 256 : i32
        %parallel_loop3A_292 = vector.broadcast %parallel_loop3A_291 : i32 to vector<16xi32>
        %parallel_loop3A_293 = arith.addi %parallel_loop3A_287, %parallel_loop3A_292 : vector<16xi32>
        %parallel_loop3A_294 = tpu.vector_load_idx %arg8[%parallel_loop3A_293, %parallel_loop3A_290] : memref<512x128xf32, #tpu.memory_space<vmem>>[vector<16xi32>, vector<16xi32>], vector<16xf32>,
        %parallel_loop3A_295 = arith.constant 1 : i32
        %parallel_loop3A_296 = arith.constant 0 : i32
        %parallel_loop3A_297 = arith.index_cast %parallel_loop3A_295 : i32 to index
        %parallel_loop3A_298 = arith.index_cast %parallel_loop3A_166 : i32 to index
        %parallel_loop3A_299 = arith.index_cast %parallel_loop3A_296 : i32 to index
        %parallel_loop3A_300 = arith.constant 32 : index
        %parallel_loop3A_301 = tpu.vector_load %arg9[%parallel_loop3A_297, %parallel_loop3A_298, %parallel_loop3A_299, %parallel_loop3A_300] {strides = array<i32>} : memref<2x32x4x128xf32, #tpu.memory_space<vmem>>, vector<16xf32>,
        tpu.vector_store %arg9[%parallel_loop3A_297, %parallel_loop3A_298, %parallel_loop3A_299, %parallel_loop3A_300], %parallel_loop3A_294 {strides = array<i32>} : memref<2x32x4x128xf32, #tpu.memory_space<vmem>>, vector<16xf32>,
        %parallel_loop3A_302 = arith.constant 320 : i32
        %parallel_loop3A_303 = vector.broadcast %parallel_loop3A_302 : i32 to vector<16xi32>
        %parallel_loop3A_304 = arith.addi %parallel_loop3A_287, %parallel_loop3A_303 : vector<16xi32>
        %parallel_loop3A_305 = tpu.vector_load_idx %arg8[%parallel_loop3A_304, %parallel_loop3A_290] : memref<512x128xf32, #tpu.memory_space<vmem>>[vector<16xi32>, vector<16xi32>], vector<16xf32>,
        %parallel_loop3A_306 = arith.constant 1 : i32
        %parallel_loop3A_307 = arith.constant 1 : i32
        %parallel_loop3A_308 = arith.index_cast %parallel_loop3A_306 : i32 to index
        %parallel_loop3A_309 = arith.index_cast %parallel_loop3A_166 : i32 to index
        %parallel_loop3A_310 = arith.index_cast %parallel_loop3A_307 : i32 to index
        %parallel_loop3A_311 = arith.constant 32 : index
        %parallel_loop3A_312 = tpu.vector_load %arg9[%parallel_loop3A_308, %parallel_loop3A_309, %parallel_loop3A_310, %parallel_loop3A_311] {strides = array<i32>} : memref<2x32x4x128xf32, #tpu.memory_space<vmem>>, vector<16xf32>,
        tpu.vector_store %arg9[%parallel_loop3A_308, %parallel_loop3A_309, %parallel_loop3A_310, %parallel_loop3A_311], %parallel_loop3A_305 {strides = array<i32>} : memref<2x32x4x128xf32, #tpu.memory_space<vmem>>, vector<16xf32>,
        %parallel_loop3A_313 = arith.constant 384 : i32
        %parallel_loop3A_314 = vector.broadcast %parallel_loop3A_313 : i32 to vector<16xi32>
        %parallel_loop3A_315 = arith.addi %parallel_loop3A_287, %parallel_loop3A_314 : vector<16xi32>
        %parallel_loop3A_316 = tpu.vector_load_idx %arg8[%parallel_loop3A_315, %parallel_loop3A_290] : memref<512x128xf32, #tpu.memory_space<vmem>>[vector<16xi32>, vector<16xi32>], vector<16xf32>,
        %parallel_loop3A_317 = arith.constant 1 : i32
        %parallel_loop3A_318 = arith.constant 2 : i32
        %parallel_loop3A_319 = arith.index_cast %parallel_loop3A_317 : i32 to index
        %parallel_loop3A_320 = arith.index_cast %parallel_loop3A_166 : i32 to index
        %parallel_loop3A_321 = arith.index_cast %parallel_loop3A_318 : i32 to index
        %parallel_loop3A_322 = arith.constant 32 : index
        %parallel_loop3A_323 = tpu.vector_load %arg9[%parallel_loop3A_319, %parallel_loop3A_320, %parallel_loop3A_321, %parallel_loop3A_322] {strides = array<i32>} : memref<2x32x4x128xf32, #tpu.memory_space<vmem>>, vector<16xf32>,
        tpu.vector_store %arg9[%parallel_loop3A_319, %parallel_loop3A_320, %parallel_loop3A_321, %parallel_loop3A_322], %parallel_loop3A_316 {strides = array<i32>} : memref<2x32x4x128xf32, #tpu.memory_space<vmem>>, vector<16xf32>,
        %parallel_loop3A_324 = arith.constant 448 : i32
        %parallel_loop3A_325 = vector.broadcast %parallel_loop3A_324 : i32 to vector<16xi32>
        %parallel_loop3A_326 = arith.addi %parallel_loop3A_287, %parallel_loop3A_325 : vector<16xi32>
        %parallel_loop3A_327 = tpu.vector_load_idx %arg8[%parallel_loop3A_326, %parallel_loop3A_290] : memref<512x128xf32, #tpu.memory_space<vmem>>[vector<16xi32>, vector<16xi32>], vector<16xf32>,
        %parallel_loop3A_328 = arith.constant 1 : i32
        %parallel_loop3A_329 = arith.constant 3 : i32
        %parallel_loop3A_330 = arith.index_cast %parallel_loop3A_328 : i32 to index
        %parallel_loop3A_331 = arith.index_cast %parallel_loop3A_166 : i32 to index
        %parallel_loop3A_332 = arith.index_cast %parallel_loop3A_329 : i32 to index
        %parallel_loop3A_333 = arith.constant 32 : index
        %parallel_loop3A_334 = tpu.vector_load %arg9[%parallel_loop3A_330, %parallel_loop3A_331, %parallel_loop3A_332, %parallel_loop3A_333] {strides = array<i32>} : memref<2x32x4x128xf32, #tpu.memory_space<vmem>>, vector<16xf32>,
        tpu.vector_store %arg9[%parallel_loop3A_330, %parallel_loop3A_331, %parallel_loop3A_332, %parallel_loop3A_333], %parallel_loop3A_327 {strides = array<i32>} : memref<2x32x4x128xf32, #tpu.memory_space<vmem>>, vector<16xf32>,
        %parallel_loop3A_335 = arith.constant 128 : i32
        %parallel_loop3A_336 = arith.muli %parallel_loop3A_166, %parallel_loop3A_335 : i32
        %parallel_loop3A_337 = arith.constant 48 : i32
        %parallel_loop3A_338 = arith.addi %parallel_loop3A_336, %parallel_loop3A_337 : i32
        %parallel_loop3A_339 = arith.index_cast %parallel_loop3A_338 : i32 to index
        %parallel_loop3A_340 = tpu.vector_load %arg6[%parallel_loop3A_339] {strides = array<i32>} : memref<4096xi32, #tpu.memory_space<vmem>>, vector<16xi32>,
        %parallel_loop3A_341 = arith.constant 7 : i32
        %parallel_loop3A_342 = vector.broadcast %parallel_loop3A_341 : i32 to vector<16xi32>
        %parallel_loop3A_343 = arith.shrui %parallel_loop3A_340, %parallel_loop3A_342 : vector<16xi32>
        %parallel_loop3A_344 = arith.constant 127 : i32
        %parallel_loop3A_345 = vector.broadcast %parallel_loop3A_344 : i32 to vector<16xi32>
        %parallel_loop3A_346 = arith.andi %parallel_loop3A_340, %parallel_loop3A_345 : vector<16xi32>
        %parallel_loop3A_347 = arith.constant 256 : i32
        %parallel_loop3A_348 = vector.broadcast %parallel_loop3A_347 : i32 to vector<16xi32>
        %parallel_loop3A_349 = arith.addi %parallel_loop3A_343, %parallel_loop3A_348 : vector<16xi32>
        %parallel_loop3A_350 = tpu.vector_load_idx %arg8[%parallel_loop3A_349, %parallel_loop3A_346] : memref<512x128xf32, #tpu.memory_space<vmem>>[vector<16xi32>, vector<16xi32>], vector<16xf32>,
        %parallel_loop3A_351 = arith.constant 1 : i32
        %parallel_loop3A_352 = arith.constant 0 : i32
        %parallel_loop3A_353 = arith.index_cast %parallel_loop3A_351 : i32 to index
        %parallel_loop3A_354 = arith.index_cast %parallel_loop3A_166 : i32 to index
        %parallel_loop3A_355 = arith.index_cast %parallel_loop3A_352 : i32 to index
        %parallel_loop3A_356 = arith.constant 48 : index
        %parallel_loop3A_357 = tpu.vector_load %arg9[%parallel_loop3A_353, %parallel_loop3A_354, %parallel_loop3A_355, %parallel_loop3A_356] {strides = array<i32>} : memref<2x32x4x128xf32, #tpu.memory_space<vmem>>, vector<16xf32>,
        tpu.vector_store %arg9[%parallel_loop3A_353, %parallel_loop3A_354, %parallel_loop3A_355, %parallel_loop3A_356], %parallel_loop3A_350 {strides = array<i32>} : memref<2x32x4x128xf32, #tpu.memory_space<vmem>>, vector<16xf32>,
        %parallel_loop3A_358 = arith.constant 320 : i32
        %parallel_loop3A_359 = vector.broadcast %parallel_loop3A_358 : i32 to vector<16xi32>
        %parallel_loop3A_360 = arith.addi %parallel_loop3A_343, %parallel_loop3A_359 : vector<16xi32>
        %parallel_loop3A_361 = tpu.vector_load_idx %arg8[%parallel_loop3A_360, %parallel_loop3A_346] : memref<512x128xf32, #tpu.memory_space<vmem>>[vector<16xi32>, vector<16xi32>], vector<16xf32>,
        %parallel_loop3A_362 = arith.constant 1 : i32
        %parallel_loop3A_363 = arith.constant 1 : i32
        %parallel_loop3A_364 = arith.index_cast %parallel_loop3A_362 : i32 to index
        %parallel_loop3A_365 = arith.index_cast %parallel_loop3A_166 : i32 to index
        %parallel_loop3A_366 = arith.index_cast %parallel_loop3A_363 : i32 to index
        %parallel_loop3A_367 = arith.constant 48 : index
        %parallel_loop3A_368 = tpu.vector_load %arg9[%parallel_loop3A_364, %parallel_loop3A_365, %parallel_loop3A_366, %parallel_loop3A_367] {strides = array<i32>} : memref<2x32x4x128xf32, #tpu.memory_space<vmem>>, vector<16xf32>,
        tpu.vector_store %arg9[%parallel_loop3A_364, %parallel_loop3A_365, %parallel_loop3A_366, %parallel_loop3A_367], %parallel_loop3A_361 {strides = array<i32>} : memref<2x32x4x128xf32, #tpu.memory_space<vmem>>, vector<16xf32>,
        %parallel_loop3A_369 = arith.constant 384 : i32
        %parallel_loop3A_370 = vector.broadcast %parallel_loop3A_369 : i32 to vector<16xi32>
        %parallel_loop3A_371 = arith.addi %parallel_loop3A_343, %parallel_loop3A_370 : vector<16xi32>
        %parallel_loop3A_372 = tpu.vector_load_idx %arg8[%parallel_loop3A_371, %parallel_loop3A_346] : memref<512x128xf32, #tpu.memory_space<vmem>>[vector<16xi32>, vector<16xi32>], vector<16xf32>,
        %parallel_loop3A_373 = arith.constant 1 : i32
        %parallel_loop3A_374 = arith.constant 2 : i32
        %parallel_loop3A_375 = arith.index_cast %parallel_loop3A_373 : i32 to index
        %parallel_loop3A_376 = arith.index_cast %parallel_loop3A_166 : i32 to index
        %parallel_loop3A_377 = arith.index_cast %parallel_loop3A_374 : i32 to index
        %parallel_loop3A_378 = arith.constant 48 : index
        %parallel_loop3A_379 = tpu.vector_load %arg9[%parallel_loop3A_375, %parallel_loop3A_376, %parallel_loop3A_377, %parallel_loop3A_378] {strides = array<i32>} : memref<2x32x4x128xf32, #tpu.memory_space<vmem>>, vector<16xf32>,
        tpu.vector_store %arg9[%parallel_loop3A_375, %parallel_loop3A_376, %parallel_loop3A_377, %parallel_loop3A_378], %parallel_loop3A_372 {strides = array<i32>} : memref<2x32x4x128xf32, #tpu.memory_space<vmem>>, vector<16xf32>,
        %parallel_loop3A_380 = arith.constant 448 : i32
        %parallel_loop3A_381 = vector.broadcast %parallel_loop3A_380 : i32 to vector<16xi32>
        %parallel_loop3A_382 = arith.addi %parallel_loop3A_343, %parallel_loop3A_381 : vector<16xi32>
        %parallel_loop3A_383 = tpu.vector_load_idx %arg8[%parallel_loop3A_382, %parallel_loop3A_346] : memref<512x128xf32, #tpu.memory_space<vmem>>[vector<16xi32>, vector<16xi32>], vector<16xf32>,
        %parallel_loop3A_384 = arith.constant 1 : i32
        %parallel_loop3A_385 = arith.constant 3 : i32
        %parallel_loop3A_386 = arith.index_cast %parallel_loop3A_384 : i32 to index
        %parallel_loop3A_387 = arith.index_cast %parallel_loop3A_166 : i32 to index
        %parallel_loop3A_388 = arith.index_cast %parallel_loop3A_385 : i32 to index
        %parallel_loop3A_389 = arith.constant 48 : index
        %parallel_loop3A_390 = tpu.vector_load %arg9[%parallel_loop3A_386, %parallel_loop3A_387, %parallel_loop3A_388, %parallel_loop3A_389] {strides = array<i32>} : memref<2x32x4x128xf32, #tpu.memory_space<vmem>>, vector<16xf32>,
        tpu.vector_store %arg9[%parallel_loop3A_386, %parallel_loop3A_387, %parallel_loop3A_388, %parallel_loop3A_389], %parallel_loop3A_383 {strides = array<i32>} : memref<2x32x4x128xf32, #tpu.memory_space<vmem>>, vector<16xf32>,
        %parallel_loop3A_391 = arith.constant 128 : i32
        %parallel_loop3A_392 = arith.muli %parallel_loop3A_166, %parallel_loop3A_391 : i32
        %parallel_loop3A_393 = arith.constant 64 : i32
        %parallel_loop3A_394 = arith.addi %parallel_loop3A_392, %parallel_loop3A_393 : i32
        %parallel_loop3A_395 = arith.index_cast %parallel_loop3A_394 : i32 to index
        %parallel_loop3A_396 = tpu.vector_load %arg6[%parallel_loop3A_395] {strides = array<i32>} : memref<4096xi32, #tpu.memory_space<vmem>>, vector<16xi32>,
        %parallel_loop3A_397 = arith.constant 7 : i32
        %parallel_loop3A_398 = vector.broadcast %parallel_loop3A_397 : i32 to vector<16xi32>
        %parallel_loop3A_399 = arith.shrui %parallel_loop3A_396, %parallel_loop3A_398 : vector<16xi32>
        %parallel_loop3A_400 = arith.constant 127 : i32
        %parallel_loop3A_401 = vector.broadcast %parallel_loop3A_400 : i32 to vector<16xi32>
        %parallel_loop3A_402 = arith.andi %parallel_loop3A_396, %parallel_loop3A_401 : vector<16xi32>
        %parallel_loop3A_403 = arith.constant 256 : i32
        %parallel_loop3A_404 = vector.broadcast %parallel_loop3A_403 : i32 to vector<16xi32>
        %parallel_loop3A_405 = arith.addi %parallel_loop3A_399, %parallel_loop3A_404 : vector<16xi32>
        %parallel_loop3A_406 = tpu.vector_load_idx %arg8[%parallel_loop3A_405, %parallel_loop3A_402] : memref<512x128xf32, #tpu.memory_space<vmem>>[vector<16xi32>, vector<16xi32>], vector<16xf32>,
        %parallel_loop3A_407 = arith.constant 1 : i32
        %parallel_loop3A_408 = arith.constant 0 : i32
        %parallel_loop3A_409 = arith.index_cast %parallel_loop3A_407 : i32 to index
        %parallel_loop3A_410 = arith.index_cast %parallel_loop3A_166 : i32 to index
        %parallel_loop3A_411 = arith.index_cast %parallel_loop3A_408 : i32 to index
        %parallel_loop3A_412 = arith.constant 64 : index
        %parallel_loop3A_413 = tpu.vector_load %arg9[%parallel_loop3A_409, %parallel_loop3A_410, %parallel_loop3A_411, %parallel_loop3A_412] {strides = array<i32>} : memref<2x32x4x128xf32, #tpu.memory_space<vmem>>, vector<16xf32>,
        tpu.vector_store %arg9[%parallel_loop3A_409, %parallel_loop3A_410, %parallel_loop3A_411, %parallel_loop3A_412], %parallel_loop3A_406 {strides = array<i32>} : memref<2x32x4x128xf32, #tpu.memory_space<vmem>>, vector<16xf32>,
        %parallel_loop3A_414 = arith.constant 320 : i32
        %parallel_loop3A_415 = vector.broadcast %parallel_loop3A_414 : i32 to vector<16xi32>
        %parallel_loop3A_416 = arith.addi %parallel_loop3A_399, %parallel_loop3A_415 : vector<16xi32>
        %parallel_loop3A_417 = tpu.vector_load_idx %arg8[%parallel_loop3A_416, %parallel_loop3A_402] : memref<512x128xf32, #tpu.memory_space<vmem>>[vector<16xi32>, vector<16xi32>], vector<16xf32>,
        %parallel_loop3A_418 = arith.constant 1 : i32
        %parallel_loop3A_419 = arith.constant 1 : i32
        %parallel_loop3A_420 = arith.index_cast %parallel_loop3A_418 : i32 to index
        %parallel_loop3A_421 = arith.index_cast %parallel_loop3A_166 : i32 to index
        %parallel_loop3A_422 = arith.index_cast %parallel_loop3A_419 : i32 to index
        %parallel_loop3A_423 = arith.constant 64 : index
        %parallel_loop3A_424 = tpu.vector_load %arg9[%parallel_loop3A_420, %parallel_loop3A_421, %parallel_loop3A_422, %parallel_loop3A_423] {strides = array<i32>} : memref<2x32x4x128xf32, #tpu.memory_space<vmem>>, vector<16xf32>,
        tpu.vector_store %arg9[%parallel_loop3A_420, %parallel_loop3A_421, %parallel_loop3A_422, %parallel_loop3A_423], %parallel_loop3A_417 {strides = array<i32>} : memref<2x32x4x128xf32, #tpu.memory_space<vmem>>, vector<16xf32>,
        %parallel_loop3A_425 = arith.constant 384 : i32
        %parallel_loop3A_426 = vector.broadcast %parallel_loop3A_425 : i32 to vector<16xi32>
        %parallel_loop3A_427 = arith.addi %parallel_loop3A_399, %parallel_loop3A_426 : vector<16xi32>
        %parallel_loop3A_428 = tpu.vector_load_idx %arg8[%parallel_loop3A_427, %parallel_loop3A_402] : memref<512x128xf32, #tpu.memory_space<vmem>>[vector<16xi32>, vector<16xi32>], vector<16xf32>,
        %parallel_loop3A_429 = arith.constant 1 : i32
        %parallel_loop3A_430 = arith.constant 2 : i32
        %parallel_loop3A_431 = arith.index_cast %parallel_loop3A_429 : i32 to index
        %parallel_loop3A_432 = arith.index_cast %parallel_loop3A_166 : i32 to index
        %parallel_loop3A_433 = arith.index_cast %parallel_loop3A_430 : i32 to index
        %parallel_loop3A_434 = arith.constant 64 : index
        %parallel_loop3A_435 = tpu.vector_load %arg9[%parallel_loop3A_431, %parallel_loop3A_432, %parallel_loop3A_433, %parallel_loop3A_434] {strides = array<i32>} : memref<2x32x4x128xf32, #tpu.memory_space<vmem>>, vector<16xf32>,
        tpu.vector_store %arg9[%parallel_loop3A_431, %parallel_loop3A_432, %parallel_loop3A_433, %parallel_loop3A_434], %parallel_loop3A_428 {strides = array<i32>} : memref<2x32x4x128xf32, #tpu.memory_space<vmem>>, vector<16xf32>,
        %parallel_loop3A_436 = arith.constant 448 : i32
        %parallel_loop3A_437 = vector.broadcast %parallel_loop3A_436 : i32 to vector<16xi32>
        %parallel_loop3A_438 = arith.addi %parallel_loop3A_399, %parallel_loop3A_437 : vector<16xi32>
        %parallel_loop3A_439 = tpu.vector_load_idx %arg8[%parallel_loop3A_438, %parallel_loop3A_402] : memref<512x128xf32, #tpu.memory_space<vmem>>[vector<16xi32>, vector<16xi32>], vector<16xf32>,
        %parallel_loop3A_440 = arith.constant 1 : i32
        %parallel_loop3A_441 = arith.constant 3 : i32
        %parallel_loop3A_442 = arith.index_cast %parallel_loop3A_440 : i32 to index
        %parallel_loop3A_443 = arith.index_cast %parallel_loop3A_166 : i32 to index
        %parallel_loop3A_444 = arith.index_cast %parallel_loop3A_441 : i32 to index
        %parallel_loop3A_445 = arith.constant 64 : index
        %parallel_loop3A_446 = tpu.vector_load %arg9[%parallel_loop3A_442, %parallel_loop3A_443, %parallel_loop3A_444, %parallel_loop3A_445] {strides = array<i32>} : memref<2x32x4x128xf32, #tpu.memory_space<vmem>>, vector<16xf32>,
        tpu.vector_store %arg9[%parallel_loop3A_442, %parallel_loop3A_443, %parallel_loop3A_444, %parallel_loop3A_445], %parallel_loop3A_439 {strides = array<i32>} : memref<2x32x4x128xf32, #tpu.memory_space<vmem>>, vector<16xf32>,
        %parallel_loop3A_447 = arith.constant 128 : i32
        %parallel_loop3A_448 = arith.muli %parallel_loop3A_166, %parallel_loop3A_447 : i32
        %parallel_loop3A_449 = arith.constant 80 : i32
        %parallel_loop3A_450 = arith.addi %parallel_loop3A_448, %parallel_loop3A_449 : i32
        %parallel_loop3A_451 = arith.index_cast %parallel_loop3A_450 : i32 to index
        %parallel_loop3A_452 = tpu.vector_load %arg6[%parallel_loop3A_451] {strides = array<i32>} : memref<4096xi32, #tpu.memory_space<vmem>>, vector<16xi32>,
        %parallel_loop3A_453 = arith.constant 7 : i32
        %parallel_loop3A_454 = vector.broadcast %parallel_loop3A_453 : i32 to vector<16xi32>
        %parallel_loop3A_455 = arith.shrui %parallel_loop3A_452, %parallel_loop3A_454 : vector<16xi32>
        %parallel_loop3A_456 = arith.constant 127 : i32
        %parallel_loop3A_457 = vector.broadcast %parallel_loop3A_456 : i32 to vector<16xi32>
        %parallel_loop3A_458 = arith.andi %parallel_loop3A_452, %parallel_loop3A_457 : vector<16xi32>
        %parallel_loop3A_459 = arith.constant 256 : i32
        %parallel_loop3A_460 = vector.broadcast %parallel_loop3A_459 : i32 to vector<16xi32>
        %parallel_loop3A_461 = arith.addi %parallel_loop3A_455, %parallel_loop3A_460 : vector<16xi32>
        %parallel_loop3A_462 = tpu.vector_load_idx %arg8[%parallel_loop3A_461, %parallel_loop3A_458] : memref<512x128xf32, #tpu.memory_space<vmem>>[vector<16xi32>, vector<16xi32>], vector<16xf32>,
        %parallel_loop3A_463 = arith.constant 1 : i32
        %parallel_loop3A_464 = arith.constant 0 : i32
        %parallel_loop3A_465 = arith.index_cast %parallel_loop3A_463 : i32 to index
        %parallel_loop3A_466 = arith.index_cast %parallel_loop3A_166 : i32 to index
        %parallel_loop3A_467 = arith.index_cast %parallel_loop3A_464 : i32 to index
        %parallel_loop3A_468 = arith.constant 80 : index
        %parallel_loop3A_469 = tpu.vector_load %arg9[%parallel_loop3A_465, %parallel_loop3A_466, %parallel_loop3A_467, %parallel_loop3A_468] {strides = array<i32>} : memref<2x32x4x128xf32, #tpu.memory_space<vmem>>, vector<16xf32>,
        tpu.vector_store %arg9[%parallel_loop3A_465, %parallel_loop3A_466, %parallel_loop3A_467, %parallel_loop3A_468], %parallel_loop3A_462 {strides = array<i32>} : memref<2x32x4x128xf32, #tpu.memory_space<vmem>>, vector<16xf32>,
        %parallel_loop3A_470 = arith.constant 320 : i32
        %parallel_loop3A_471 = vector.broadcast %parallel_loop3A_470 : i32 to vector<16xi32>
        %parallel_loop3A_472 = arith.addi %parallel_loop3A_455, %parallel_loop3A_471 : vector<16xi32>
        %parallel_loop3A_473 = tpu.vector_load_idx %arg8[%parallel_loop3A_472, %parallel_loop3A_458] : memref<512x128xf32, #tpu.memory_space<vmem>>[vector<16xi32>, vector<16xi32>], vector<16xf32>,
        %parallel_loop3A_474 = arith.constant 1 : i32
        %parallel_loop3A_475 = arith.constant 1 : i32
        %parallel_loop3A_476 = arith.index_cast %parallel_loop3A_474 : i32 to index
        %parallel_loop3A_477 = arith.index_cast %parallel_loop3A_166 : i32 to index
        %parallel_loop3A_478 = arith.index_cast %parallel_loop3A_475 : i32 to index
        %parallel_loop3A_479 = arith.constant 80 : index
        %parallel_loop3A_480 = tpu.vector_load %arg9[%parallel_loop3A_476, %parallel_loop3A_477, %parallel_loop3A_478, %parallel_loop3A_479] {strides = array<i32>} : memref<2x32x4x128xf32, #tpu.memory_space<vmem>>, vector<16xf32>,
        tpu.vector_store %arg9[%parallel_loop3A_476, %parallel_loop3A_477, %parallel_loop3A_478, %parallel_loop3A_479], %parallel_loop3A_473 {strides = array<i32>} : memref<2x32x4x128xf32, #tpu.memory_space<vmem>>, vector<16xf32>,
        %parallel_loop3A_481 = arith.constant 384 : i32
        %parallel_loop3A_482 = vector.broadcast %parallel_loop3A_481 : i32 to vector<16xi32>
        %parallel_loop3A_483 = arith.addi %parallel_loop3A_455, %parallel_loop3A_482 : vector<16xi32>
        %parallel_loop3A_484 = tpu.vector_load_idx %arg8[%parallel_loop3A_483, %parallel_loop3A_458] : memref<512x128xf32, #tpu.memory_space<vmem>>[vector<16xi32>, vector<16xi32>], vector<16xf32>,
        %parallel_loop3A_485 = arith.constant 1 : i32
        %parallel_loop3A_486 = arith.constant 2 : i32
        %parallel_loop3A_487 = arith.index_cast %parallel_loop3A_485 : i32 to index
        %parallel_loop3A_488 = arith.index_cast %parallel_loop3A_166 : i32 to index
        %parallel_loop3A_489 = arith.index_cast %parallel_loop3A_486 : i32 to index
        %parallel_loop3A_490 = arith.constant 80 : index
        %parallel_loop3A_491 = tpu.vector_load %arg9[%parallel_loop3A_487, %parallel_loop3A_488, %parallel_loop3A_489, %parallel_loop3A_490] {strides = array<i32>} : memref<2x32x4x128xf32, #tpu.memory_space<vmem>>, vector<16xf32>,
        tpu.vector_store %arg9[%parallel_loop3A_487, %parallel_loop3A_488, %parallel_loop3A_489, %parallel_loop3A_490], %parallel_loop3A_484 {strides = array<i32>} : memref<2x32x4x128xf32, #tpu.memory_space<vmem>>, vector<16xf32>,
        %parallel_loop3A_492 = arith.constant 448 : i32
        %parallel_loop3A_493 = vector.broadcast %parallel_loop3A_492 : i32 to vector<16xi32>
        %parallel_loop3A_494 = arith.addi %parallel_loop3A_455, %parallel_loop3A_493 : vector<16xi32>
        %parallel_loop3A_495 = tpu.vector_load_idx %arg8[%parallel_loop3A_494, %parallel_loop3A_458] : memref<512x128xf32, #tpu.memory_space<vmem>>[vector<16xi32>, vector<16xi32>], vector<16xf32>,
        %parallel_loop3A_496 = arith.constant 1 : i32
        %parallel_loop3A_497 = arith.constant 3 : i32
        %parallel_loop3A_498 = arith.index_cast %parallel_loop3A_496 : i32 to index
        %parallel_loop3A_499 = arith.index_cast %parallel_loop3A_166 : i32 to index
        %parallel_loop3A_500 = arith.index_cast %parallel_loop3A_497 : i32 to index
        %parallel_loop3A_501 = arith.constant 80 : index
        %parallel_loop3A_502 = tpu.vector_load %arg9[%parallel_loop3A_498, %parallel_loop3A_499, %parallel_loop3A_500, %parallel_loop3A_501] {strides = array<i32>} : memref<2x32x4x128xf32, #tpu.memory_space<vmem>>, vector<16xf32>,
        tpu.vector_store %arg9[%parallel_loop3A_498, %parallel_loop3A_499, %parallel_loop3A_500, %parallel_loop3A_501], %parallel_loop3A_495 {strides = array<i32>} : memref<2x32x4x128xf32, #tpu.memory_space<vmem>>, vector<16xf32>,
        %parallel_loop3A_503 = arith.constant 128 : i32
        %parallel_loop3A_504 = arith.muli %parallel_loop3A_166, %parallel_loop3A_503 : i32
        %parallel_loop3A_505 = arith.constant 96 : i32
        %parallel_loop3A_506 = arith.addi %parallel_loop3A_504, %parallel_loop3A_505 : i32
        %parallel_loop3A_507 = arith.index_cast %parallel_loop3A_506 : i32 to index
        %parallel_loop3A_508 = tpu.vector_load %arg6[%parallel_loop3A_507] {strides = array<i32>} : memref<4096xi32, #tpu.memory_space<vmem>>, vector<16xi32>,
        %parallel_loop3A_509 = arith.constant 7 : i32
        %parallel_loop3A_510 = vector.broadcast %parallel_loop3A_509 : i32 to vector<16xi32>
        %parallel_loop3A_511 = arith.shrui %parallel_loop3A_508, %parallel_loop3A_510 : vector<16xi32>
        %parallel_loop3A_512 = arith.constant 127 : i32
        %parallel_loop3A_513 = vector.broadcast %parallel_loop3A_512 : i32 to vector<16xi32>
        %parallel_loop3A_514 = arith.andi %parallel_loop3A_508, %parallel_loop3A_513 : vector<16xi32>
        %parallel_loop3A_515 = arith.constant 256 : i32
        %parallel_loop3A_516 = vector.broadcast %parallel_loop3A_515 : i32 to vector<16xi32>
        %parallel_loop3A_517 = arith.addi %parallel_loop3A_511, %parallel_loop3A_516 : vector<16xi32>
        %parallel_loop3A_518 = tpu.vector_load_idx %arg8[%parallel_loop3A_517, %parallel_loop3A_514] : memref<512x128xf32, #tpu.memory_space<vmem>>[vector<16xi32>, vector<16xi32>], vector<16xf32>,
        %parallel_loop3A_519 = arith.constant 1 : i32
        %parallel_loop3A_520 = arith.constant 0 : i32
        %parallel_loop3A_521 = arith.index_cast %parallel_loop3A_519 : i32 to index
        %parallel_loop3A_522 = arith.index_cast %parallel_loop3A_166 : i32 to index
        %parallel_loop3A_523 = arith.index_cast %parallel_loop3A_520 : i32 to index
        %parallel_loop3A_524 = arith.constant 96 : index
        %parallel_loop3A_525 = tpu.vector_load %arg9[%parallel_loop3A_521, %parallel_loop3A_522, %parallel_loop3A_523, %parallel_loop3A_524] {strides = array<i32>} : memref<2x32x4x128xf32, #tpu.memory_space<vmem>>, vector<16xf32>,
        tpu.vector_store %arg9[%parallel_loop3A_521, %parallel_loop3A_522, %parallel_loop3A_523, %parallel_loop3A_524], %parallel_loop3A_518 {strides = array<i32>} : memref<2x32x4x128xf32, #tpu.memory_space<vmem>>, vector<16xf32>,
        %parallel_loop3A_526 = arith.constant 320 : i32
        %parallel_loop3A_527 = vector.broadcast %parallel_loop3A_526 : i32 to vector<16xi32>
        %parallel_loop3A_528 = arith.addi %parallel_loop3A_511, %parallel_loop3A_527 : vector<16xi32>
        %parallel_loop3A_529 = tpu.vector_load_idx %arg8[%parallel_loop3A_528, %parallel_loop3A_514] : memref<512x128xf32, #tpu.memory_space<vmem>>[vector<16xi32>, vector<16xi32>], vector<16xf32>,
        %parallel_loop3A_530 = arith.constant 1 : i32
        %parallel_loop3A_531 = arith.constant 1 : i32
        %parallel_loop3A_532 = arith.index_cast %parallel_loop3A_530 : i32 to index
        %parallel_loop3A_533 = arith.index_cast %parallel_loop3A_166 : i32 to index
        %parallel_loop3A_534 = arith.index_cast %parallel_loop3A_531 : i32 to index
        %parallel_loop3A_535 = arith.constant 96 : index
        %parallel_loop3A_536 = tpu.vector_load %arg9[%parallel_loop3A_532, %parallel_loop3A_533, %parallel_loop3A_534, %parallel_loop3A_535] {strides = array<i32>} : memref<2x32x4x128xf32, #tpu.memory_space<vmem>>, vector<16xf32>,
        tpu.vector_store %arg9[%parallel_loop3A_532, %parallel_loop3A_533, %parallel_loop3A_534, %parallel_loop3A_535], %parallel_loop3A_529 {strides = array<i32>} : memref<2x32x4x128xf32, #tpu.memory_space<vmem>>, vector<16xf32>,
        %parallel_loop3A_537 = arith.constant 384 : i32
        %parallel_loop3A_538 = vector.broadcast %parallel_loop3A_537 : i32 to vector<16xi32>
        %parallel_loop3A_539 = arith.addi %parallel_loop3A_511, %parallel_loop3A_538 : vector<16xi32>
        %parallel_loop3A_540 = tpu.vector_load_idx %arg8[%parallel_loop3A_539, %parallel_loop3A_514] : memref<512x128xf32, #tpu.memory_space<vmem>>[vector<16xi32>, vector<16xi32>], vector<16xf32>,
        %parallel_loop3A_541 = arith.constant 1 : i32
        %parallel_loop3A_542 = arith.constant 2 : i32
        %parallel_loop3A_543 = arith.index_cast %parallel_loop3A_541 : i32 to index
        %parallel_loop3A_544 = arith.index_cast %parallel_loop3A_166 : i32 to index
        %parallel_loop3A_545 = arith.index_cast %parallel_loop3A_542 : i32 to index
        %parallel_loop3A_546 = arith.constant 96 : index
        %parallel_loop3A_547 = tpu.vector_load %arg9[%parallel_loop3A_543, %parallel_loop3A_544, %parallel_loop3A_545, %parallel_loop3A_546] {strides = array<i32>} : memref<2x32x4x128xf32, #tpu.memory_space<vmem>>, vector<16xf32>,
        tpu.vector_store %arg9[%parallel_loop3A_543, %parallel_loop3A_544, %parallel_loop3A_545, %parallel_loop3A_546], %parallel_loop3A_540 {strides = array<i32>} : memref<2x32x4x128xf32, #tpu.memory_space<vmem>>, vector<16xf32>,
        %parallel_loop3A_548 = arith.constant 448 : i32
        %parallel_loop3A_549 = vector.broadcast %parallel_loop3A_548 : i32 to vector<16xi32>
        %parallel_loop3A_550 = arith.addi %parallel_loop3A_511, %parallel_loop3A_549 : vector<16xi32>
        %parallel_loop3A_551 = tpu.vector_load_idx %arg8[%parallel_loop3A_550, %parallel_loop3A_514] : memref<512x128xf32, #tpu.memory_space<vmem>>[vector<16xi32>, vector<16xi32>], vector<16xf32>,
        %parallel_loop3A_552 = arith.constant 1 : i32
        %parallel_loop3A_553 = arith.constant 3 : i32
        %parallel_loop3A_554 = arith.index_cast %parallel_loop3A_552 : i32 to index
        %parallel_loop3A_555 = arith.index_cast %parallel_loop3A_166 : i32 to index
        %parallel_loop3A_556 = arith.index_cast %parallel_loop3A_553 : i32 to index
        %parallel_loop3A_557 = arith.constant 96 : index
        %parallel_loop3A_558 = tpu.vector_load %arg9[%parallel_loop3A_554, %parallel_loop3A_555, %parallel_loop3A_556, %parallel_loop3A_557] {strides = array<i32>} : memref<2x32x4x128xf32, #tpu.memory_space<vmem>>, vector<16xf32>,
        tpu.vector_store %arg9[%parallel_loop3A_554, %parallel_loop3A_555, %parallel_loop3A_556, %parallel_loop3A_557], %parallel_loop3A_551 {strides = array<i32>} : memref<2x32x4x128xf32, #tpu.memory_space<vmem>>, vector<16xf32>,
        %parallel_loop3A_559 = arith.constant 128 : i32
        %parallel_loop3A_560 = arith.muli %parallel_loop3A_166, %parallel_loop3A_559 : i32
        %parallel_loop3A_561 = arith.constant 112 : i32
        %parallel_loop3A_562 = arith.addi %parallel_loop3A_560, %parallel_loop3A_561 : i32
        %parallel_loop3A_563 = arith.index_cast %parallel_loop3A_562 : i32 to index
        %parallel_loop3A_564 = tpu.vector_load %arg6[%parallel_loop3A_563] {strides = array<i32>} : memref<4096xi32, #tpu.memory_space<vmem>>, vector<16xi32>,
        %parallel_loop3A_565 = arith.constant 7 : i32
        %parallel_loop3A_566 = vector.broadcast %parallel_loop3A_565 : i32 to vector<16xi32>
        %parallel_loop3A_567 = arith.shrui %parallel_loop3A_564, %parallel_loop3A_566 : vector<16xi32>
        %parallel_loop3A_568 = arith.constant 127 : i32
        %parallel_loop3A_569 = vector.broadcast %parallel_loop3A_568 : i32 to vector<16xi32>
        %parallel_loop3A_570 = arith.andi %parallel_loop3A_564, %parallel_loop3A_569 : vector<16xi32>
        %parallel_loop3A_571 = arith.constant 256 : i32
        %parallel_loop3A_572 = vector.broadcast %parallel_loop3A_571 : i32 to vector<16xi32>
        %parallel_loop3A_573 = arith.addi %parallel_loop3A_567, %parallel_loop3A_572 : vector<16xi32>
        %parallel_loop3A_574 = tpu.vector_load_idx %arg8[%parallel_loop3A_573, %parallel_loop3A_570] : memref<512x128xf32, #tpu.memory_space<vmem>>[vector<16xi32>, vector<16xi32>], vector<16xf32>,
        %parallel_loop3A_575 = arith.constant 1 : i32
        %parallel_loop3A_576 = arith.constant 0 : i32
        %parallel_loop3A_577 = arith.index_cast %parallel_loop3A_575 : i32 to index
        %parallel_loop3A_578 = arith.index_cast %parallel_loop3A_166 : i32 to index
        %parallel_loop3A_579 = arith.index_cast %parallel_loop3A_576 : i32 to index
        %parallel_loop3A_580 = arith.constant 112 : index
        %parallel_loop3A_581 = tpu.vector_load %arg9[%parallel_loop3A_577, %parallel_loop3A_578, %parallel_loop3A_579, %parallel_loop3A_580] {strides = array<i32>} : memref<2x32x4x128xf32, #tpu.memory_space<vmem>>, vector<16xf32>,
        tpu.vector_store %arg9[%parallel_loop3A_577, %parallel_loop3A_578, %parallel_loop3A_579, %parallel_loop3A_580], %parallel_loop3A_574 {strides = array<i32>} : memref<2x32x4x128xf32, #tpu.memory_space<vmem>>, vector<16xf32>,
        %parallel_loop3A_582 = arith.constant 320 : i32
        %parallel_loop3A_583 = vector.broadcast %parallel_loop3A_582 : i32 to vector<16xi32>
        %parallel_loop3A_584 = arith.addi %parallel_loop3A_567, %parallel_loop3A_583 : vector<16xi32>
        %parallel_loop3A_585 = tpu.vector_load_idx %arg8[%parallel_loop3A_584, %parallel_loop3A_570] : memref<512x128xf32, #tpu.memory_space<vmem>>[vector<16xi32>, vector<16xi32>], vector<16xf32>,
        %parallel_loop3A_586 = arith.constant 1 : i32
        %parallel_loop3A_587 = arith.constant 1 : i32
        %parallel_loop3A_588 = arith.index_cast %parallel_loop3A_586 : i32 to index
        %parallel_loop3A_589 = arith.index_cast %parallel_loop3A_166 : i32 to index
        %parallel_loop3A_590 = arith.index_cast %parallel_loop3A_587 : i32 to index
        %parallel_loop3A_591 = arith.constant 112 : index
        %parallel_loop3A_592 = tpu.vector_load %arg9[%parallel_loop3A_588, %parallel_loop3A_589, %parallel_loop3A_590, %parallel_loop3A_591] {strides = array<i32>} : memref<2x32x4x128xf32, #tpu.memory_space<vmem>>, vector<16xf32>,
        tpu.vector_store %arg9[%parallel_loop3A_588, %parallel_loop3A_589, %parallel_loop3A_590, %parallel_loop3A_591], %parallel_loop3A_585 {strides = array<i32>} : memref<2x32x4x128xf32, #tpu.memory_space<vmem>>, vector<16xf32>,
        %parallel_loop3A_593 = arith.constant 384 : i32
        %parallel_loop3A_594 = vector.broadcast %parallel_loop3A_593 : i32 to vector<16xi32>
        %parallel_loop3A_595 = arith.addi %parallel_loop3A_567, %parallel_loop3A_594 : vector<16xi32>
        %parallel_loop3A_596 = tpu.vector_load_idx %arg8[%parallel_loop3A_595, %parallel_loop3A_570] : memref<512x128xf32, #tpu.memory_space<vmem>>[vector<16xi32>, vector<16xi32>], vector<16xf32>,
        %parallel_loop3A_597 = arith.constant 1 : i32
        %parallel_loop3A_598 = arith.constant 2 : i32
        %parallel_loop3A_599 = arith.index_cast %parallel_loop3A_597 : i32 to index
        %parallel_loop3A_600 = arith.index_cast %parallel_loop3A_166 : i32 to index
        %parallel_loop3A_601 = arith.index_cast %parallel_loop3A_598 : i32 to index
        %parallel_loop3A_602 = arith.constant 112 : index
        %parallel_loop3A_603 = tpu.vector_load %arg9[%parallel_loop3A_599, %parallel_loop3A_600, %parallel_loop3A_601, %parallel_loop3A_602] {strides = array<i32>} : memref<2x32x4x128xf32, #tpu.memory_space<vmem>>, vector<16xf32>,
        tpu.vector_store %arg9[%parallel_loop3A_599, %parallel_loop3A_600, %parallel_loop3A_601, %parallel_loop3A_602], %parallel_loop3A_596 {strides = array<i32>} : memref<2x32x4x128xf32, #tpu.memory_space<vmem>>, vector<16xf32>,
        %parallel_loop3A_604 = arith.constant 448 : i32
        %parallel_loop3A_605 = vector.broadcast %parallel_loop3A_604 : i32 to vector<16xi32>
        %parallel_loop3A_606 = arith.addi %parallel_loop3A_567, %parallel_loop3A_605 : vector<16xi32>
        %parallel_loop3A_607 = tpu.vector_load_idx %arg8[%parallel_loop3A_606, %parallel_loop3A_570] : memref<512x128xf32, #tpu.memory_space<vmem>>[vector<16xi32>, vector<16xi32>], vector<16xf32>,
        %parallel_loop3A_608 = arith.constant 1 : i32
        %parallel_loop3A_609 = arith.constant 3 : i32
        %parallel_loop3A_610 = arith.index_cast %parallel_loop3A_608 : i32 to index
        %parallel_loop3A_611 = arith.index_cast %parallel_loop3A_166 : i32 to index
        %parallel_loop3A_612 = arith.index_cast %parallel_loop3A_609 : i32 to index
        %parallel_loop3A_613 = arith.constant 112 : index
        %parallel_loop3A_614 = tpu.vector_load %arg9[%parallel_loop3A_610, %parallel_loop3A_611, %parallel_loop3A_612, %parallel_loop3A_613] {strides = array<i32>} : memref<2x32x4x128xf32, #tpu.memory_space<vmem>>, vector<16xf32>,
        tpu.vector_store %arg9[%parallel_loop3A_610, %parallel_loop3A_611, %parallel_loop3A_612, %parallel_loop3A_613], %parallel_loop3A_607 {strides = array<i32>} : memref<2x32x4x128xf32, #tpu.memory_space<vmem>>, vector<16xf32>,
      } {sc.loop_unroll_factor = 2 : i64, sc.parallel_access}
      %mul3A_142 = arith.constant 16 : i32
      %mul3A_143 = arith.muli %add3A, %mul3A_142 : i32
      %add3A_144 = arith.addi %mul3A_143, %scan3A_66 : i32
      %dma_start3A_145 = arith.constant 1 : i32
      %dma_start3A_146 = arith.constant 0 : i32
      %dma_start3A_147 = arith.constant 0 : i32
      %dma_start3A_148 = arith.constant 0 : i32
      %dma_start3A_149 = tpu.memref_slice %arg9[%dma_start3A_145, %dma_start3A_146, %dma_start3A_147, %dma_start3A_148] : memref<2x32x4x128xf32, #tpu.memory_space<vmem>> -> memref<1x32x4x128xf32, #tpu.memory_space<vmem>>
      %dma_start3A_150 = tpu.memref_squeeze %dma_start3A_149 : memref<1x32x4x128xf32, #tpu.memory_space<vmem>> -> memref<32x4x128xf32, #tpu.memory_space<vmem>>
      %dma_start3A_151 = arith.constant 0 : i32
      %dma_start3A_152 = arith.constant 4 : i32
      %dma_start3A_153 = arith.constant 0 : i32
      %dma_start3A_154 = tpu.memref_slice %arg5[%add3A_144, %dma_start3A_151, %dma_start3A_152, %dma_start3A_153] : memref<512x32x8x128xf32, #tpu.memory_space<hbm>> -> memref<1x32x4x128xf32, #tpu.memory_space<hbm>>
      %dma_start3A_155 = tpu.memref_squeeze %dma_start3A_154 : memref<1x32x4x128xf32, #tpu.memory_space<hbm>> -> memref<32x4x128xf32, #tpu.memory_space<hbm>>
      %dma_start3A_156 = arith.constant 0 : i32
      %dma_start3A_157 = arith.constant 4 : i32
      %dma_start3A_158 = arith.constant 0 : i32
      %dma_start3A_159 = tpu.memref_slice %arg5[%add3A_144, %dma_start3A_156, %dma_start3A_157, %dma_start3A_158] : memref<512x32x8x128xf32, #tpu.memory_space<hbm>> -> memref<1x32x4x128xf32, #tpu.memory_space<hbm>>
      %dma_start3A_160 = tpu.memref_squeeze %dma_start3A_159 : memref<1x32x4x128xf32, #tpu.memory_space<hbm>> -> memref<32x4x128xf32, #tpu.memory_space<hbm>>
      %dma_start3A_161 = arith.constant 0 : i32
      %dma_start3A_162 = arith.constant 0 : i32
      %dma_start3A_163 = arith.constant 0 : i32
      %dma_start3A_164 = tpu.memref_slice %arg9[%dma_start3A_145, %dma_start3A_161, %dma_start3A_162, %dma_start3A_163] : memref<2x32x4x128xf32, #tpu.memory_space<vmem>> -> memref<1x32x4x128xf32, #tpu.memory_space<vmem>>
      %dma_start3A_165 = tpu.memref_squeeze %dma_start3A_164 : memref<1x32x4x128xf32, #tpu.memory_space<vmem>> -> memref<32x4x128xf32, #tpu.memory_space<vmem>>
      tpu.enqueue_dma source(%dma_start3A_165 : memref<32x4x128xf32, #tpu.memory_space<vmem>>) target(%dma_start3A_160 : memref<32x4x128xf32, #tpu.memory_space<hbm>>) target_semaphore(%arg13 : memref<!tpu.dma_semaphore, #tpu.memory_space<semaphore_mem>>)
    }
    %scan3A_16 = arith.constant 16 : i32
    %mul3A_17 = arith.constant 16 : i32
    %mul3A_18 = arith.muli %add3A, %mul3A_17 : i32
    %add3A_19 = arith.constant 15 : i32
    %add3A_20 = arith.addi %mul3A_18, %add3A_19 : i32
    %dma_wait3A = arith.constant 0 : i32
    %dma_wait3A_21 = arith.constant 0 : i32
    %dma_wait3A_22 = arith.constant 0 : i32
    %dma_wait3A_23 = arith.constant 0 : i32
    %dma_wait3A_24 = tpu.memref_slice %arg9[%dma_wait3A, %dma_wait3A_21, %dma_wait3A_22, %dma_wait3A_23] : memref<2x32x4x128xf32, #tpu.memory_space<vmem>> -> memref<1x32x4x128xf32, #tpu.memory_space<vmem>>
    %dma_wait3A_25 = tpu.memref_squeeze %dma_wait3A_24 : memref<1x32x4x128xf32, #tpu.memory_space<vmem>> -> memref<32x4x128xf32, #tpu.memory_space<vmem>>
    %dma_wait3A_26 = arith.constant 0 : i32
    %dma_wait3A_27 = arith.constant 0 : i32
    %dma_wait3A_28 = arith.constant 0 : i32
    %dma_wait3A_29 = tpu.memref_slice %arg5[%add3A_20, %dma_wait3A_26, %dma_wait3A_27, %dma_wait3A_28] : memref<512x32x8x128xf32, #tpu.memory_space<hbm>> -> memref<1x32x4x128xf32, #tpu.memory_space<hbm>>
    %dma_wait3A_30 = tpu.memref_squeeze %dma_wait3A_29 : memref<1x32x4x128xf32, #tpu.memory_space<hbm>> -> memref<32x4x128xf32, #tpu.memory_space<hbm>>
    %dma_wait3A_31 = arith.constant 0 : i32
    %dma_wait3A_32 = arith.constant 0 : i32
    %dma_wait3A_33 = arith.constant 0 : i32
    %dma_wait3A_34 = tpu.memref_slice %arg5[%add3A_20, %dma_wait3A_31, %dma_wait3A_32, %dma_wait3A_33] : memref<512x32x8x128xf32, #tpu.memory_space<hbm>> -> memref<1x32x4x128xf32, #tpu.memory_space<hbm>>
    %dma_wait3A_35 = tpu.memref_squeeze %dma_wait3A_34 : memref<1x32x4x128xf32, #tpu.memory_space<hbm>> -> memref<32x4x128xf32, #tpu.memory_space<hbm>>
    %dma_wait3A_36 = arith.constant 0 : i32
    %dma_wait3A_37 = arith.constant 0 : i32
    %dma_wait3A_38 = arith.constant 0 : i32
    %dma_wait3A_39 = tpu.memref_slice %arg9[%dma_wait3A, %dma_wait3A_36, %dma_wait3A_37, %dma_wait3A_38] : memref<2x32x4x128xf32, #tpu.memory_space<vmem>> -> memref<1x32x4x128xf32, #tpu.memory_space<vmem>>
    %dma_wait3A_40 = tpu.memref_squeeze %dma_wait3A_39 : memref<1x32x4x128xf32, #tpu.memory_space<vmem>> -> memref<32x4x128xf32, #tpu.memory_space<vmem>>
    tpu.wait_dma2 semaphore(%arg12 : memref<!tpu.dma_semaphore, #tpu.memory_space<semaphore_mem>>) src(%dma_wait3A_40 : memref<32x4x128xf32, #tpu.memory_space<vmem>>) dst(%dma_wait3A_35 : memref<32x4x128xf32, #tpu.memory_space<hbm>>)
    %mul3A_41 = arith.constant 16 : i32
    %mul3A_42 = arith.muli %add3A, %mul3A_41 : i32
    %add3A_43 = arith.constant 15 : i32
    %add3A_44 = arith.addi %mul3A_42, %add3A_43 : i32
    %dma_wait3A_45 = arith.constant 1 : i32
    %dma_wait3A_46 = arith.constant 0 : i32
    %dma_wait3A_47 = arith.constant 0 : i32
    %dma_wait3A_48 = arith.constant 0 : i32
    %dma_wait3A_49 = tpu.memref_slice %arg9[%dma_wait3A_45, %dma_wait3A_46, %dma_wait3A_47, %dma_wait3A_48] : memref<2x32x4x128xf32, #tpu.memory_space<vmem>> -> memref<1x32x4x128xf32, #tpu.memory_space<vmem>>
    %dma_wait3A_50 = tpu.memref_squeeze %dma_wait3A_49 : memref<1x32x4x128xf32, #tpu.memory_space<vmem>> -> memref<32x4x128xf32, #tpu.memory_space<vmem>>
    %dma_wait3A_51 = arith.constant 0 : i32
    %dma_wait3A_52 = arith.constant 4 : i32
    %dma_wait3A_53 = arith.constant 0 : i32
    %dma_wait3A_54 = tpu.memref_slice %arg5[%add3A_44, %dma_wait3A_51, %dma_wait3A_52, %dma_wait3A_53] : memref<512x32x8x128xf32, #tpu.memory_space<hbm>> -> memref<1x32x4x128xf32, #tpu.memory_space<hbm>>
    %dma_wait3A_55 = tpu.memref_squeeze %dma_wait3A_54 : memref<1x32x4x128xf32, #tpu.memory_space<hbm>> -> memref<32x4x128xf32, #tpu.memory_space<hbm>>
    %dma_wait3A_56 = arith.constant 0 : i32
    %dma_wait3A_57 = arith.constant 4 : i32
    %dma_wait3A_58 = arith.constant 0 : i32
    %dma_wait3A_59 = tpu.memref_slice %arg5[%add3A_44, %dma_wait3A_56, %dma_wait3A_57, %dma_wait3A_58] : memref<512x32x8x128xf32, #tpu.memory_space<hbm>> -> memref<1x32x4x128xf32, #tpu.memory_space<hbm>>
    %dma_wait3A_60 = tpu.memref_squeeze %dma_wait3A_59 : memref<1x32x4x128xf32, #tpu.memory_space<hbm>> -> memref<32x4x128xf32, #tpu.memory_space<hbm>>
    %dma_wait3A_61 = arith.constant 0 : i32
    %dma_wait3A_62 = arith.constant 0 : i32
    %dma_wait3A_63 = arith.constant 0 : i32
    %dma_wait3A_64 = tpu.memref_slice %arg9[%dma_wait3A_45, %dma_wait3A_61, %dma_wait3A_62, %dma_wait3A_63] : memref<2x32x4x128xf32, #tpu.memory_space<vmem>> -> memref<1x32x4x128xf32, #tpu.memory_space<vmem>>
    %dma_wait3A_65 = tpu.memref_squeeze %dma_wait3A_64 : memref<1x32x4x128xf32, #tpu.memory_space<vmem>> -> memref<32x4x128xf32, #tpu.memory_space<vmem>>
    tpu.wait_dma2 semaphore(%arg13 : memref<!tpu.dma_semaphore, #tpu.memory_space<semaphore_mem>>) src(%dma_wait3A_65 : memref<32x4x128xf32, #tpu.memory_space<vmem>>) dst(%dma_wait3A_60 : memref<32x4x128xf32, #tpu.memory_space<hbm>>)
    return
  }
}

</mosaic_0001>

<sc_bundles>
// kernel: kernel.3.cloned.1.call-start
scs
__scs_entry_jumppad:
0x0: {  	(pc) =	sbr.rel $0x88, $3  }
0x1: {  	(tag) =	ssettag $0x0;
	lr =	simm.s32 $0x1  }
0x2: {  	[smem:$0x3F9F] =	sst lr;
	_ =	strace $0xD0000000  }
0x3: {  	_ = 	snop  }
0x4: {  	_ = 	snop  }
0x5: {  	_ = 	snop  }
0x6: {  	_ = 	snop  }
0x7: {  	_ = 	snop  }
__scs_overlays_trampoline_lowered:
0x8: {  	[smem:$0x3FAE] =	sst s0  }
0x9: {  	[smem:$0x3FAF] =	sst s1  }
0xa: {  	[smem:$0x3FB0] =	sst s2  }
0xb: {  	[smem:$0x3FB1] =	sst s3  }
0xc: {  	[smem:$0x3FB2] =	sst s4  }
0xd: {  	[smem:$0x3FB3] =	sst s5  }
0xe: {  	[smem:$0x3FB4] =	sst s6  }
0xf: {  	[smem:$0x3FB5] =	sst s7  }
0x10: {  	[smem:$0x3FB6] =	sst s8  }
0x11: {  	[smem:$0x3FB7] =	sst s9;
	s0 =	simm.s32 @!p0 $0x0  }
0x12: {  	s1 =	sld [smem:$0x3F9D];
	s0 =	simm.s32 @p0 $0x1  }
0x13: {  	[smem:$0x3FB8] =	sst s0;
	s0 =	simm.s32 @!p1 $0x0  }
0x14: {  	s2 =	sld [smem:$0x3F9C];
	s0 =	simm.s32 @p1 $0x1  }
0x15: {  	[smem:$0x3FB9] =	sst s0;
	s0 =	simm.s32 @!p2 $0x0  }
0x16: {  	s3 =	sld [smem:$0x3FDB];
	s0 =	simm.s32 @p2 $0x1  }
0x17: {  	s4 =	simm.s32 $0x1BF5;
	[smem:$0x3FBB] =	sst s0  }
0x18: {  	s0 =	sld [smem:$0x3F9E];
	_ =	swait.ge [sflag:s4], $0x0  }
0x19: {  	s7 =	sld [smem:$0x3F9F]  }
0x1a: {  	s8 =	sadd.s32 $0xFFFFE003, lr  }
0x1b: {  	s9 =	sadd.s32 $0xFFFFFEF7, lr;
	s5 =	simm.s32 $0xFFFFFFFF;
	p2 =	slt.u32 s8, $0xFFFFF086  }
0x1c: {  	p1 =	slt.u32 s9, $0xF7A;
	s5 =	simm.s32 @!p2 $0x0  }
0x1d: {  	s5 =	simm.s32 @p1 $0x1;
	p0 =	seq.s32 s7, s2  }
0x1e: {  	s7 =	smul.u32 @!p0 $0xF7A, s2;
	p2 =	seq.s32 @!p0 s5, $0x0  }
0x1f: {  	s9 =	smul.u32 $0xF7A, s1;
	s8 =	simm.s32 @!p0 $0x1BF5;
	p2 =	por !p2, p0  }
0x20: {  	[sflag:s8] =	ssyncset.s32 @!p0 $0xFFFFF086;
	s6 =	sadd.s32 @!p0 s3, s7;
	s7 =	simm.s32 @!p0 $0x108  }
0x21: {  	s3 =	sadd.s32 s3, s9;
	s6 =	sadd.s32 @!p0 $0x88, s6;
	s7 =	simm.s32 @p2 $0x1082  }
0x22: {  	[simem:s7], [sflag:s8] =	dma.local @!p0 [hbm:s6], $0xF7A  }
0x23: {  	s9 =	sor.u32 $0xD0000000, s2;
	s6 =	simm.s32 $0x108;
	_ =	swait.ge @!p0 [sflag:s8], $0x0  }
0x24: {  	s3 =	sadd.s32 $0x88, s3;
	s6 =	simm.s32 @!p1 $0x1082;
	[sflag:s4] =	ssyncset.s32 $0xFFFFF086  }
0x25: {  	[simem:s6], [sflag:s4] =	dma.local [hbm:s3], $0xF7A  }
0x26: {  	[smem:$0x3F9F] =	sst s1;
	(tag) =	ssettag s2;
	_ =	strace s9  }
0x27: {  	s1 =	sld [smem:$0x3FAF]  }
0x28: {  	s2 =	sld [smem:$0x3FB0]  }
0x29: {  	s4 =	sld [smem:$0x3FB2]  }
0x2a: {  	p0 =	seq.s32 s5, $0x0;
	s5 =	sld [smem:$0x3FB3]  }
0x2b: {  	s6 =	sld [smem:$0x3FB4]  }
0x2c: {  	s7 =	sld [smem:$0x3FB5]  }
0x2d: {  	s3 =	simm.s32 $0x108;
	s8 =	sld [smem:$0x3FB6]  }
0x2e: {  	s3 =	simm.s32 @!p0 $0x1082;
	s9 =	sld [smem:$0x3FB7]  }
0x2f: {  	lr =	sadd.s32 s0, s3;
	s0 =	sld [smem:$0x3FAE]  }
0x30: {  	s3 =	sld [smem:$0x3FB1]  }
0x31: {  	[smem:$0x3FBA] =	sst s10  }
0x32: {  	s10 =	sld [smem:$0x3FB8];
	_ =	sdelay $0x3  }
0x33: {  	p0 =	seq.s32 s10, $0x1;
	s10 =	sld [smem:$0x3FBA];
	_ =	sdelay $0x3  }
0x34: {  	[smem:$0x3FBA] =	sst s10  }
0x35: {  	s10 =	sld [smem:$0x3FB9];
	_ =	sdelay $0x3  }
0x36: {  	p1 =	seq.s32 s10, $0x1;
	s10 =	sld [smem:$0x3FBA];
	_ =	sdelay $0x3  }
0x37: {  	[smem:$0x3FBA] =	sst s10  }
0x38: {  	s10 =	sld [smem:$0x3FBB]  }
0x39: {  	_ = 	snop;
	(pc) =	sbr.ind lr, $3  }
0x3a: {  	_ = 	snop  }
0x3b: {  	_ = 	snop  }
0x3c: {  	p2 =	seq.s32 s10, $0x1;
	s10 =	sld [smem:$0x3FBA]  }
0x3d: {  	_ =	shalt  }
0x3e: {  	_ =	shalt  }
0x3f: {  	_ =	shalt  }
0x40: {  	_ =	shalt  }
0x41: {  	_ =	shalt  }
0x42: {  	_ =	shalt  }
0x43: {  	_ =	shalt  }
0x44: {  	_ =	shalt  }
0x45: {  	_ =	shalt  }
0x46: {  	_ =	shalt  }
0x47: {  	_ =	shalt  }
0x48: {  	_ =	shalt  }
0x49: {  	_ =	shalt  }
0x4a: {  	_ =	shalt  }
0x4b: {  	_ =	shalt  }
0x4c: {  	_ =	shalt  }
0x4d: {  	_ =	shalt  }
0x4e: {  	_ =	shalt  }
0x4f: {  	_ =	shalt  }
0x50: {  	_ =	shalt  }
0x51: {  	_ =	shalt  }
0x52: {  	_ =	shalt  }
0x53: {  	_ =	shalt  }
0x54: {  	_ =	shalt  }
0x55: {  	_ =	shalt  }
0x56: {  	_ =	shalt  }
0x57: {  	_ =	shalt  }
0x58: {  	_ =	shalt  }
0x59: {  	_ =	shalt  }
0x5a: {  	_ =	shalt  }
0x5b: {  	_ =	shalt  }
0x5c: {  	_ =	shalt  }
0x5d: {  	_ =	shalt  }
0x5e: {  	_ =	shalt  }
0x5f: {  	_ =	shalt  }
0x60: {  	_ =	shalt  }
0x61: {  	_ =	shalt  }
0x62: {  	_ =	shalt  }
0x63: {  	_ =	shalt  }
0x64: {  	_ =	shalt  }
0x65: {  	_ =	shalt  }
0x66: {  	_ =	shalt  }
0x67: {  	_ =	shalt  }
0x68: {  	_ =	shalt  }
0x69: {  	_ =	shalt  }
0x6a: {  	_ =	shalt  }
0x6b: {  	_ =	shalt  }
0x6c: {  	_ =	shalt  }
0x6d: {  	_ =	shalt  }
0x6e: {  	_ =	shalt  }
0x6f: {  	_ =	shalt  }
0x70: {  	_ =	shalt  }
0x71: {  	_ =	shalt  }
0x72: {  	_ =	shalt  }
0x73: {  	_ =	shalt  }
0x74: {  	_ =	shalt  }
0x75: {  	_ =	shalt  }
0x76: {  	_ =	shalt  }
0x77: {  	_ =	shalt  }
0x78: {  	_ =	shalt  }
0x79: {  	_ =	shalt  }
0x7a: {  	_ =	shalt  }
0x7b: {  	_ =	shalt  }
0x7c: {  	_ =	shalt  }
0x7d: {  	_ =	shalt  }
0x7e: {  	_ =	shalt  }
0x7f: {  	_ =	shalt  }
0x80: {  	_ =	shalt  }
0x81: {  	_ =	shalt  }
0x82: {  	_ =	shalt  }
0x83: {  	_ =	shalt  }
0x84: {  	_ =	shalt  }
0x85: {  	_ =	shalt  }
0x86: {  	_ =	shalt  }
0x87: {  	_ =	shalt  }
.Lfunc_end0:
.L_simem_size_0:
called_computation_lowered:
.L_overlay_start_0:
0x88: {  	s2 =	sld [smem:$0x3FD9]  }
0x89: {  	s3 =	sld [smem:$0x3FFE];
	_ =	sdelay $0x1  }
0x8a: {  	s1 =	srdreg.scid  }
0x8b: {  	s0 =	sand.u32 $0x1, s1  }
0x8c: {  	s17 =	sshll.u32 s0, $0xA;
	s2 =	sadd.s32 s3, s2  }
0x8d: {  	s2 =	sadd.s32 s2, s17  }
0x8e: {  	[smem:$0x3FC6] =	sst s2  }
0x8f: {  	_ = 	snop  }
0x90: {  	s2 =	sld [smem:$0x3FC9]  }
0x91: {  	s18 =	sld [smem:$0x3FC8]  }
0x92: {  	s4 =	sld [smem:$0x3FD0];
	(tm) =	ssettm $0x1  }
0x93: {  	s5 =	sld [smem:$0x3FFB];
	_ =	sdelay $0x3  }
0x94: {  	_ =	strace s5  }
0x95: {  	s5 =	sld [smem:$0x3FFC];
	_ =	sdelay $0x3  }
0x96: {  	_ =	strace s5  }
0x97: {  	s5 =	sld [smem:$0x3FFD];
	_ =	sdelay $0x3  }
0x98: {  	_ =	strace s5  }
0x99: {  	_ =	strace $0x8FFFFFFF  }
0x9a: {  	s19 =	sld [smem:$0x3FDB];
	_ =	sdelay $0x1  }
0x9b: {  	s6 =	simm.s32 $_scs_section_size  }
0x9c: {  	s7 =	simm.s32 $_size__tile_overlayer_lowered;
	s8 =	simm.s32 $_tile_overlayer_lowered  }
0x9d: {  	s22 =	simm.s32 $0x1BFF;
	s21 =	sshll.u32 s8, $0x1;
	s5 =	sadd.s32 s6, s19  }
0x9e: {  	s9 =	simm.s32 $0x0;
	s20 =	sshll.u32 s7, $0x1;
	s7 =	sadd.s32 s21, s5  }
0x9f: {  	[timem:s9], [sflag:s22] =	dma.local [hbm:s7], s20  }
0xa0: {  	_ =	swait.ge [sflag:s22], s20  }
0xa1: {  	s6 =	ssub.s32 $0x0, s20;
	[sflag:s22] =	ssyncset.done $0x0  }
0xa2: {  	[sflag:s22] =	ssyncadd.s32 s6;
	_ =	sdelay $0x1  }
0xa3: {  	s23 =	simm.s32 $0x1B8B  }
0xa4: {  	_ =	swait.ge [sflag:s23], $0x1  }
0xa5: {  	[sflag:s23] =	ssyncset.done $0x0  }
0xa6: {  	s25 =	simm.s32 $0x1B8E;
	s24 =	sld [smem:$0x3FFE];
	[sflag:s23] =	ssyncadd.s32 $0xFFFFFFFF  }
0xa7: {  	s26 =	simm.s32 $execute0_lowered;
	[smem:$0x3FD2] =	sst s25  }
0xa8: {  	s7 =	sshll.u32 s26, $0x1;
	_ =	strace $0x80000046;
	[dreg:$0x1] =	wrdreg $0xFFFFFFFF  }
0xa9: {  	s28 =	simm.s32 $_size_execute0_lowered;
	s5 =	sadd.s32 s5, s7;
	[dreg:$0x0] =	wrdreg $0x0  }
0xaa: {  	s7 =	sshll.u32 s28, $0x1;
	[dreg:$0x2] =	wrdreg s5  }
0xab: {  	[dreg:$0x3] =	wrdreg s7  }
0xac: {  	[dreg:$0x4] =	wrdreg $0xC0  }
0xad: {  	_ =	task [dreg:s9], $0x5FFFF  }
0xae: {  	[dreg:$0x1] =	wrdreg $0xFFFFFFFF  }
0xaf: {  	[dreg:$0x0] =	wrdreg $0x60  }
0xb0: {  	[dreg:$0x2] =	wrdreg s2  }
0xb1: {  	[dreg:$0x3] =	wrdreg s24  }
0xb2: {  	[dreg:$0x4] =	wrdreg s18  }
0xb3: {  	[dreg:$0x5] =	wrdreg s4  }
0xb4: {  	[dreg:$0x6] =	wrdreg $0x9  }
0xb5: {  	_ =	task.clear_ibuf [dreg:s9], $0x7FFFF;
	_ =	strace $0x90000046  }
0xb6: {  	s29 =	simm.s32 $0x9;
	_ =	strace $0x80000048  }
0xb7: {  	_ =	swait.ge [sflag:s29], $0x1  }
0xb8: {  	[sflag:s29] =	ssyncadd.s32 $0xFFFFFFFF  }
0xb9: {  	_ =	strace $0x90000048  }
0xba: {  	_ =	sfence  }
0xbb: {  	s30 =	sld [smem:$0x0];
	_ =	sdelay $0x2  }
0xbc: {  	s31 =	sshll.u32 s1, $0xD;
	s1 =	sshrl.u32 s1, $0x2  }
0xbd: {  	s3 =	sand.u32 $0x4000, s31;
	s1 =	sadd.s32 s1, s30  }
0xbe: {  	s0 =	sor.u32 s3, s0;
	s1 =	sshll.u32 s1, $0x11  }
0xbf: {  	s0 =	sor.u32 s1, s0  }
0xc0: {  	s0 =	sadd.s32 $0x8F2B, s0  }
0xc1: {  	[sflag:s0] =	ssyncadd.remote.s32 $0x1  }
0xc2: {  	_ =	sfence.sel $0xFFFF  }
0xc3: {  	[dreg:$0x0] =	wrdreg $0xFFFFFFFF;
	(pc) =	sbr.abs _section_cstart, $3  }
0xc4: {  	[dreg:$0x1] =	wrdreg $0xFFFFFFFF  }
0xc5: {  	_ =	task.clear_ibuf [dreg:s9], $0x2FFFF;
	_ =	strace $0x9FFFFFFF  }
0xc6: {  	(tm) =	ssettm $0x7FFFFFFF  }
0xc7: {  	_ =	shalt  }
tec
execute0_lowered:
.L_overlay_start_1:
0x0: {  	(tag) =	ssettag $0x1  }
0x1: {  	s0 =	rddreg [dreg:$0x1]  }
0x2: {  	s3 =	rddreg [dreg:$0x2]  }
0x3: {  	s4 =	rddreg [dreg:$0x3]  }
0x4: {  	s1 =	srdreg.scid;
	s2 =	stileid.u32  }
0x5: {  	s5 =	simm.s32 $0x0;
	s10 =	simm.s32 $0x5;
	s12 =	simm.s32 $0x100  }
0x6: {  	s13 =	simm.s32 $0x3000;
	s14 =	simm.s32 $0xB000;
	s15 =	simm.s32 $0x1  }
0x7: {  	s16 =	simm.s32 $0x200;
	s17 =	simm.s32 $0x400;
	s18 =	simm.s32 $0x13000  }
0x8: {  	s19 =	simm.s32 $0x2;
	s1 =	sand.u32 $0x1, s1;
	s2 =	sshll.u32 s2, $0x1  }
0x9: {  	s20 =	simm.s32 $0x4;
	s21 =	simm.s32 $0x17000;
	s2 =	sor.u32 s1, s2  }
0xa: {  	s22 =	simm.s32 $0x3;
	s1 =	ssub.s32 $0x2, s1;
	s30 =	sshll.u32 s2, $0xA  }
0xb: {  	s23 =	simm.s32 $0x0;
	s6 =	sshrl.u32 s1, $0x1;
	s0 =	sadd.s32 s30, s0  }
0xc: {  	[smem:$0x7FF] =	sst s5;
	s1 =	ssub.s32 s1, s6;
	s0 =	sadd.s32 $0x400, s0  }
0xd: {  	_ =	strace $0x80000047;
	s31 =	smax.u32 s1, $0x1;
	[dreg:$0x5] =	wrdreg s0  }
0xe: {  	s8 =	sadd.s32 $0x40, s4;
	s7 =	sshll.u32 s2, $0x10;
	[dreg:$0x6] =	wrdreg s31  }
.LBB2_1:
0xf: {  	s0 =	rddreg [dreg:$0x0];
	s1 =	simm.s32 $0x0  }
0x10: {  	[tilespmem:s1], [sflag:$0x5] =	stream.linear.gather [hbm4b:s0+s1], $0x1000, $0x38;
	[tilespmem:$0x1B000] =	vst v63  }
0x11: {  	_ =	swait.ge [sflag:s10], $0x1000  }
0x12: {  	[sflag:s10] =	ssyncset.done $0x0  }
0x13: {  	s2 =	simm.s32 $0x1000;
	s31 =	rddreg [dreg:$0x5];
	[sflag:s10] =	ssyncadd.s32 $0xFFFFF000  }
0x14: {  	[tilespmem:s2], [sflag:$0x5] =	stream.linear.gather [hbm4b:s31+s1], $0x2000, $0x38;
	[tilespmem:$0x1B000] =	vst v63  }
0x15: {  	_ =	swait.ge [sflag:s10], $0x2000  }
0x16: {  	[sflag:s10] =	ssyncset.done $0x0  }
0x17: {  	s24 =	simm.s32 $0x0;
	[sflag:s10] =	ssyncadd.s32 $0xFFFFE000  }
0x18: {  	[tilespmem:s13], [sflag:$0x1] =	stream.indirect.gather [hbm4b:s3+s12], $0x80, s2, s12, $0xb8;
	[tilespmem:$0x1B000] =	vst v63  }
.LBB2_2:
0x19: {  	s0 =	sshll.u32 s24, $0x9  }
0x1a: {  	s26 =	sand.u32 $0x3FFFFE00, s0  }
0x1b: {  	s0 =	sadd.s32 $0x1100, s26  }
0x1c: {  	[tilespmem:s14], [sflag:$0x2] =	stream.indirect.gather [hbm4b:s3+s12], $0x80, s0, s12, $0xb8;
	[tilespmem:$0x1B000] =	vst v63  }
0x1d: {  	_ =	swait.ge [sflag:s15], $0x8000  }
0x1e: {  	p0 =	seq.s32 s24, $0x0;
	[sflag:s15] =	ssyncset.done $0x0  }
0x1f: {  	s0 =	simm.s32 @!p0 $0x3;
	[sflag:s15] =	ssyncadd.s32 $0xFFFF8000  }
0x20: {  	_ =	swait.ge @!p0 [sflag:s0], $0x4000  }
0x21: {  	[sflag:s0] =	ssyncset.done @!p0 $0x0  }
0x22: {  	s1 =	simm.s32 $0x80;
	[sflag:s0] =	ssyncadd.s32 @!p0 $0xFFFFC000  }
0x23: {  	v0 =	vld [tilespmem:s1+$0x0];
	_ =	sdelay $0x4  }
0x24: {  	v1 =	vld [tilespmem:s1+$0xFFFFFF80];
	_ =	sdelay $0x2  }
0x25: {  	v2 =	vld.idx.msk [tilespmem:v0+s13+$0x0], $0xffff  }
0x26: {  	v3 =	vadd.s32 $0x2000, v0;
	_ =	sdelay $0x2  }
0x27: {  	s25 =	simm.s32 $0x13200  }
0x28: {  	v4 =	vld.idx.msk [tilespmem:v1+s13+$0x0], $0xffff;
	[tilespmem:s25+$0x0] =	vst v2  }
0x29: {  	v5 =	vadd.s32 $0x2000, v1;
	v2 =	vld.idx.msk [tilespmem:v3+s13+$0x0], $0xffff  }
0x2a: {  	v3 =	vadd.s32 $0x4000, v0;
	_ =	sdelay $0x2  }
0x2b: {  	[tilespmem:s25+$0xFFFFFE00] =	vst v4  }
0x2c: {  	v4 =	vld.idx.msk [tilespmem:v5+s13+$0x0], $0xffff;
	[tilespmem:s25+$0x80] =	vst v2  }
0x2d: {  	v2 =	vld.idx.msk [tilespmem:v3+s13+$0x0], $0xffff  }
0x2e: {  	v0 =	vadd.s32 $0x6000, v0;
	_ =	sdelay $0x3  }
0x2f: {  	v3 =	vadd.s32 $0x4000, v1;
	[tilespmem:s25+$0x100] =	vst v2  }
0x30: {  	v0 =	vld.idx.msk [tilespmem:v0+s13+$0x0], $0xffff;
	_ =	sdelay $0x2  }
0x31: {  	[tilespmem:s25+$0xFFFFFE80] =	vst v4  }
0x32: {  	v2 =	vld.idx.msk [tilespmem:v3+s13+$0x0], $0xffff  }
0x33: {  	v1 =	vadd.s32 $0x6000, v1;
	[tilespmem:s25+$0x180] =	vst v0  }
0x34: {  	v0 =	vld [tilespmem:s1+$0x10];
	_ =	sdelay $0x2  }
0x35: {  	[tilespmem:s25+$0xFFFFFF00] =	vst v2  }
0x36: {  	v1 =	vld.idx.msk [tilespmem:v1+s13+$0x0], $0xffff;
	_ =	sdelay $0x3  }
0x37: {  	v2 =	vld.idx.msk [tilespmem:v0+s13+$0x0], $0xffff  }
0x38: {  	[tilespmem:s25+$0xFFFFFF80] =	vst v1;
	v1 =	vadd.s32 $0x2000, v0  }
0x39: {  	v3 =	vld [tilespmem:s1+$0xFFFFFF90];
	_ =	sdelay $0x2  }
0x3a: {  	[tilespmem:s25+$0x10] =	vst v2  }
0x3b: {  	v1 =	vld.idx.msk [tilespmem:v1+s13+$0x0], $0xffff  }
0x3c: {  	v2 =	vadd.s32 $0x4000, v0;
	_ =	sdelay $0x2  }
0x3d: {  	v4 =	vld.idx.msk [tilespmem:v3+s13+$0x0], $0xffff  }
0x3e: {  	v5 =	vadd.s32 $0x2000, v3;
	[tilespmem:s25+$0x90] =	vst v1  }
0x3f: {  	v1 =	vld.idx.msk [tilespmem:v2+s13+$0x0], $0xffff  }
0x40: {  	v0 =	vadd.s32 $0x6000, v0;
	_ =	sdelay $0x1  }
0x41: {  	[tilespmem:s25+$0xFFFFFE10] =	vst v4  }
0x42: {  	v2 =	vld.idx.msk [tilespmem:v5+s13+$0x0], $0xffff  }
0x43: {  	v4 =	vadd.s32 $0x4000, v3;
	[tilespmem:s25+$0x110] =	vst v1  }
0x44: {  	v0 =	vld.idx.msk [tilespmem:v0+s13+$0x0], $0xffff;
	_ =	sdelay $0x2  }
0x45: {  	[tilespmem:s25+$0xFFFFFE90] =	vst v2  }
0x46: {  	v1 =	vld.idx.msk [tilespmem:v4+s13+$0x0], $0xffff  }
0x47: {  	v2 =	vadd.s32 $0x6000, v3;
	[tilespmem:s25+$0x190] =	vst v0  }
0x48: {  	v0 =	vld [tilespmem:s1+$0x20];
	_ =	sdelay $0x2  }
0x49: {  	[tilespmem:s25+$0xFFFFFF10] =	vst v1  }
0x4a: {  	s11 =	simm.s32 $0x180;
	v1 =	vld.idx.msk [tilespmem:v2+s13+$0x0], $0xffff  }
0x4b: {  	v2 =	vld [tilespmem:s11+$0x0];
	_ =	sdelay $0x2  }
0x4c: {  	v3 =	vld.idx.msk [tilespmem:v0+s13+$0x0], $0xffff  }
0x4d: {  	[tilespmem:s25+$0xFFFFFF90] =	vst v1;
	v1 =	vld [tilespmem:s11+$0xFFFFFF80];
	v4 =	vadd.s32 $0x2000, v0  }
0x4e: {  	v5 =	vld [tilespmem:s1+$0xFFFFFFA0];
	_ =	sdelay $0x2  }
0x4f: {  	v6 =	vld.idx.msk [tilespmem:v2+s13+$0x0], $0xffff;
	[tilespmem:s25+$0x20] =	vst v3  }
0x50: {  	v3 =	vld.idx.msk [tilespmem:v4+s13+$0x0], $0xffff;
	v4 =	vadd.s32 $0x2000, v2  }
0x51: {  	v7 =	vadd.s32 $0x4000, v0;
	_ =	sdelay $0x1  }
0x52: {  	s28 =	simm.s32 $0x13600;
	v8 =	vld.idx.msk [tilespmem:v1+s13+$0x0], $0xffff  }
0x53: {  	v9 =	vadd.s32 $0x2000, v1;
	[tilespmem:s28+$0x0] =	vst v6;
	v10 =	vld.idx.msk [tilespmem:v5+s13+$0x0], $0xffff  }
0x54: {  	v6 =	vadd.s32 $0x2000, v5;
	v4 =	vld.idx.msk [tilespmem:v4+s13+$0x0], $0xffff;
	[tilespmem:s25+$0xA0] =	vst v3  }
0x55: {  	v3 =	vld.idx.msk [tilespmem:v7+s13+$0x0], $0xffff;
	v7 =	vadd.s32 $0x4000, v2  }
0x56: {  	v0 =	vadd.s32 $0x6000, v0  }
0x57: {  	[tilespmem:s28+$0xFFFFFE00] =	vst v8  }
0x58: {  	[tilespmem:s25+$0xFFFFFE20] =	vst v10;
	v8 =	vld.idx.msk [tilespmem:v9+s13+$0x0], $0xffff  }
0x59: {  	v9 =	vadd.s32 $0x4000, v1;
	v6 =	vld.idx.msk [tilespmem:v6+s13+$0x0], $0xffff;
	[tilespmem:s28+$0x80] =	vst v4  }
0x5a: {  	v4 =	vadd.s32 $0x4000, v5;
	v7 =	vld.idx.msk [tilespmem:v7+s13+$0x0], $0xffff;
	[tilespmem:s25+$0x120] =	vst v3  }
0x5b: {  	v2 =	vadd.s32 $0x6000, v2;
	v0 =	vld.idx.msk [tilespmem:v0+s13+$0x0], $0xffff;
	_ =	sdelay $0x1  }
0x5c: {  	[tilespmem:s28+$0xFFFFFE80] =	vst v8  }
0x5d: {  	[tilespmem:s25+$0xFFFFFEA0] =	vst v6;
	v3 =	vld.idx.msk [tilespmem:v9+s13+$0x0], $0xffff  }
0x5e: {  	v1 =	vadd.s32 $0x6000, v1;
	v4 =	vld.idx.msk [tilespmem:v4+s13+$0x0], $0xffff;
	[tilespmem:s28+$0x100] =	vst v7  }
0x5f: {  	v5 =	vadd.s32 $0x6000, v5;
	v2 =	vld.idx.msk [tilespmem:v2+s13+$0x0], $0xffff;
	[tilespmem:s25+$0x1A0] =	vst v0  }
0x60: {  	v0 =	vld [tilespmem:s1+$0x30];
	_ =	sdelay $0x1  }
0x61: {  	[tilespmem:s28+$0xFFFFFF00] =	vst v3  }
0x62: {  	v1 =	vld.idx.msk [tilespmem:v1+s13+$0x0], $0xffff;
	[tilespmem:s25+$0xFFFFFF20] =	vst v4  }
0x63: {  	v3 =	vld.idx.msk [tilespmem:v5+s13+$0x0], $0xffff;
	[tilespmem:s28+$0x180] =	vst v2  }
0x64: {  	v2 =	vld [tilespmem:s11+$0x10];
	_ =	sdelay $0x2  }
0x65: {  	[tilespmem:s28+$0xFFFFFF80] =	vst v1;
	v4 =	vld.idx.msk [tilespmem:v0+s13+$0x0], $0xffff  }
0x66: {  	v1 =	vadd.s32 $0x2000, v0;
	[tilespmem:s25+$0xFFFFFFA0] =	vst v3;
	v3 =	vld [tilespmem:s11+$0xFFFFFF90]  }
0x67: {  	v5 =	vld [tilespmem:s1+$0xFFFFFFB0];
	_ =	sdelay $0x2  }
0x68: {  	v6 =	vld.idx.msk [tilespmem:v2+s13+$0x0], $0xffff;
	[tilespmem:s25+$0x30] =	vst v4  }
0x69: {  	v4 =	vadd.s32 $0x2000, v2;
	v1 =	vld.idx.msk [tilespmem:v1+s13+$0x0], $0xffff  }
0x6a: {  	v7 =	vadd.s32 $0x4000, v0;
	_ =	sdelay $0x1  }
0x6b: {  	v8 =	vld.idx.msk [tilespmem:v3+s13+$0x0], $0xffff  }
0x6c: {  	v10 =	vadd.s32 $0x2000, v3;
	v9 =	vld.idx.msk [tilespmem:v5+s13+$0x0], $0xffff;
	[tilespmem:s28+$0x10] =	vst v6  }
0x6d: {  	v6 =	vadd.s32 $0x2000, v5;
	[tilespmem:s25+$0xB0] =	vst v1;
	v1 =	vld.idx.msk [tilespmem:v4+s13+$0x0], $0xffff  }
0x6e: {  	v4 =	vld.idx.msk [tilespmem:v7+s13+$0x0], $0xffff;
	v7 =	vadd.s32 $0x4000, v2  }
0x6f: {  	v0 =	vadd.s32 $0x6000, v0  }
0x70: {  	[tilespmem:s28+$0xFFFFFE10] =	vst v8  }
0x71: {  	[tilespmem:s25+$0xFFFFFE30] =	vst v9;
	v8 =	vld.idx.msk [tilespmem:v10+s13+$0x0], $0xffff  }
0x72: {  	v9 =	vadd.s32 $0x4000, v3;
	v6 =	vld.idx.msk [tilespmem:v6+s13+$0x0], $0xffff;
	[tilespmem:s28+$0x90] =	vst v1  }
0x73: {  	v1 =	vadd.s32 $0x4000, v5;
	v7 =	vld.idx.msk [tilespmem:v7+s13+$0x0], $0xffff;
	[tilespmem:s25+$0x130] =	vst v4  }
0x74: {  	v2 =	vadd.s32 $0x6000, v2;
	v0 =	vld.idx.msk [tilespmem:v0+s13+$0x0], $0xffff;
	_ =	sdelay $0x1  }
0x75: {  	[tilespmem:s28+$0xFFFFFE90] =	vst v8  }
0x76: {  	[tilespmem:s25+$0xFFFFFEB0] =	vst v6;
	v4 =	vld.idx.msk [tilespmem:v9+s13+$0x0], $0xffff  }
0x77: {  	v3 =	vadd.s32 $0x6000, v3;
	v1 =	vld.idx.msk [tilespmem:v1+s13+$0x0], $0xffff;
	[tilespmem:s28+$0x110] =	vst v7  }
0x78: {  	v5 =	vadd.s32 $0x6000, v5;
	v2 =	vld.idx.msk [tilespmem:v2+s13+$0x0], $0xffff;
	[tilespmem:s25+$0x1B0] =	vst v0  }
0x79: {  	v0 =	vld [tilespmem:s1+$0x40];
	_ =	sdelay $0x1  }
0x7a: {  	[tilespmem:s28+$0xFFFFFF10] =	vst v4  }
0x7b: {  	[tilespmem:s25+$0xFFFFFF30] =	vst v1;
	v1 =	vld.idx.msk [tilespmem:v3+s13+$0x0], $0xffff  }
0x7c: {  	v3 =	vld.idx.msk [tilespmem:v5+s13+$0x0], $0xffff;
	[tilespmem:s28+$0x190] =	vst v2  }
0x7d: {  	v2 =	vld [tilespmem:s11+$0x20];
	_ =	sdelay $0x2  }
0x7e: {  	[tilespmem:s28+$0xFFFFFF90] =	vst v1;
	v4 =	vld.idx.msk [tilespmem:v0+s13+$0x0], $0xffff  }
0x7f: {  	s30 =	simm.s32 $0x280;
	v5 =	vadd.s32 $0x2000, v0;
	v1 =	vld [tilespmem:s11+$0xFFFFFFA0]  }
0x80: {  	[tilespmem:s25+$0xFFFFFFB0] =	vst v3;
	v3 =	vld [tilespmem:s30+$0x0]  }
0x81: {  	v7 =	vld [tilespmem:s30+$0xFFFFFF80]  }
0x82: {  	v6 =	vld [tilespmem:s1+$0xFFFFFFC0]  }
0x83: {  	v8 =	vld.idx.msk [tilespmem:v2+s13+$0x0], $0xffff;
	[tilespmem:s25+$0x40] =	vst v4  }
0x84: {  	v4 =	vld.idx.msk [tilespmem:v5+s13+$0x0], $0xffff;
	v5 =	vadd.s32 $0x2000, v2  }
0x85: {  	v9 =	vadd.s32 $0x4000, v0;
	_ =	sdelay $0x1  }
0x86: {  	v10 =	vld.idx.msk [tilespmem:v1+s13+$0x0], $0xffff  }
0x87: {  	v11 =	vadd.s32 $0x2000, v1;
	v12 =	vld.idx.msk [tilespmem:v3+s13+$0x0], $0xffff;
	[tilespmem:s28+$0x20] =	vst v8  }
0x88: {  	v5 =	vld.idx.msk [tilespmem:v5+s13+$0x0], $0xffff;
	[tilespmem:s25+$0xC0] =	vst v4;
	v4 =	vadd.s32 $0x2000, v3  }
0x89: {  	v8 =	vld.idx.msk [tilespmem:v9+s13+$0x0], $0xffff;
	v9 =	vadd.s32 $0x4000, v2  }
0x8a: {  	v0 =	vadd.s32 $0x6000, v0;
	v13 =	vld.idx.msk [tilespmem:v6+s13+$0x0], $0xffff  }
0x8b: {  	s29 =	simm.s32 $0x13A00;
	v15 =	vld.idx.msk [tilespmem:v7+s13+$0x0], $0xffff;
	v14 =	vadd.s32 $0x2000, v6;
	[tilespmem:s28+$0xFFFFFE20] =	vst v10  }
0x8c: {  	v10 =	vadd.s32 $0x2000, v7;
	[tilespmem:s29+$0x0] =	vst v12;
	v11 =	vld.idx.msk [tilespmem:v11+s13+$0x0], $0xffff  }
0x8d: {  	v12 =	vadd.s32 $0x4000, v1;
	v4 =	vld.idx.msk [tilespmem:v4+s13+$0x0], $0xffff;
	[tilespmem:s28+$0xA0] =	vst v5  }
0x8e: {  	v5 =	vld.idx.msk [tilespmem:v9+s13+$0x0], $0xffff;
	[tilespmem:s25+$0x140] =	vst v8;
	v8 =	vadd.s32 $0x4000, v3  }
0x8f: {  	v2 =	vadd.s32 $0x6000, v2;
	[tilespmem:s25+$0xFFFFFE40] =	vst v13;
	v0 =	vld.idx.msk [tilespmem:v0+s13+$0x0], $0xffff  }
0x90: {  	[tilespmem:s29+$0xFFFFFE00] =	vst v15;
	v9 =	vld.idx.msk [tilespmem:v14+s13+$0x0], $0xffff  }
0x91: {  	v13 =	vadd.s32 $0x4000, v6;
	v10 =	vld.idx.msk [tilespmem:v10+s13+$0x0], $0xffff;
	[tilespmem:s28+$0xFFFFFEA0] =	vst v11  }
0x92: {  	v11 =	vadd.s32 $0x4000, v7;
	v12 =	vld.idx.msk [tilespmem:v12+s13+$0x0], $0xffff;
	[tilespmem:s29+$0x80] =	vst v4  }
0x93: {  	v1 =	vadd.s32 $0x6000, v1;
	v4 =	vld.idx.msk [tilespmem:v8+s13+$0x0], $0xffff;
	[tilespmem:s28+$0x120] =	vst v5  }
0x94: {  	v2 =	vld.idx.msk [tilespmem:v2+s13+$0x0], $0xffff;
	[tilespmem:s25+$0x1C0] =	vst v0;
	v0 =	vadd.s32 $0x6000, v3  }
0x95: {  	[tilespmem:s25+$0xFFFFFEC0] =	vst v9;
	v3 =	vld [tilespmem:s1+$0x50]  }
0x96: {  	v5 =	vld.idx.msk [tilespmem:v13+s13+$0x0], $0xffff;
	[tilespmem:s29+$0xFFFFFE80] =	vst v10  }
0x97: {  	v6 =	vadd.s32 $0x6000, v6;
	v8 =	vld.idx.msk [tilespmem:v11+s13+$0x0], $0xffff;
	[tilespmem:s28+$0xFFFFFF20] =	vst v12  }
0x98: {  	v1 =	vld.idx.msk [tilespmem:v1+s13+$0x0], $0xffff;
	[tilespmem:s29+$0x100] =	vst v4  }
0x99: {  	v4 =	vadd.s32 $0x6000, v7;
	v0 =	vld.idx.msk [tilespmem:v0+s13+$0x0], $0xffff;
	[tilespmem:s28+$0x1A0] =	vst v2  }
0x9a: {  	v2 =	vld [tilespmem:s11+$0x30]  }
0x9b: {  	[tilespmem:s25+$0xFFFFFF40] =	vst v5  }
0x9c: {  	v5 =	vld.idx.msk [tilespmem:v6+s13+$0x0], $0xffff  }
0x9d: {  	[tilespmem:s29+$0xFFFFFF00] =	vst v8;
	v6 =	vld.idx.msk [tilespmem:v3+s13+$0x0], $0xffff  }
0x9e: {  	[tilespmem:s28+$0xFFFFFFA0] =	vst v1;
	v1 =	vld.idx.msk [tilespmem:v4+s13+$0x0], $0xffff;
	v4 =	vadd.s32 $0x2000, v3  }
0x9f: {  	[tilespmem:s29+$0x180] =	vst v0;
	v0 =	vld [tilespmem:s11+$0xFFFFFFB0]  }
0xa0: {  	v7 =	vld [tilespmem:s30+$0x10];
	_ =	sdelay $0x1  }
0xa1: {  	v8 =	vld.idx.msk [tilespmem:v2+s13+$0x0], $0xffff;
	[tilespmem:s25+$0x50] =	vst v6  }
0xa2: {  	[tilespmem:s29+$0xFFFFFF80] =	vst v1;
	v1 =	vld.idx.msk [tilespmem:v4+s13+$0x0], $0xffff  }
0xa3: {  	v4 =	vadd.s32 $0x2000, v2;
	v6 =	vld [tilespmem:s30+$0xFFFFFF90]  }
0xa4: {  	[tilespmem:s25+$0xFFFFFFC0] =	vst v5;
	v5 =	vadd.s32 $0x4000, v3  }
0xa5: {  	v9 =	vld [tilespmem:s1+$0xFFFFFFD0]  }
0xa6: {  	v10 =	vld.idx.msk [tilespmem:v0+s13+$0x0], $0xffff  }
0xa7: {  	v11 =	vadd.s32 $0x2000, v0;
	v12 =	vld.idx.msk [tilespmem:v7+s13+$0x0], $0xffff;
	[tilespmem:s28+$0x30] =	vst v8  }
0xa8: {  	v4 =	vld.idx.msk [tilespmem:v4+s13+$0x0], $0xffff;
	[tilespmem:s25+$0xD0] =	vst v1;
	v1 =	vadd.s32 $0x2000, v7  }
0xa9: {  	v8 =	vadd.s32 $0x4000, v2;
	v5 =	vld.idx.msk [tilespmem:v5+s13+$0x0], $0xffff  }
0xaa: {  	v3 =	vadd.s32 $0x6000, v3  }
0xab: {  	v13 =	vld.idx.msk [tilespmem:v6+s13+$0x0], $0xffff;
	[tilespmem:s28+$0xFFFFFE30] =	vst v10  }
0xac: {  	v10 =	vadd.s32 $0x2000, v6;
	[tilespmem:s29+$0x10] =	vst v12;
	v11 =	vld.idx.msk [tilespmem:v11+s13+$0x0], $0xffff  }
0xad: {  	v12 =	vadd.s32 $0x4000, v0;
	[tilespmem:s28+$0xB0] =	vst v4;
	v1 =	vld.idx.msk [tilespmem:v1+s13+$0x0], $0xffff  }
0xae: {  	v4 =	vld.idx.msk [tilespmem:v8+s13+$0x0], $0xffff;
	[tilespmem:s25+$0x150] =	vst v5;
	v5 =	vadd.s32 $0x4000, v7  }
0xaf: {  	v2 =	vadd.s32 $0x6000, v2;
	v3 =	vld.idx.msk [tilespmem:v3+s13+$0x0], $0xffff  }
0xb0: {  	v8 =	vld.idx.msk [tilespmem:v9+s13+$0x0], $0xffff;
	[tilespmem:s29+$0xFFFFFE10] =	vst v13  }
0xb1: {  	v10 =	vld.idx.msk [tilespmem:v10+s13+$0x0], $0xffff;
	[tilespmem:s28+$0xFFFFFEB0] =	vst v11  }
0xb2: {  	v11 =	vadd.s32 $0x2000, v9;
	v12 =	vld.idx.msk [tilespmem:v12+s13+$0x0], $0xffff;
	[tilespmem:s29+$0x90] =	vst v1  }
0xb3: {  	v1 =	vadd.s32 $0x4000, v6;
	v5 =	vld.idx.msk [tilespmem:v5+s13+$0x0], $0xffff;
	[tilespmem:s28+$0x130] =	vst v4  }
0xb4: {  	v0 =	vadd.s32 $0x6000, v0;
	v2 =	vld.idx.msk [tilespmem:v2+s13+$0x0], $0xffff;
	[tilespmem:s25+$0x1D0] =	vst v3  }
0xb5: {  	v3 =	vadd.s32 $0x6000, v7;
	v4 =	vld [tilespmem:s1+$0x60]  }
0xb6: {  	[tilespmem:s25+$0xFFFFFE50] =	vst v8  }
0xb7: {  	v7 =	vld.idx.msk [tilespmem:v11+s13+$0x0], $0xffff;
	[tilespmem:s29+$0xFFFFFE90] =	vst v10  }
0xb8: {  	v1 =	vld.idx.msk [tilespmem:v1+s13+$0x0], $0xffff;
	[tilespmem:s28+$0xFFFFFF30] =	vst v12  }
0xb9: {  	[tilespmem:s29+$0x110] =	vst v5;
	v5 =	vadd.s32 $0x6000, v6;
	v0 =	vld.idx.msk [tilespmem:v0+s13+$0x0], $0xffff  }
0xba: {  	v3 =	vld.idx.msk [tilespmem:v3+s13+$0x0], $0xffff;
	[tilespmem:s28+$0x1B0] =	vst v2;
	v2 =	vadd.s32 $0x4000, v9  }
0xbb: {  	s31 =	simm.s32 $0x380;
	v6 =	vld [tilespmem:s11+$0x40]  }
0xbc: {  	v10 =	vld [tilespmem:s31+$0x0]  }
0xbd: {  	[tilespmem:s29+$0xFFFFFF10] =	vst v1;
	v1 =	vld.idx.msk [tilespmem:v4+s13+$0x0], $0xffff  }
0xbe: {  	[tilespmem:s25+$0xFFFFFED0] =	vst v7;
	v5 =	vld.idx.msk [tilespmem:v5+s13+$0x0], $0xffff  }
0xbf: {  	v2 =	vld.idx.msk [tilespmem:v2+s13+$0x0], $0xffff;
	[tilespmem:s29+$0x190] =	vst v3  }
0xc0: {  	v7 =	vadd.s32 $0x2000, v4;
	[tilespmem:s28+$0xFFFFFFB0] =	vst v0;
	v0 =	vld [tilespmem:s30+$0x20]  }
0xc1: {  	v8 =	vld [tilespmem:s11+$0xFFFFFFC0]  }
0xc2: {  	v11 =	vld [tilespmem:s31+$0xFFFFFF80];
	v3 =	vadd.s32 $0x6000, v9;
	[tilespmem:s25+$0x60] =	vst v1  }
0xc3: {  	v9 =	vld.idx.msk [tilespmem:v6+s13+$0x0], $0xffff;
	[tilespmem:s29+$0xFFFFFF90] =	vst v5  }
0xc4: {  	[tilespmem:s25+$0xFFFFFF50] =	vst v2;
	v2 =	vld [tilespmem:s30+$0xFFFFFFA0]  }
0xc5: {  	v5 =	vadd.s32 $0x2000, v6;
	v1 =	vld.idx.msk [tilespmem:v7+s13+$0x0], $0xffff  }
0xc6: {  	v16 =	vld.idx.msk [tilespmem:v10+s13+$0x0], $0xffff;
	v7 =	vadd.s32 $0x4000, v4  }
0xc7: {  	v3 =	vld.idx.msk [tilespmem:v3+s13+$0x0], $0xffff  }
0xc8: {  	v12 =	vld.idx.msk [tilespmem:v0+s13+$0x0], $0xffff  }
0xc9: {  	[tilespmem:s28+$0x40] =	vst v9;
	v9 =	vld.idx.msk [tilespmem:v8+s13+$0x0], $0xffff  }
0xca: {  	v5 =	vld.idx.msk [tilespmem:v5+s13+$0x0], $0xffff;
	[tilespmem:s25+$0xE0] =	vst v1;
	v1 =	vadd.s32 $0x2000, v0  }
0xcb: {  	v13 =	vadd.s32 $0x4000, v6;
	v7 =	vld.idx.msk [tilespmem:v7+s13+$0x0], $0xffff  }
0xcc: {  	v4 =	vadd.s32 $0x6000, v4;
	[tilespmem:s25+$0xFFFFFFD0] =	vst v3;
	v3 =	vld.idx.msk [tilespmem:v2+s13+$0x0], $0xffff  }
0xcd: {  	v17 =	vld.idx.msk [tilespmem:v11+s13+$0x0], $0xffff;
	v15 =	vadd.s32 $0x2000, v2;
	[tilespmem:s29+$0x20] =	vst v12  }
0xce: {  	v14 =	vld [tilespmem:s1+$0xFFFFFFE0];
	v12 =	vadd.s32 $0x2000, v8;
	[tilespmem:s28+$0xFFFFFE40] =	vst v9  }
0xcf: {  	v9 =	vadd.s32 $0x2000, v11;
	v1 =	vld.idx.msk [tilespmem:v1+s13+$0x0], $0xffff;
	[tilespmem:s28+$0xC0] =	vst v5  }
0xd0: {  	v5 =	vadd.s32 $0x2000, v10;
	v13 =	vld.idx.msk [tilespmem:v13+s13+$0x0], $0xffff;
	[tilespmem:s25+$0x160] =	vst v7  }
0xd1: {  	v7 =	vadd.s32 $0x4000, v0;
	v4 =	vld.idx.msk [tilespmem:v4+s13+$0x0], $0xffff;
	[tilespmem:s29+$0xFFFFFE20] =	vst v3  }
0xd2: {  	s0 =	simm.s32 $0x13E00;
	v3 =	vadd.s32 $0x6000, v6;
	v6 =	vld.idx.msk [tilespmem:v15+s13+$0x0], $0xffff  }
0xd3: {  	[tilespmem:s0+$0xFFFFFE00] =	vst v17;
	v12 =	vld.idx.msk [tilespmem:v12+s13+$0x0], $0xffff  }
0xd4: {  	[tilespmem:s0+$0x0] =	vst v16;
	v15 =	vadd.s32 $0x4000, v2;
	v9 =	vld.idx.msk [tilespmem:v9+s13+$0x0], $0xffff  }
0xd5: {  	v5 =	vld.idx.msk [tilespmem:v5+s13+$0x0], $0xffff;
	[tilespmem:s29+$0xA0] =	vst v1;
	v1 =	vadd.s32 $0x4000, v8  }
0xd6: {  	v7 =	vld.idx.msk [tilespmem:v7+s13+$0x0], $0xffff;
	[tilespmem:s28+$0x140] =	vst v13  }
0xd7: {  	[tilespmem:s25+$0x1E0] =	vst v4;
	v4 =	vadd.s32 $0x4000, v10;
	v3 =	vld.idx.msk [tilespmem:v3+s13+$0x0], $0xffff  }
0xd8: {  	v0 =	vadd.s32 $0x6000, v0;
	v13 =	vld [tilespmem:s1+$0x70];
	[tilespmem:s29+$0xFFFFFEA0] =	vst v6  }
0xd9: {  	[tilespmem:s28+$0xFFFFFEC0] =	vst v12;
	v6 =	vld.idx.msk [tilespmem:v15+s13+$0x0], $0xffff  }
0xda: {  	v12 =	vadd.s32 $0x4000, v11;
	v1 =	vld.idx.msk [tilespmem:v1+s13+$0x0], $0xffff  }
0xdb: {  	[tilespmem:s0+$0x80] =	vst v5;
	v5 =	vld.idx.msk [tilespmem:v14+s13+$0x0], $0xffff  }
0xdc: {  	v2 =	vadd.s32 $0x6000, v2;
	[tilespmem:s29+$0x120] =	vst v7;
	v4 =	vld.idx.msk [tilespmem:v4+s13+$0x0], $0xffff  }
0xdd: {  	v7 =	vadd.s32 $0x6000, v8;
	v0 =	vld.idx.msk [tilespmem:v0+s13+$0x0], $0xffff;
	[tilespmem:s28+$0x1C0] =	vst v3  }
0xde: {  	[tilespmem:s0+$0xFFFFFE80] =	vst v9;
	v3 =	vadd.s32 $0x6000, v10;
	v8 =	vld [tilespmem:s11+$0x50]  }
0xdf: {  	[tilespmem:s29+$0xFFFFFF20] =	vst v6;
	v6 =	vld.idx.msk [tilespmem:v12+s13+$0x0], $0xffff  }
0xe0: {  	v10 =	vadd.s32 $0x2000, v14;
	v9 =	vld.idx.msk [tilespmem:v13+s13+$0x0], $0xffff  }
0xe1: {  	[tilespmem:s28+$0xFFFFFF40] =	vst v1;
	v1 =	vld.idx.msk [tilespmem:v2+s13+$0x0], $0xffff;
	v2 =	vadd.s32 $0x2000, v13  }
0xe2: {  	[tilespmem:s0+$0x100] =	vst v4;
	v4 =	vld.idx.msk [tilespmem:v7+s13+$0x0], $0xffff  }
0xe3: {  	v7 =	vadd.s32 $0x6000, v11;
	[tilespmem:s29+$0x1A0] =	vst v0;
	v3 =	vld.idx.msk [tilespmem:v3+s13+$0x0], $0xffff  }
0xe4: {  	[tilespmem:s25+$0xFFFFFE60] =	vst v5;
	v0 =	vld [tilespmem:s30+$0x30]  }
0xe5: {  	v5 =	vld.idx.msk [tilespmem:v10+s13+$0x0], $0xffff;
	[tilespmem:s25+$0x70] =	vst v9  }
0xe6: {  	[tilespmem:s0+$0xFFFFFF00] =	vst v6;
	v2 =	vld.idx.msk [tilespmem:v2+s13+$0x0], $0xffff  }
0xe7: {  	[tilespmem:s29+$0xFFFFFFA0] =	vst v1;
	v6 =	vld.idx.msk [tilespmem:v8+s13+$0x0], $0xffff  }
0xe8: {  	v1 =	vld.idx.msk [tilespmem:v7+s13+$0x0], $0xffff;
	v7 =	vadd.s32 $0x2000, v8;
	[tilespmem:s28+$0xFFFFFFC0] =	vst v4  }
0xe9: {  	[tilespmem:s0+$0x180] =	vst v3;
	v3 =	vld [tilespmem:s30+$0xFFFFFFB0]  }
0xea: {  	v4 =	vadd.s32 $0x4000, v13;
	v11 =	vld [tilespmem:s11+$0xFFFFFFD0]  }
0xeb: {  	v10 =	vadd.s32 $0x4000, v14;
	v9 =	vld [tilespmem:s31+$0x10]  }
0xec: {  	v12 =	vld.idx.msk [tilespmem:v0+s13+$0x0], $0xffff;
	[tilespmem:s28+$0x50] =	vst v6  }
0xed: {  	[tilespmem:s0+$0xFFFFFF80] =	vst v1;
	v1 =	vld.idx.msk [tilespmem:v7+s13+$0x0], $0xffff  }
0xee: {  	[tilespmem:s25+$0xF0] =	vst v2;
	v6 =	vld [tilespmem:s31+$0xFFFFFF90]  }
0xef: {  	[tilespmem:s25+$0xFFFFFEE0] =	vst v5;
	v2 =	vadd.s32 $0x2000, v0;
	v4 =	vld.idx.msk [tilespmem:v4+s13+$0x0], $0xffff  }
0xf0: {  	v5 =	vadd.s32 $0x4000, v8;
	v7 =	vld.idx.msk [tilespmem:v10+s13+$0x0], $0xffff  }
0xf1: {  	v10 =	vld.idx.msk [tilespmem:v3+s13+$0x0], $0xffff  }
0xf2: {  	[tilespmem:s29+$0x30] =	vst v12;
	v12 =	vadd.s32 $0x6000, v14;
	v17 =	vld.idx.msk [tilespmem:v11+s13+$0x0], $0xffff  }
0xf3: {  	v15 =	vadd.s32 $0x2000, v3;
	v16 =	vld.idx.msk [tilespmem:v9+s13+$0x0], $0xffff  }
0xf4: {  	v2 =	vld.idx.msk [tilespmem:v2+s13+$0x0], $0xffff;
	[tilespmem:s28+$0xD0] =	vst v1;
	v1 =	vadd.s32 $0x2000, v9  }
0xf5: {  	v14 =	vadd.s32 $0x4000, v0;
	v5 =	vld.idx.msk [tilespmem:v5+s13+$0x0], $0xffff  }
0xf6: {  	v8 =	vadd.s32 $0x6000, v8;
	[tilespmem:s25+$0xFFFFFF60] =	vst v7;
	v18 =	vld.idx.msk [tilespmem:v6+s13+$0x0], $0xffff  }
0xf7: {  	[tilespmem:s29+$0xFFFFFE30] =	vst v10;
	v10 =	vadd.s32 $0x2000, v11;
	v12 =	vld.idx.msk [tilespmem:v12+s13+$0x0], $0xffff  }
0xf8: {  	v7 =	vld.idx.msk [tilespmem:v15+s13+$0x0], $0xffff;
	v15 =	vadd.s32 $0x2000, v6;
	[tilespmem:s0+$0x10] =	vst v16  }
0xf9: {  	[tilespmem:s29+$0xB0] =	vst v2;
	v1 =	vld.idx.msk [tilespmem:v1+s13+$0x0], $0xffff  }
0xfa: {  	v16 =	vadd.s32 $0x4000, v3;
	v2 =	vld.idx.msk [tilespmem:v14+s13+$0x0], $0xffff;
	[tilespmem:s28+$0x150] =	vst v5  }
0xfb: {  	[tilespmem:s28+$0xFFFFFE50] =	vst v17;
	v5 =	vadd.s32 $0x4000, v9;
	v8 =	vld.idx.msk [tilespmem:v8+s13+$0x0], $0xffff  }
0xfc: {  	v14 =	vadd.s32 $0x6000, v0;
	[tilespmem:s0+$0xFFFFFE10] =	vst v18;
	v10 =	vld.idx.msk [tilespmem:v10+s13+$0x0], $0xffff  }
0xfd: {  	[tilespmem:s25+$0xFFFFFFE0] =	vst v12;
	v15 =	vld.idx.msk [tilespmem:v15+s13+$0x0], $0xffff  }
0xfe: {  	[tilespmem:s29+$0xFFFFFEB0] =	vst v7;
	v0 =	vld [tilespmem:s1+$0xFFFFFFF0]  }
0xff: {  	v7 =	vadd.s32 $0x6000, v13;
	v13 =	vld.idx.msk [tilespmem:v16+s13+$0x0], $0xffff;
	[tilespmem:s0+$0x90] =	vst v1  }
0x100: {  	v12 =	vadd.s32 $0x4000, v6;
	[tilespmem:s29+$0x130] =	vst v2;
	v5 =	vld.idx.msk [tilespmem:v5+s13+$0x0], $0xffff  }
0x101: {  	v3 =	vadd.s32 $0x6000, v3;
	s1 =	simm.s32 $0x480;
	v2 =	vld.idx.msk [tilespmem:v14+s13+$0x0], $0xffff  }
0x102: {  	v14 =	vld [tilespmem:s1+$0xFFFFFF80];
	[tilespmem:s28+$0x1D0] =	vst v8;
	v8 =	vadd.s32 $0x6000, v9  }
0x103: {  	[tilespmem:s25+$0x170] =	vst v4;
	v4 =	vld [tilespmem:s11+$0x60]  }
0x104: {  	v9 =	vadd.s32 $0x4000, v11;
	v1 =	vld.idx.msk [tilespmem:v7+s13+$0x0], $0xffff;
	[tilespmem:s0+$0xFFFFFE90] =	vst v15  }
0x105: {  	v7 =	vld.idx.msk [tilespmem:v12+s13+$0x0], $0xffff;
	[tilespmem:s29+$0xFFFFFF30] =	vst v13  }
0x106: {  	v3 =	vld.idx.msk [tilespmem:v3+s13+$0x0], $0xffff;
	[tilespmem:s0+$0x110] =	vst v5  }
0x107: {  	v5 =	vadd.s32 $0x6000, v6;
	[tilespmem:s29+$0x1B0] =	vst v2;
	v6 =	vld.idx.msk [tilespmem:v8+s13+$0x0], $0xffff  }
0x108: {  	[tilespmem:s28+$0xFFFFFED0] =	vst v10;
	v2 =	vld [tilespmem:s30+$0x40]  }
0x109: {  	v8 =	vld.idx.msk [tilespmem:v9+s13+$0x0], $0xffff  }
0x10a: {  	v9 =	vadd.s32 $0x6000, v11;
	v10 =	vld.idx.msk [tilespmem:v0+s13+$0x0], $0xffff  }
0x10b: {  	[tilespmem:s0+$0xFFFFFF10] =	vst v7;
	v7 =	vld.idx.msk [tilespmem:v4+s13+$0x0], $0xffff  }
0x10c: {  	v5 =	vld.idx.msk [tilespmem:v5+s13+$0x0], $0xffff;
	[tilespmem:s29+$0xFFFFFFB0] =	vst v3;
	v3 =	vadd.s32 $0x2000, v4  }
0x10d: {  	v11 =	vld [tilespmem:s30+$0xFFFFFFC0];
	[tilespmem:s0+$0x190] =	vst v6  }
0x10e: {  	v6 =	vadd.s32 $0x2000, v0;
	[tilespmem:s28+$0xFFFFFF50] =	vst v8;
	v8 =	vld [tilespmem:s31+$0x20]  }
0x10f: {  	v9 =	vld.idx.msk [tilespmem:v9+s13+$0x0], $0xffff  }
0x110: {  	v12 =	vld.idx.msk [tilespmem:v2+s13+$0x0], $0xffff;
	[tilespmem:s28+$0x60] =	vst v7  }
0x111: {  	[tilespmem:s0+$0xFFFFFF90] =	vst v5;
	v5 =	vld.idx.msk [tilespmem:v3+s13+$0x0], $0xffff  }
0x112: {  	[tilespmem:s25+$0xFFFFFE70] =	vst v10;
	v7 =	vld [tilespmem:s31+$0xFFFFFFA0]  }
0x113: {  	v10 =	vadd.s32 $0x2000, v2;
	v3 =	vld.idx.msk [tilespmem:v6+s13+$0x0], $0xffff  }
0x114: {  	v13 =	vadd.s32 $0x4000, v4;
	v6 =	vld [tilespmem:s1+$0x0]  }
0x115: {  	v20 =	vld.idx.msk [tilespmem:v14+s13+$0x0], $0xffff;
	[tilespmem:s28+$0xFFFFFFD0] =	vst v9  }
0x116: {  	v17 =	vld [tilespmem:s11+$0xFFFFFFE0]  }
0x117: {  	[tilespmem:s29+$0x40] =	vst v12;
	v15 =	vld.idx.msk [tilespmem:v8+s13+$0x0], $0xffff  }
0x118: {  	v10 =	vld.idx.msk [tilespmem:v10+s13+$0x0], $0xffff;
	[tilespmem:s28+$0xE0] =	vst v5;
	v5 =	vadd.s32 $0x2000, v8  }
0x119: {  	v16 =	vadd.s32 $0x4000, v2;
	v12 =	vld.idx.msk [tilespmem:v13+s13+$0x0], $0xffff  }
0x11a: {  	v4 =	vadd.s32 $0x6000, v4;
	v9 =	vld.idx.msk [tilespmem:v7+s13+$0x0], $0xffff  }
0x11b: {  	v58 =	vadd.s32 $0x2000, v7;
	v13 =	vld.idx.msk [tilespmem:v11+s13+$0x0], $0xffff  }
0x11c: {  	v19 =	vld.idx.msk [tilespmem:v6+s13+$0x0], $0xffff;
	[tilespmem:s0+$0x20] =	vst v15;
	v15 =	vadd.s32 $0x2000, v11  }
0x11d: {  	[tilespmem:s29+$0xC0] =	vst v10;
	v10 =	vadd.s32 $0x2000, v6;
	v5 =	vld.idx.msk [tilespmem:v5+s13+$0x0], $0xffff  }
0x11e: {  	v16 =	vld.idx.msk [tilespmem:v16+s13+$0x0], $0xffff;
	[tilespmem:s28+$0x160] =	vst v12;
	v12 =	vadd.s32 $0x4000, v8  }
0x11f: {  	v2 =	vadd.s32 $0x6000, v2;
	v4 =	vld.idx.msk [tilespmem:v4+s13+$0x0], $0xffff;
	[tilespmem:s0+$0xFFFFFE20] =	vst v9  }
0x120: {  	s2 =	simm.s32 $0x14200;
	[tilespmem:s29+$0xFFFFFE40] =	vst v13;
	v13 =	vadd.s32 $0x2000, v14;
	v9 =	vld.idx.msk [tilespmem:v58+s13+$0x0], $0xffff  }
0x121: {  	[tilespmem:s2+$0x0] =	vst v19;
	v15 =	vld.idx.msk [tilespmem:v15+s13+$0x0], $0xffff  }
0x122: {  	v10 =	vld.idx.msk [tilespmem:v10+s13+$0x0], $0xffff;
	[tilespmem:s0+$0xA0] =	vst v5  }
0x123: {  	v59 =	vadd.s32 $0x4000, v7;
	[tilespmem:s29+$0x140] =	vst v16;
	v12 =	vld.idx.msk [tilespmem:v12+s13+$0x0], $0xffff  }
0x124: {  	[tilespmem:s2+$0xFFFFFE00] =	vst v20;
	v5 =	vadd.s32 $0x4000, v11;
	v2 =	vld.idx.msk [tilespmem:v2+s13+$0x0], $0xffff  }
0x125: {  	v13 =	vld.idx.msk [tilespmem:v13+s13+$0x0], $0xffff;
	[tilespmem:s28+$0x1E0] =	vst v4;
	v4 =	vadd.s32 $0x4000, v6  }
0x126: {  	v8 =	vadd.s32 $0x6000, v8;
	v16 =	vld [tilespmem:s11+$0x70];
	[tilespmem:s0+$0xFFFFFEA0] =	vst v9  }
0x127: {  	[tilespmem:s2+$0x80] =	vst v10;
	v10 =	vld.idx.msk [tilespmem:v17+s13+$0x0], $0xffff  }
0x128: {  	[tilespmem:s29+$0xFFFFFEC0] =	vst v15;
	v15 =	vadd.s32 $0x4000, v14;
	v9 =	vld.idx.msk [tilespmem:v59+s13+$0x0], $0xffff  }
0x129: {  	v5 =	vld.idx.msk [tilespmem:v5+s13+$0x0], $0xffff  }
0x12a: {  	v7 =	vadd.s32 $0x6000, v7;
	[tilespmem:s0+$0x120] =	vst v12;
	v4 =	vld.idx.msk [tilespmem:v4+s13+$0x0], $0xffff  }
0x12b: {  	v11 =	vadd.s32 $0x6000, v11;
	[tilespmem:s29+$0x1C0] =	vst v2;
	v8 =	vld.idx.msk [tilespmem:v8+s13+$0x0], $0xffff  }
0x12c: {  	v2 =	vadd.s32 $0x6000, v6;
	[tilespmem:s2+$0xFFFFFE80] =	vst v13;
	v6 =	vld [tilespmem:s30+$0x50]  }
0x12d: {  	[tilespmem:s0+$0xFFFFFF20] =	vst v9;
	v9 =	vld.idx.msk [tilespmem:v15+s13+$0x0], $0xffff  }
0x12e: {  	v13 =	vadd.s32 $0x2000, v17;
	v12 =	vld.idx.msk [tilespmem:v16+s13+$0x0], $0xffff  }
0x12f: {  	[tilespmem:s29+$0xFFFFFF40] =	vst v5;
	v5 =	vld.idx.msk [tilespmem:v7+s13+$0x0], $0xffff  }
0x130: {  	v7 =	vadd.s32 $0x2000, v16;
	[tilespmem:s2+$0x100] =	vst v4;
	v4 =	vld.idx.msk [tilespmem:v11+s13+$0x0], $0xffff  }
0x131: {  	v11 =	vadd.s32 $0x6000, v14;
	[tilespmem:s0+$0x1A0] =	vst v8;
	v2 =	vld.idx.msk [tilespmem:v2+s13+$0x0], $0xffff  }
0x132: {  	[tilespmem:s28+$0xFFFFFE60] =	vst v10;
	v8 =	vld [tilespmem:s31+$0x30]  }
0x133: {  	v10 =	vld.idx.msk [tilespmem:v13+s13+$0x0], $0xffff;
	[tilespmem:s2+$0xFFFFFF00] =	vst v9  }
0x134: {  	v9 =	vld.idx.msk [tilespmem:v6+s13+$0x0], $0xffff;
	[tilespmem:s28+$0x70] =	vst v12  }
0x135: {  	[tilespmem:s0+$0xFFFFFFA0] =	vst v5;
	v7 =	vld.idx.msk [tilespmem:v7+s13+$0x0], $0xffff  }
0x136: {  	v12 =	vadd.s32 $0x2000, v6;
	v5 =	vld.idx.msk [tilespmem:v11+s13+$0x0], $0xffff;
	[tilespmem:s29+$0xFFFFFFC0] =	vst v4  }
0x137: {  	v11 =	vadd.s32 $0x4000, v16;
	[tilespmem:s2+$0x180] =	vst v2;
	v2 =	vld [tilespmem:s31+$0xFFFFFFB0]  }
0x138: {  	v14 =	vld [tilespmem:s30+$0xFFFFFFD0]  }
0x139: {  	v13 =	vadd.s32 $0x4000, v17;
	v4 =	vld [tilespmem:s1+$0x10]  }
0x13a: {  	[tilespmem:s29+$0x50] =	vst v9;
	v15 =	vld.idx.msk [tilespmem:v8+s13+$0x0], $0xffff  }
0x13b: {  	v9 =	vld.idx.msk [tilespmem:v12+s13+$0x0], $0xffff;
	[tilespmem:s28+$0xF0] =	vst v7  }
0x13c: {  	[tilespmem:s2+$0xFFFFFF80] =	vst v5;
	v7 =	vld.idx.msk [tilespmem:v11+s13+$0x0], $0xffff  }
0x13d: {  	[tilespmem:s28+$0xFFFFFEE0] =	vst v10;
	v12 =	vadd.s32 $0x4000, v6;
	v10 =	vld [tilespmem:s1+$0xFFFFFF90]  }
0x13e: {  	v13 =	vld.idx.msk [tilespmem:v13+s13+$0x0], $0xffff;
	v5 =	vadd.s32 $0x2000, v8  }
0x13f: {  	v11 =	vadd.s32 $0x6000, v16;
	v16 =	vld.idx.msk [tilespmem:v2+s13+$0x0], $0xffff  }
0x140: {  	[tilespmem:s0+$0x30] =	vst v15;
	v61 =	vld.idx.msk [tilespmem:v14+s13+$0x0], $0xffff  }
0x141: {  	v15 =	vadd.s32 $0x2000, v2;
	[tilespmem:s29+$0xD0] =	vst v9;
	v60 =	vld.idx.msk [tilespmem:v4+s13+$0x0], $0xffff  }
0x142: {  	v12 =	vld.idx.msk [tilespmem:v12+s13+$0x0], $0xffff;
	[tilespmem:s28+$0x170] =	vst v7;
	v7 =	vadd.s32 $0x6000, v17  }
0x143: {  	v6 =	vadd.s32 $0x6000, v6;
	v5 =	vld.idx.msk [tilespmem:v5+s13+$0x0], $0xffff  }
0x144: {  	[tilespmem:s28+$0xFFFFFF60] =	vst v13;
	v9 =	vld.idx.msk [tilespmem:v11+s13+$0x0], $0xffff;
	v11 =	vadd.s32 $0x2000, v4  }
0x145: {  	v17 =	vadd.s32 $0x4000, v8;
	v20 =	vld.idx.msk [tilespmem:v10+s13+$0x0], $0xffff;
	[tilespmem:s0+$0xFFFFFE30] =	vst v16  }
0x146: {  	v16 =	vadd.s32 $0x2000, v14;
	[tilespmem:s29+$0xFFFFFE50] =	vst v61;
	v13 =	vld.idx.msk [tilespmem:v15+s13+$0x0], $0xffff  }
0x147: {  	v15 =	vadd.s32 $0x2000, v10;
	[tilespmem:s29+$0x150] =	vst v12;
	v7 =	vld.idx.msk [tilespmem:v7+s13+$0x0], $0xffff  }
0x148: {  	v62 =	vadd.s32 $0x4000, v2;
	[tilespmem:s2+$0x10] =	vst v60;
	v6 =	vld.idx.msk [tilespmem:v6+s13+$0x0], $0xffff  }
0x149: {  	[tilespmem:s0+$0xB0] =	vst v5;
	v5 =	vld.idx.msk [tilespmem:v11+s13+$0x0], $0xffff  }
0x14a: {  	v11 =	vld.idx.msk [tilespmem:v17+s13+$0x0], $0xffff;
	[tilespmem:s2+$0xFFFFFE10] =	vst v20  }
0x14b: {  	v12 =	vadd.s32 $0x4000, v4;
	v16 =	vld.idx.msk [tilespmem:v16+s13+$0x0], $0xffff;
	[tilespmem:s0+$0xFFFFFEB0] =	vst v13  }
0x14c: {  	v8 =	vadd.s32 $0x6000, v8;
	v15 =	vld.idx.msk [tilespmem:v15+s13+$0x0], $0xffff;
	[tilespmem:s28+$0xFFFFFFE0] =	vst v7  }
0x14d: {  	v13 =	vadd.s32 $0x4000, v14;
	v17 =	vld.idx.msk [tilespmem:v62+s13+$0x0], $0xffff;
	[tilespmem:s29+$0x1D0] =	vst v6  }
0x14e: {  	v7 =	vadd.s32 $0x4000, v10;
	[tilespmem:s2+$0x90] =	vst v5;
	v5 =	vld [tilespmem:s11+$0xFFFFFFF0]  }
0x14f: {  	v63 =	vadd.s32 $0x6000, v2;
	v2 =	vld [tilespmem:s30+$0x60]  }
0x150: {  	[tilespmem:s0+$0x130] =	vst v11;
	v11 =	vadd.s32 $0x4000, v0;
	v12 =	vld.idx.msk [tilespmem:v12+s13+$0x0], $0xffff  }
0x151: {  	v4 =	vadd.s32 $0x6000, v4;
	v8 =	vld.idx.msk [tilespmem:v8+s13+$0x0], $0xffff;
	[tilespmem:s29+$0xFFFFFED0] =	vst v16  }
0x152: {  	[tilespmem:s2+$0xFFFFFE90] =	vst v15;
	v13 =	vld.idx.msk [tilespmem:v13+s13+$0x0], $0xffff  }
0x153: {  	v7 =	vld.idx.msk [tilespmem:v7+s13+$0x0], $0xffff;
	[tilespmem:s0+$0xFFFFFF30] =	vst v17  }
0x154: {  	[tilespmem:s25+$0xFFFFFEF0] =	vst v3;
	v3 =	vld.idx.msk [tilespmem:v63+s13+$0x0], $0xffff  }
0x155: {  	v10 =	vadd.s32 $0x6000, v10;
	v11 =	vld.idx.msk [tilespmem:v11+s13+$0x0], $0xffff;
	[tilespmem:s2+$0x110] =	vst v12  }
0x156: {  	[tilespmem:s0+$0x1B0] =	vst v8;
	v4 =	vld.idx.msk [tilespmem:v4+s13+$0x0], $0xffff  }
0x157: {  	v8 =	vadd.s32 $0x6000, v14;
	v6 =	vld [tilespmem:s31+$0x40]  }
0x158: {  	[tilespmem:s25+$0x1F0] =	vst v1;
	v14 =	vld.idx.msk [tilespmem:v5+s13+$0x0], $0xffff  }
0x159: {  	v0 =	vadd.s32 $0x6000, v0;
	v1 =	vld.idx.msk [tilespmem:v2+s13+$0x0], $0xffff;
	[tilespmem:s2+$0xFFFFFF10] =	vst v7  }
0x15a: {  	v7 =	vld.idx.msk [tilespmem:v10+s13+$0x0], $0xffff;
	[tilespmem:s0+$0xFFFFFFB0] =	vst v3  }
0x15b: {  	[tilespmem:s29+$0xFFFFFF50] =	vst v13;
	v10 =	vadd.s32 $0x2000, v2;
	v12 =	vld [tilespmem:s31+$0xFFFFFFC0]  }
0x15c: {  	[tilespmem:s2+$0x190] =	vst v4;
	v4 =	vld.idx.msk [tilespmem:v8+s13+$0x0], $0xffff  }
0x15d: {  	v16 =	vadd.s32 $0x2000, v5;
	[tilespmem:s25+$0xFFFFFF70] =	vst v11;
	v11 =	vld [tilespmem:s1+$0x20]  }
0x15e: {  	[tilespmem:s28+$0x1F0] =	vst v9;
	v3 =	vld.idx.msk [tilespmem:v0+s13+$0x0], $0xffff  }
0x15f: {  	[tilespmem:s29+$0x60] =	vst v1;
	v13 =	vld.idx.msk [tilespmem:v6+s13+$0x0], $0xffff  }
0x160: {  	v9 =	vadd.s32 $0x4000, v2;
	[tilespmem:s2+$0xFFFFFF90] =	vst v7;
	v8 =	vld.idx.msk [tilespmem:v10+s13+$0x0], $0xffff  }
0x161: {  	v0 =	vadd.s32 $0x6000, v5;
	v1 =	vadd.s32 $0x4000, v5;
	[tilespmem:s28+$0xFFFFFE70] =	vst v14;
	v14 =	vadd.s32 $0x2000, v6;
	v15 =	vld [tilespmem:s1+$0xFFFFFFA0]  }
0x162: {  	s5 =	simm.s32 $0x8;
	s6 =	simm.s32 $0x580;
	v10 =	vadd.s32 $0x2000, v12;
	v7 =	vadd.s32 $0x4000, v12;
	v5 =	vadd.s32 $0x6000, v12;
	[tilespmem:s29+$0xFFFFFFD0] =	vst v4;
	v4 =	vld.idx.msk [tilespmem:v16+s13+$0x0], $0xffff  }
.LBB2_3:
0x163: {  	v16 =	vld [tilespmem:s6+$0x0]  }
0x164: {  	v17 =	vld [tilespmem:s6+$0xFFFFFF80];
	[tilespmem:s25+$0xFFFFFFF0] =	vst v3;
	s25 =	smov.u32 s28;
	s28 =	smov.u32 s29;
	s29 =	smov.u32 s0  }
0x165: {  	s0 =	smov.u32 s2;
	v3 =	vld.idx.msk [tilespmem:v11+s13+$0x0], $0xffff;
	[tilespmem:s29+$0x40] =	vst v13  }
0x166: {  	v13 =	vadd.s32 $0x2000, v15;
	v18 =	vadd.s32 $0x4000, v15;
	v19 =	vadd.s32 $0x6000, v15;
	v14 =	vld.idx.msk [tilespmem:v14+s13+$0x0], $0xffff;
	[tilespmem:s28+$0xE0] =	vst v8  }
0x167: {  	v8 =	vadd.s32 $0x2000, v11;
	v9 =	vld.idx.msk [tilespmem:v9+s13+$0x0], $0xffff  }
0x168: {  	v20 =	vadd.s32 $0x4000, v6;
	v12 =	vld.idx.msk [tilespmem:v12+s13+$0x0], $0xffff;
	[tilespmem:s25+$0xFFFFFEF0] =	vst v4  }
0x169: {  	s5 =	sadd.s32 $0x2, s5;
	v2 =	vadd.s32 $0x6000, v2;
	v4 =	vadd.s32 $0x2000, v17;
	v21 =	vadd.s32 $0x4000, v17;
	v15 =	vld.idx.msk [tilespmem:v15+s13+$0x0], $0xffff  }
0x16a: {  	p1 =	slt.u32 s5, $0x1E;
	v22 =	vadd.s32 $0x6000, v17;
	v23 =	vld [tilespmem:s30+$0xFFFFFFE0]  }
0x16b: {  	v24 =	vld.idx.msk [tilespmem:v16+s13+$0x0], $0xffff;
	[tilespmem:s2+$0x20] =	vst v3  }
0x16c: {  	v3 =	vld.idx.msk [tilespmem:v8+s13+$0x0], $0xffff;
	[tilespmem:s29+$0xC0] =	vst v14  }
0x16d: {  	v8 =	vadd.s32 $0x2000, v16;
	v14 =	vld.idx.msk [tilespmem:v20+s13+$0x0], $0xffff;
	[tilespmem:s28+$0x160] =	vst v9  }
0x16e: {  	v9 =	vadd.s32 $0x4000, v11;
	[tilespmem:s29+$0xFFFFFE40] =	vst v12;
	v12 =	vld.idx.msk [tilespmem:v2+s13+$0x0], $0xffff  }
0x16f: {  	v6 =	vadd.s32 $0x6000, v6;
	v17 =	vld.idx.msk [tilespmem:v17+s13+$0x0], $0xffff;
	[tilespmem:s2+$0xFFFFFE20] =	vst v15;
	v15 =	vadd.s32 $0x2000, v23;
	v20 =	vadd.s32 $0x4000, v23  }
0x170: {  	s2 =	sadd.s32 $0x400, s2;
	v2 =	vadd.s32 $0x6000, v23;
	v13 =	vld.idx.msk [tilespmem:v13+s13+$0x0], $0xffff  }
0x171: {  	[tilespmem:s2+$0x0] =	vst v24;
	v10 =	vld.idx.msk [tilespmem:v10+s13+$0x0], $0xffff  }
0x172: {  	v8 =	vld.idx.msk [tilespmem:v8+s13+$0x0], $0xffff;
	[tilespmem:s0+$0xA0] =	vst v3  }
0x173: {  	v3 =	vld.idx.msk [tilespmem:v9+s13+$0x0], $0xffff;
	[tilespmem:s29+$0x140] =	vst v14  }
0x174: {  	v6 =	vld.idx.msk [tilespmem:v6+s13+$0x0], $0xffff;
	[tilespmem:s28+$0x1E0] =	vst v12  }
0x175: {  	v9 =	vadd.s32 $0x4000, v16;
	[tilespmem:s2+$0xFFFFFE00] =	vst v17;
	v12 =	vld [tilespmem:s30+$0x70]  }
0x176: {  	v11 =	vadd.s32 $0x6000, v11;
	v4 =	vld.idx.msk [tilespmem:v4+s13+$0x0], $0xffff;
	[tilespmem:s0+$0xFFFFFEA0] =	vst v13  }
0x177: {  	v13 =	vld.idx.msk [tilespmem:v18+s13+$0x0], $0xffff;
	[tilespmem:s29+$0xFFFFFEC0] =	vst v10  }
0x178: {  	v7 =	vld.idx.msk [tilespmem:v7+s13+$0x0], $0xffff  }
0x179: {  	[tilespmem:s2+$0x80] =	vst v8;
	v8 =	vld.idx.msk [tilespmem:v23+s13+$0x0], $0xffff  }
0x17a: {  	v9 =	vld.idx.msk [tilespmem:v9+s13+$0x0], $0xffff;
	[tilespmem:s0+$0x120] =	vst v3  }
0x17b: {  	v3 =	vld.idx.msk [tilespmem:v11+s13+$0x0], $0xffff;
	[tilespmem:s29+$0x1C0] =	vst v6  }
0x17c: {  	[tilespmem:s2+$0xFFFFFE80] =	vst v4;
	v4 =	vadd.s32 $0x6000, v16;
	v6 =	vld [tilespmem:s31+$0x50]  }
0x17d: {  	[tilespmem:s0+$0xFFFFFF20] =	vst v13;
	v10 =	vld.idx.msk [tilespmem:v12+s13+$0x0], $0xffff  }
0x17e: {  	v11 =	vld.idx.msk [tilespmem:v21+s13+$0x0], $0xffff;
	[tilespmem:s29+$0xFFFFFF40] =	vst v7  }
0x17f: {  	v7 =	vld.idx.msk [tilespmem:v19+s13+$0x0], $0xffff;
	[tilespmem:s28+$0xFFFFFE60] =	vst v8;
	v8 =	vadd.s32 $0x2000, v12  }
0x180: {  	[tilespmem:s2+$0x100] =	vst v9;
	v5 =	vld.idx.msk [tilespmem:v5+s13+$0x0], $0xffff  }
0x181: {  	v4 =	vld.idx.msk [tilespmem:v4+s13+$0x0], $0xffff;
	[tilespmem:s0+$0x1A0] =	vst v3  }
0x182: {  	v3 =	vld [tilespmem:s1+$0x30]  }
0x183: {  	v9 =	vld.idx.msk [tilespmem:v15+s13+$0x0], $0xffff;
	[tilespmem:s28+$0x70] =	vst v10  }
0x184: {  	[tilespmem:s2+$0xFFFFFF00] =	vst v11;
	v8 =	vld.idx.msk [tilespmem:v8+s13+$0x0], $0xffff  }
0x185: {  	[tilespmem:s0+$0xFFFFFFA0] =	vst v7;
	v7 =	vld.idx.msk [tilespmem:v6+s13+$0x0], $0xffff  }
0x186: {  	v10 =	vld.idx.msk [tilespmem:v22+s13+$0x0], $0xffff;
	[tilespmem:s29+$0xFFFFFFC0] =	vst v5;
	v5 =	vadd.s32 $0x4000, v12  }
0x187: {  	v11 =	vadd.s32 $0x2000, v6;
	[tilespmem:s2+$0x180] =	vst v4;
	v4 =	vld [tilespmem:s1+$0xFFFFFFB0]  }
0x188: {  	v13 =	vld [tilespmem:s6+$0x10]  }
0x189: {  	v14 =	vld [tilespmem:s31+$0xFFFFFFD0];
	[tilespmem:s28+$0xFFFFFEE0] =	vst v9  }
0x18a: {  	v9 =	vld.idx.msk [tilespmem:v3+s13+$0x0], $0xffff;
	[tilespmem:s28+$0xF0] =	vst v8  }
0x18b: {  	[tilespmem:s29+$0x50] =	vst v7;
	v5 =	vld.idx.msk [tilespmem:v5+s13+$0x0], $0xffff  }
0x18c: {  	[tilespmem:s2+$0xFFFFFF80] =	vst v10;
	v7 =	vadd.s32 $0x2000, v4;
	v8 =	vadd.s32 $0x4000, v4;
	v10 =	vadd.s32 $0x2000, v3;
	v11 =	vld.idx.msk [tilespmem:v11+s13+$0x0], $0xffff  }
0x18d: {  	v12 =	vadd.s32 $0x6000, v12;
	v16 =	vadd.s32 $0x6000, v4;
	v15 =	vld [tilespmem:s6+$0xFFFFFF90]  }
0x18e: {  	v19 =	vadd.s32 $0x4000, v6;
	v17 =	vadd.s32 $0x2000, v14;
	v18 =	vadd.s32 $0x4000, v14;
	v20 =	vld.idx.msk [tilespmem:v20+s13+$0x0], $0xffff  }
0x18f: {  	v21 =	vadd.s32 $0x6000, v14;
	v4 =	vld.idx.msk [tilespmem:v4+s13+$0x0], $0xffff  }
0x190: {  	v22 =	vld.idx.msk [tilespmem:v13+s13+$0x0], $0xffff;
	[tilespmem:s0+$0x30] =	vst v9  }
0x191: {  	v9 =	vld.idx.msk [tilespmem:v10+s13+$0x0], $0xffff;
	[tilespmem:s28+$0x170] =	vst v5  }
0x192: {  	v5 =	vadd.s32 $0x2000, v15;
	v10 =	vadd.s32 $0x4000, v15;
	v23 =	vadd.s32 $0x6000, v15;
	[tilespmem:s29+$0xD0] =	vst v11;
	v11 =	vld.idx.msk [tilespmem:v12+s13+$0x0], $0xffff  }
0x193: {  	v12 =	vadd.s32 $0x2000, v13;
	v19 =	vld.idx.msk [tilespmem:v19+s13+$0x0], $0xffff  }
0x194: {  	v24 =	vadd.s32 $0x4000, v3;
	v14 =	vld.idx.msk [tilespmem:v14+s13+$0x0], $0xffff;
	[tilespmem:s28+$0xFFFFFF60] =	vst v20  }
0x195: {  	v15 =	vld.idx.msk [tilespmem:v15+s13+$0x0], $0xffff;
	[tilespmem:s0+$0xFFFFFE30] =	vst v4;
	v4 =	vadd.s32 $0x6000, v6  }
0x196: {  	[tilespmem:s2+$0x10] =	vst v22;
	v6 =	vld.idx.msk [tilespmem:v7+s13+$0x0], $0xffff  }
0x197: {  	[tilespmem:s0+$0xB0] =	vst v9;
	v2 =	vld.idx.msk [tilespmem:v2+s13+$0x0], $0xffff  }
0x198: {  	v7 =	vld.idx.msk [tilespmem:v12+s13+$0x0], $0xffff;
	[tilespmem:s28+$0x1F0] =	vst v11  }
0x199: {  	v9 =	vld.idx.msk [tilespmem:v24+s13+$0x0], $0xffff;
	[tilespmem:s29+$0x150] =	vst v19  }
0x19a: {  	v11 =	vadd.s32 $0x4000, v13;
	[tilespmem:s29+$0xFFFFFE50] =	vst v14;
	v4 =	vld.idx.msk [tilespmem:v4+s13+$0x0], $0xffff  }
0x19b: {  	v3 =	vadd.s32 $0x6000, v3;
	[tilespmem:s2+$0xFFFFFE10] =	vst v15;
	v12 =	vld.idx.msk [tilespmem:v17+s13+$0x0], $0xffff  }
0x19c: {  	v5 =	vld.idx.msk [tilespmem:v5+s13+$0x0], $0xffff;
	[tilespmem:s0+$0xFFFFFEB0] =	vst v6  }
0x19d: {  	v6 =	vld.idx.msk [tilespmem:v8+s13+$0x0], $0xffff;
	[tilespmem:s28+$0xFFFFFFE0] =	vst v2  }
0x19e: {  	[tilespmem:s2+$0x90] =	vst v7;
	v7 =	vld [tilespmem:s30+$0xFFFFFFF0];
	s30 =	smov.u32 s31;
	s31 =	smov.u32 s1;
	s1 =	smov.u32 s6  }
0x19f: {  	v8 =	vld.idx.msk [tilespmem:v11+s13+$0x0], $0xffff;
	[tilespmem:s0+$0x130] =	vst v9  }
0x1a0: {  	v3 =	vld.idx.msk [tilespmem:v3+s13+$0x0], $0xffff;
	[tilespmem:s29+$0x1D0] =	vst v4  }
0x1a1: {  	v4 =	vadd.s32 $0x6000, v13;
	[tilespmem:s29+$0xFFFFFED0] =	vst v12;
	v2 =	vld [tilespmem:s30+$0x60]  }
0x1a2: {  	[tilespmem:s2+$0xFFFFFE90] =	vst v5;
	v5 =	vld.idx.msk [tilespmem:v18+s13+$0x0], $0xffff  }
0x1a3: {  	v9 =	vld.idx.msk [tilespmem:v10+s13+$0x0], $0xffff;
	[tilespmem:s0+$0xFFFFFF30] =	vst v6;
	v17 =	vadd.s32 $0x2000, v7;
	v6 =	vadd.s32 $0x4000, v7;
	v10 =	vadd.s32 $0x6000, v7  }
0x1a4: {  	v11 =	vld.idx.msk [tilespmem:v16+s13+$0x0], $0xffff  }
0x1a5: {  	[tilespmem:s2+$0x110] =	vst v8;
	v8 =	vld.idx.msk [tilespmem:v1+s13+$0x0], $0xffff;
	v1 =	vmov v6  }
0x1a6: {  	v4 =	vld.idx.msk [tilespmem:v4+s13+$0x0], $0xffff;
	[tilespmem:s0+$0x1B0] =	vst v3  }
0x1a7: {  	v6 =	vld [tilespmem:s31+$0x40]  }
0x1a8: {  	[tilespmem:s29+$0xFFFFFF50] =	vst v5;
	v3 =	vld.idx.msk [tilespmem:v7+s13+$0x0], $0xffff  }
0x1a9: {  	[tilespmem:s2+$0xFFFFFF10] =	vst v9;
	v5 =	vld.idx.msk [tilespmem:v2+s13+$0x0], $0xffff  }
0x1aa: {  	v7 =	vld.idx.msk [tilespmem:v23+s13+$0x0], $0xffff;
	[tilespmem:s0+$0xFFFFFFB0] =	vst v11  }
0x1ab: {  	v9 =	vadd.s32 $0x2000, v2;
	v12 =	vld [tilespmem:s31+$0xFFFFFFC0];
	[tilespmem:s25+$0xFFFFFF70] =	vst v8  }
0x1ac: {  	[tilespmem:s2+$0x190] =	vst v4;
	v4 =	vld.idx.msk [tilespmem:v21+s13+$0x0], $0xffff  }
0x1ad: {  	v11 =	vld [tilespmem:s6+$0x20]  }
.Ltmp0:
0x1ae: {  	[tilespmem:s28+$0xFFFFFE70] =	vst v3;
	v3 =	vld.idx.msk [tilespmem:v0+s13+$0x0], $0xffff;
	v0 =	vmov v10;
	(pc) =	sbr.rel @p1 .LBB2_3-.Ltmp0, $4  }
0x1af: {  	v13 =	vld.idx.msk [tilespmem:v6+s13+$0x0], $0xffff;
	[tilespmem:s29+$0x60] =	vst v5  }
0x1b0: {  	[tilespmem:s2+$0xFFFFFF90] =	vst v7;
	v10 =	vadd.s32 $0x2000, v12;
	v7 =	vadd.s32 $0x4000, v12;
	v5 =	vadd.s32 $0x6000, v12;
	v8 =	vld.idx.msk [tilespmem:v9+s13+$0x0], $0xffff  }
0x1b1: {  	v14 =	vadd.s32 $0x2000, v6;
	v15 =	vld [tilespmem:s6+$0xFFFFFFA0]  }
0x1b2: {  	v9 =	vadd.s32 $0x4000, v2;
	s6 =	sadd.s32 $0x100, s6;
	[tilespmem:s29+$0xFFFFFFD0] =	vst v4;
	v4 =	vld.idx.msk [tilespmem:v17+s13+$0x0], $0xffff  }
0x1b3: {  	_ =	sdelay $0x5  }
0x1b4: {  	v16 =	vld.idx.msk [tilespmem:v11+s13+$0x0], $0xffff  }
0x1b5: {  	v17 =	vadd.s32 $0x2000, v11;
	v18 =	vld.idx.msk [tilespmem:v15+s13+$0x0], $0xffff  }
0x1b6: {  	v19 =	vadd.s32 $0x2000, v15;
	_ =	sdelay $0x2  }
0x1b7: {  	[tilespmem:s2+$0x20] =	vst v16  }
0x1b8: {  	v16 =	vld.idx.msk [tilespmem:v17+s13+$0x0], $0xffff;
	[tilespmem:s2+$0xFFFFFE20] =	vst v18  }
0x1b9: {  	v53 =	vadd.s32 $0x4000, v11;
	v18 =	vld.idx.msk [tilespmem:v19+s13+$0x0], $0xffff  }
0x1ba: {  	v54 =	vadd.s32 $0x4000, v15;
	_ =	sdelay $0x2  }
0x1bb: {  	[tilespmem:s2+$0xA0] =	vst v16  }
0x1bc: {  	v16 =	vld.idx.msk [tilespmem:v53+s13+$0x0], $0xffff;
	[tilespmem:s2+$0xFFFFFEA0] =	vst v18  }
0x1bd: {  	v55 =	vadd.s32 $0x6000, v11;
	v56 =	vld.idx.msk [tilespmem:v54+s13+$0x0], $0xffff  }
0x1be: {  	v57 =	vadd.s32 $0x6000, v15;
	_ =	sdelay $0x2  }
0x1bf: {  	[tilespmem:s2+$0x120] =	vst v16  }
0x1c0: {  	v11 =	vld.idx.msk [tilespmem:v55+s13+$0x0], $0xffff;
	[tilespmem:s2+$0xFFFFFF20] =	vst v56  }
0x1c1: {  	v15 =	vld.idx.msk [tilespmem:v57+s13+$0x0], $0xffff;
	_ =	sdelay $0x3  }
0x1c2: {  	[tilespmem:s2+$0x1A0] =	vst v11  }
0x1c3: {  	v11 =	vld [tilespmem:s1+$0x30];
	[tilespmem:s2+$0xFFFFFFA0] =	vst v15  }
0x1c4: {  	v15 =	vld [tilespmem:s1+$0xFFFFFFB0];
	_ =	sdelay $0x6  }
0x1c5: {  	v16 =	vld.idx.msk [tilespmem:v11+s13+$0x0], $0xffff  }
0x1c6: {  	v58 =	vadd.s32 $0x2000, v11;
	v18 =	vld.idx.msk [tilespmem:v15+s13+$0x0], $0xffff  }
0x1c7: {  	v59 =	vadd.s32 $0x2000, v15;
	_ =	sdelay $0x2  }
0x1c8: {  	[tilespmem:s2+$0x30] =	vst v16  }
0x1c9: {  	v16 =	vld.idx.msk [tilespmem:v58+s13+$0x0], $0xffff;
	[tilespmem:s2+$0xFFFFFE30] =	vst v18  }
0x1ca: {  	v60 =	vadd.s32 $0x4000, v11;
	v18 =	vld.idx.msk [tilespmem:v59+s13+$0x0], $0xffff  }
0x1cb: {  	v61 =	vadd.s32 $0x4000, v15;
	_ =	sdelay $0x2  }
0x1cc: {  	[tilespmem:s2+$0xB0] =	vst v16  }
0x1cd: {  	v16 =	vld.idx.msk [tilespmem:v60+s13+$0x0], $0xffff;
	[tilespmem:s2+$0xFFFFFEB0] =	vst v18  }
0x1ce: {  	v11 =	vadd.s32 $0x6000, v11;
	v62 =	vld.idx.msk [tilespmem:v61+s13+$0x0], $0xffff  }
0x1cf: {  	v15 =	vadd.s32 $0x6000, v15;
	_ =	sdelay $0x2  }
0x1d0: {  	[tilespmem:s2+$0x130] =	vst v16  }
0x1d1: {  	v11 =	vld.idx.msk [tilespmem:v11+s13+$0x0], $0xffff;
	[tilespmem:s2+$0xFFFFFF30] =	vst v62  }
0x1d2: {  	v15 =	vld.idx.msk [tilespmem:v15+s13+$0x0], $0xffff;
	_ =	sdelay $0x3  }
0x1d3: {  	[tilespmem:s2+$0x1B0] =	vst v11  }
0x1d4: {  	v11 =	vld [tilespmem:s1+$0x40];
	[tilespmem:s2+$0xFFFFFFB0] =	vst v15  }
0x1d5: {  	v15 =	vld [tilespmem:s1+$0xFFFFFFC0];
	_ =	sdelay $0x4  }
0x1d6: {  	v12 =	vld.idx.msk [tilespmem:v12+s13+$0x0], $0xffff;
	_ =	sdelay $0x1  }
0x1d7: {  	v16 =	vld.idx.msk [tilespmem:v11+s13+$0x0], $0xffff  }
0x1d8: {  	[tilespmem:s0+$0x40] =	vst v13;
	v63 =	vadd.s32 $0x2000, v11;
	v18 =	vld.idx.msk [tilespmem:v15+s13+$0x0], $0xffff  }
0x1d9: {  	v14 =	vld.idx.msk [tilespmem:v14+s13+$0x0], $0xffff;
	v21 =	vadd.s32 $0x2000, v15  }
0x1da: {  	v22 =	vadd.s32 $0x4000, v6;
	[tilespmem:s0+$0xFFFFFE40] =	vst v12  }
0x1db: {  	v10 =	vld.idx.msk [tilespmem:v10+s13+$0x0], $0xffff  }
0x1dc: {  	[tilespmem:s2+$0x40] =	vst v16  }
0x1dd: {  	v23 =	vld.idx.msk [tilespmem:v63+s13+$0x0], $0xffff;
	[tilespmem:s2+$0xFFFFFE40] =	vst v18  }
0x1de: {  	[tilespmem:s0+$0xC0] =	vst v14;
	v24 =	vadd.s32 $0x4000, v11;
	v13 =	vld.idx.msk [tilespmem:v21+s13+$0x0], $0xffff  }
0x1df: {  	v26 =	vld.idx.msk [tilespmem:v22+s13+$0x0], $0xffff;
	v25 =	vadd.s32 $0x4000, v15  }
0x1e0: {  	v27 =	vadd.s32 $0x6000, v6;
	[tilespmem:s0+$0xFFFFFEC0] =	vst v10  }
0x1e1: {  	v7 =	vld.idx.msk [tilespmem:v7+s13+$0x0], $0xffff  }
0x1e2: {  	[tilespmem:s2+$0xC0] =	vst v23  }
0x1e3: {  	v28 =	vld.idx.msk [tilespmem:v24+s13+$0x0], $0xffff;
	[tilespmem:s2+$0xFFFFFEC0] =	vst v13  }
0x1e4: {  	[tilespmem:s0+$0x140] =	vst v26;
	v11 =	vadd.s32 $0x6000, v11;
	v29 =	vld.idx.msk [tilespmem:v25+s13+$0x0], $0xffff  }
0x1e5: {  	v6 =	vld.idx.msk [tilespmem:v27+s13+$0x0], $0xffff;
	v30 =	vadd.s32 $0x6000, v15  }
0x1e6: {  	[tilespmem:s0+$0xFFFFFF40] =	vst v7  }
0x1e7: {  	v5 =	vld.idx.msk [tilespmem:v5+s13+$0x0], $0xffff  }
0x1e8: {  	[tilespmem:s2+$0x140] =	vst v28  }
0x1e9: {  	v31 =	vld.idx.msk [tilespmem:v11+s13+$0x0], $0xffff;
	[tilespmem:s2+$0xFFFFFF40] =	vst v29  }
0x1ea: {  	[tilespmem:s0+$0x1C0] =	vst v6;
	v32 =	vld.idx.msk [tilespmem:v30+s13+$0x0], $0xffff  }
0x1eb: {  	v6 =	vld [tilespmem:s31+$0x50]  }
0x1ec: {  	[tilespmem:s0+$0xFFFFFFC0] =	vst v5  }
0x1ed: {  	v34 =	vld [tilespmem:s31+$0xFFFFFFD0]  }
0x1ee: {  	[tilespmem:s2+$0x1C0] =	vst v31  }
0x1ef: {  	v33 =	vld [tilespmem:s1+$0x50];
	[tilespmem:s2+$0xFFFFFFC0] =	vst v32  }
0x1f0: {  	v10 =	vld [tilespmem:s1+$0xFFFFFFD0];
	_ =	sdelay $0x2  }
0x1f1: {  	v35 =	vld.idx.msk [tilespmem:v6+s13+$0x0], $0xffff  }
0x1f2: {  	v36 =	vadd.s32 $0x2000, v6  }
0x1f3: {  	v38 =	vld.idx.msk [tilespmem:v34+s13+$0x0], $0xffff  }
0x1f4: {  	v40 =	vadd.s32 $0x2000, v34  }
0x1f5: {  	v37 =	vld.idx.msk [tilespmem:v33+s13+$0x0], $0xffff  }
0x1f6: {  	[tilespmem:s0+$0x50] =	vst v35;
	v39 =	vadd.s32 $0x2000, v33;
	v41 =	vld.idx.msk [tilespmem:v10+s13+$0x0], $0xffff  }
0x1f7: {  	v12 =	vld.idx.msk [tilespmem:v36+s13+$0x0], $0xffff;
	v42 =	vadd.s32 $0x2000, v10  }
0x1f8: {  	v43 =	vadd.s32 $0x4000, v6;
	[tilespmem:s0+$0xFFFFFE50] =	vst v38  }
0x1f9: {  	v14 =	vld.idx.msk [tilespmem:v40+s13+$0x0], $0xffff  }
0x1fa: {  	v45 =	vadd.s32 $0x4000, v34;
	[tilespmem:s2+$0x50] =	vst v37  }
0x1fb: {  	v13 =	vld.idx.msk [tilespmem:v39+s13+$0x0], $0xffff;
	[tilespmem:s2+$0xFFFFFE50] =	vst v41  }
0x1fc: {  	[tilespmem:s0+$0xD0] =	vst v12;
	v44 =	vadd.s32 $0x4000, v33;
	v11 =	vld.idx.msk [tilespmem:v42+s13+$0x0], $0xffff  }
0x1fd: {  	v47 =	vld.idx.msk [tilespmem:v43+s13+$0x0], $0xffff;
	v46 =	vadd.s32 $0x4000, v10  }
0x1fe: {  	v6 =	vadd.s32 $0x6000, v6;
	[tilespmem:s0+$0xFFFFFED0] =	vst v14  }
0x1ff: {  	v14 =	vld.idx.msk [tilespmem:v45+s13+$0x0], $0xffff  }
0x200: {  	v7 =	vadd.s32 $0x6000, v34;
	[tilespmem:s2+$0xD0] =	vst v13  }
0x201: {  	v13 =	vld.idx.msk [tilespmem:v44+s13+$0x0], $0xffff;
	[tilespmem:s2+$0xFFFFFED0] =	vst v11  }
0x202: {  	[tilespmem:s0+$0x150] =	vst v47;
	v5 =	vadd.s32 $0x6000, v33;
	v11 =	vld.idx.msk [tilespmem:v46+s13+$0x0], $0xffff  }
0x203: {  	v6 =	vld.idx.msk [tilespmem:v6+s13+$0x0], $0xffff;
	v10 =	vadd.s32 $0x6000, v10  }
0x204: {  	[tilespmem:s0+$0xFFFFFF50] =	vst v14  }
0x205: {  	v7 =	vld.idx.msk [tilespmem:v7+s13+$0x0], $0xffff  }
0x206: {  	[tilespmem:s2+$0x150] =	vst v13  }
0x207: {  	v5 =	vld.idx.msk [tilespmem:v5+s13+$0x0], $0xffff;
	[tilespmem:s2+$0xFFFFFF50] =	vst v11  }
0x208: {  	[tilespmem:s0+$0x1D0] =	vst v6;
	v48 =	vld.idx.msk [tilespmem:v10+s13+$0x0], $0xffff  }
0x209: {  	v6 =	vld [tilespmem:s31+$0x60]  }
0x20a: {  	v49 =	vld [tilespmem:s30+$0xFFFFFFE0];
	[tilespmem:s0+$0xFFFFFFD0] =	vst v7  }
0x20b: {  	[tilespmem:s29+$0xE0] =	vst v8;
	v7 =	vld [tilespmem:s31+$0xFFFFFFE0]  }
0x20c: {  	v9 =	vld.idx.msk [tilespmem:v9+s13+$0x0], $0xffff;
	[tilespmem:s2+$0x1D0] =	vst v5  }
0x20d: {  	v5 =	vld [tilespmem:s1+$0x60];
	[tilespmem:s2+$0xFFFFFFD0] =	vst v48  }
0x20e: {  	v8 =	vld [tilespmem:s1+$0xFFFFFFE0]  }
0x20f: {  	v2 =	vadd.s32 $0x6000, v2;
	_ =	sdelay $0x1  }
0x210: {  	v50 =	vld.idx.msk [tilespmem:v6+s13+$0x0], $0xffff  }
0x211: {  	v51 =	vld.idx.msk [tilespmem:v49+s13+$0x0], $0xffff;
	v52 =	vadd.s32 $0x2000, v6  }
0x212: {  	[tilespmem:s29+$0x160] =	vst v9;
	v53 =	vadd.s32 $0x2000, v49;
	v55 =	vld.idx.msk [tilespmem:v7+s13+$0x0], $0xffff  }
0x213: {  	v2 =	vld.idx.msk [tilespmem:v2+s13+$0x0], $0xffff;
	v57 =	vadd.s32 $0x2000, v7  }
0x214: {  	v54 =	vld.idx.msk [tilespmem:v5+s13+$0x0], $0xffff  }
0x215: {  	[tilespmem:s0+$0x60] =	vst v50;
	v56 =	vadd.s32 $0x2000, v5;
	v58 =	vld.idx.msk [tilespmem:v8+s13+$0x0], $0xffff  }
0x216: {  	[tilespmem:s29+$0xFFFFFE60] =	vst v51;
	v61 =	vld.idx.msk [tilespmem:v52+s13+$0x0], $0xffff;
	v60 =	vadd.s32 $0x2000, v8  }
0x217: {  	v62 =	vld.idx.msk [tilespmem:v53+s13+$0x0], $0xffff;
	[tilespmem:s0+$0xFFFFFE60] =	vst v55;
	v63 =	vadd.s32 $0x4000, v6  }
0x218: {  	v20 =	vadd.s32 $0x4000, v49;
	[tilespmem:s29+$0x1E0] =	vst v2;
	v2 =	vld.idx.msk [tilespmem:v57+s13+$0x0], $0xffff  }
0x219: {  	v59 =	vld [tilespmem:s30+$0x70];
	v23 =	vadd.s32 $0x4000, v7;
	[tilespmem:s2+$0x60] =	vst v54  }
0x21a: {  	v21 =	vld.idx.msk [tilespmem:v56+s13+$0x0], $0xffff;
	[tilespmem:s2+$0xFFFFFE60] =	vst v58  }
0x21b: {  	[tilespmem:s0+$0xE0] =	vst v61;
	v22 =	vadd.s32 $0x4000, v5;
	v9 =	vld.idx.msk [tilespmem:v60+s13+$0x0], $0xffff  }
0x21c: {  	[tilespmem:s29+$0xFFFFFEE0] =	vst v62;
	v25 =	vld.idx.msk [tilespmem:v63+s13+$0x0], $0xffff;
	v24 =	vadd.s32 $0x4000, v8  }
0x21d: {  	v26 =	vld.idx.msk [tilespmem:v20+s13+$0x0], $0xffff;
	v6 =	vadd.s32 $0x6000, v6;
	[tilespmem:s0+$0xFFFFFEE0] =	vst v2  }
0x21e: {  	v28 =	vld.idx.msk [tilespmem:v23+s13+$0x0], $0xffff;
	v10 =	vadd.s32 $0x6000, v49  }
0x21f: {  	v7 =	vadd.s32 $0x6000, v7;
	[tilespmem:s2+$0xE0] =	vst v21  }
0x220: {  	v27 =	vld.idx.msk [tilespmem:v22+s13+$0x0], $0xffff;
	[tilespmem:s2+$0xFFFFFEE0] =	vst v9  }
0x221: {  	[tilespmem:s0+$0x160] =	vst v25;
	v5 =	vadd.s32 $0x6000, v5;
	v9 =	vld.idx.msk [tilespmem:v24+s13+$0x0], $0xffff  }
0x222: {  	[tilespmem:s29+$0xFFFFFF60] =	vst v26;
	v6 =	vld.idx.msk [tilespmem:v6+s13+$0x0], $0xffff;
	v8 =	vadd.s32 $0x6000, v8  }
0x223: {  	[tilespmem:s0+$0xFFFFFF60] =	vst v28;
	v10 =	vld.idx.msk [tilespmem:v10+s13+$0x0], $0xffff  }
0x224: {  	v31 =	vld.idx.msk [tilespmem:v7+s13+$0x0], $0xffff  }
0x225: {  	v29 =	vld.idx.msk [tilespmem:v59+s13+$0x0], $0xffff;
	[tilespmem:s2+$0x160] =	vst v27  }
0x226: {  	v30 =	vadd.s32 $0x2000, v59;
	v2 =	vld.idx.msk [tilespmem:v5+s13+$0x0], $0xffff;
	[tilespmem:s2+$0xFFFFFF60] =	vst v9  }
0x227: {  	[tilespmem:s0+$0x1E0] =	vst v6;
	v32 =	vld.idx.msk [tilespmem:v8+s13+$0x0], $0xffff  }
0x228: {  	v6 =	vld [tilespmem:s31+$0x70];
	[tilespmem:s29+$0xFFFFFFE0] =	vst v10  }
0x229: {  	[tilespmem:s0+$0xFFFFFFE0] =	vst v31;
	v34 =	vld [tilespmem:s30+$0xFFFFFFF0]  }
0x22a: {  	[tilespmem:s29+$0x70] =	vst v29;
	v37 =	vld [tilespmem:s31+$0xFFFFFFF0]  }
0x22b: {  	v33 =	vld.idx.msk [tilespmem:v30+s13+$0x0], $0xffff;
	[tilespmem:s2+$0x1E0] =	vst v2  }
0x22c: {  	v36 =	vld [tilespmem:s1+$0x70];
	[tilespmem:s2+$0xFFFFFFE0] =	vst v32  }
0x22d: {  	v7 =	vld [tilespmem:s1+$0xFFFFFFF0]  }
0x22e: {  	v35 =	vadd.s32 $0x4000, v59;
	_ =	sdelay $0x1  }
0x22f: {  	v39 =	vld.idx.msk [tilespmem:v6+s13+$0x0], $0xffff  }
0x230: {  	v41 =	vadd.s32 $0x2000, v6;
	v40 =	vld.idx.msk [tilespmem:v34+s13+$0x0], $0xffff  }
0x231: {  	[tilespmem:s29+$0xF0] =	vst v33;
	v44 =	vld.idx.msk [tilespmem:v37+s13+$0x0], $0xffff;
	v42 =	vadd.s32 $0x2000, v34  }
0x232: {  	[tilespmem:s25+$0xFFFFFFF0] =	vst v3;
	v46 =	vadd.s32 $0x2000, v37;
	v2 =	vld.idx.msk [tilespmem:v35+s13+$0x0], $0xffff  }
0x233: {  	[tilespmem:s28+$0xFFFFFEF0] =	vst v4;
	v38 =	vadd.s32 $0x6000, v59;
	v43 =	vld.idx.msk [tilespmem:v36+s13+$0x0], $0xffff  }
0x234: {  	[tilespmem:s0+$0x70] =	vst v39;
	v45 =	vadd.s32 $0x2000, v36;
	v47 =	vld.idx.msk [tilespmem:v7+s13+$0x0], $0xffff  }
0x235: {  	v49 =	vld.idx.msk [tilespmem:v41+s13+$0x0], $0xffff;
	[tilespmem:s29+$0xFFFFFE70] =	vst v40;
	v48 =	vadd.s32 $0x2000, v7  }
0x236: {  	[tilespmem:s0+$0xFFFFFE70] =	vst v44;
	v3 =	vld.idx.msk [tilespmem:v42+s13+$0x0], $0xffff  }
0x237: {  	v50 =	vadd.s32 $0x4000, v6;
	[tilespmem:s29+$0x170] =	vst v2;
	v2 =	vld.idx.msk [tilespmem:v46+s13+$0x0], $0xffff  }
0x238: {  	v51 =	vadd.s32 $0x4000, v34;
	v8 =	vld.idx.msk [tilespmem:v38+s13+$0x0], $0xffff;
	[tilespmem:s2+$0x70] =	vst v43  }
0x239: {  	v54 =	vadd.s32 $0x4000, v37;
	v52 =	vld.idx.msk [tilespmem:v45+s13+$0x0], $0xffff;
	[tilespmem:s2+$0xFFFFFE70] =	vst v47  }
0x23a: {  	[tilespmem:s0+$0xF0] =	vst v49;
	v53 =	vadd.s32 $0x4000, v36;
	v11 =	vld.idx.msk [tilespmem:v48+s13+$0x0], $0xffff  }
0x23b: {  	v1 =	vld.idx.msk [tilespmem:v1+s13+$0x0], $0xffff;
	[tilespmem:s29+$0xFFFFFEF0] =	vst v3;
	v55 =	vadd.s32 $0x4000, v7  }
0x23c: {  	v56 =	vld.idx.msk [tilespmem:v50+s13+$0x0], $0xffff;
	[tilespmem:s0+$0xFFFFFEF0] =	vst v2  }
0x23d: {  	v6 =	vadd.s32 $0x6000, v6;
	v57 =	vld.idx.msk [tilespmem:v51+s13+$0x0], $0xffff;
	[tilespmem:s29+$0x1F0] =	vst v8  }
0x23e: {  	v58 =	vadd.s32 $0x6000, v34;
	v8 =	vld.idx.msk [tilespmem:v54+s13+$0x0], $0xffff;
	[tilespmem:s2+$0xF0] =	vst v52  }
0x23f: {  	v60 =	vadd.s32 $0x6000, v37;
	v59 =	vld.idx.msk [tilespmem:v53+s13+$0x0], $0xffff;
	[tilespmem:s2+$0xFFFFFEF0] =	vst v11  }
0x240: {  	[tilespmem:s28+$0xFFFFFF70] =	vst v1;
	v5 =	vadd.s32 $0x6000, v36;
	v61 =	vld.idx.msk [tilespmem:v55+s13+$0x0], $0xffff  }
0x241: {  	v0 =	vld.idx.msk [tilespmem:v0+s13+$0x0], $0xffff;
	[tilespmem:s0+$0x170] =	vst v56;
	v62 =	vadd.s32 $0x6000, v7  }
0x242: {  	v6 =	vld.idx.msk [tilespmem:v6+s13+$0x0], $0xffff;
	[tilespmem:s29+$0xFFFFFF70] =	vst v57  }
0x243: {  	v4 =	vld.idx.msk [tilespmem:v58+s13+$0x0], $0xffff;
	[tilespmem:s0+$0xFFFFFF70] =	vst v8  }
0x244: {  	v1 =	vld.idx.msk [tilespmem:v60+s13+$0x0], $0xffff;
	[tilespmem:s2+$0x170] =	vst v59  }
0x245: {  	v2 =	vld.idx.msk [tilespmem:v5+s13+$0x0], $0xffff;
	[tilespmem:s2+$0xFFFFFF70] =	vst v61  }
0x246: {  	[tilespmem:s28+$0xFFFFFFF0] =	vst v0;
	v63 =	vld.idx.msk [tilespmem:v62+s13+$0x0], $0xffff  }
0x247: {  	p1 =	sne.s32 s24, $0xF;
	[tilespmem:s0+$0x1F0] =	vst v6  }
.Ltmp1:
0x248: {  	[tilespmem:s29+$0xFFFFFFF0] =	vst v4;
	(pc) =	sbr.rel @p1 .LBB2_6-.Ltmp1, $4  }
0x249: {  	s30 =	sshll.u32 s24, $0xC;
	[tilespmem:s0+$0xFFFFFFF0] =	vst v1  }
0x24a: {  	s25 =	sadd.s32 s7, s30;
	[tilespmem:s2+$0x1F0] =	vst v2  }
0x24b: {  	s31 =	sadd.s32 s4, s25;
	[tilespmem:s2+$0xFFFFFFF0] =	vst v63  }
0x24c: {  	[hbm4b:s31+s16] =	stream.strided.scatter [tilespmem:s18], [sflag:$0x3], $0x4000, s17, s16, $0x38;
	[tilespmem:$0x1B000] =	vst v63  }
.Ltmp2:
0x24d: {  	(pc) =	sbr.rel .LBB2_7-.Ltmp2, $4  }
0x24e: {  	_ = 	snop  }
0x24f: {  	_ =	swait.ge [sflag:s19], $0x8000  }
0x250: {  	[sflag:s19] =	ssyncset.done $0x0  }
0x251: {  	[sflag:s19] =	ssyncadd.s32 $0xFFFF8000  }
.LBB2_6:
.Ltmp3:
0x252: {  	s0 =	sadd.s32 $0x1200, s26;
	(pc) =	sbr.rel @p0 .LBB2_8-.Ltmp3, $4  }
0x253: {  	[tilespmem:s13], [sflag:$0x1] =	stream.indirect.gather [hbm4b:s3+s12], $0x80, s0, s12, $0xb8;
	[tilespmem:$0x1B000] =	vst v63  }
0x254: {  	_ =	swait.ge [sflag:s19], $0x8000  }
0x255: {  	[sflag:s19] =	ssyncset.done $0x0  }
0x256: {  	[sflag:s19] =	ssyncadd.s32 $0xFFFF8000  }
.LBB2_7:
0x257: {  	_ =	swait.ge [sflag:s20], $0x4000  }
0x258: {  	[sflag:s20] =	ssyncset.done $0x0  }
0x259: {  	[sflag:s20] =	ssyncadd.s32 $0xFFFFC000  }
.LBB2_8:
0x25a: {  	s11 =	simm.s32 $0x80  }
0x25b: {  	v0 =	vld [tilespmem:s11+$0x0];
	_ =	sdelay $0x4  }
0x25c: {  	v1 =	vadd.s32 $0x8000, v0;
	_ =	sdelay $0x4  }
0x25d: {  	v1 =	vld.idx.msk [tilespmem:v1+s13+$0x0], $0xffff  }
0x25e: {  	v2 =	vadd.s32 $0xA000, v0;
	_ =	sdelay $0x1  }
0x25f: {  	v3 =	vld [tilespmem:s11+$0xFFFFFF80]  }
0x260: {  	s26 =	simm.s32 $0x173F0  }
0x261: {  	[tilespmem:s26+$0xFFFFFE10] =	vst v1  }
0x262: {  	v1 =	vld.idx.msk [tilespmem:v2+s13+$0x0], $0xffff  }
0x263: {  	v2 =	vadd.s32 $0xC000, v0  }
0x264: {  	v4 =	vadd.s32 $0x8000, v3;
	_ =	sdelay $0x2  }
0x265: {  	[tilespmem:s26+$0xFFFFFE90] =	vst v1  }
0x266: {  	v1 =	vld.idx.msk [tilespmem:v2+s13+$0x0], $0xffff  }
0x267: {  	v0 =	vadd.s32 $0xE000, v0;
	v2 =	vld.idx.msk [tilespmem:v4+s13+$0x0], $0xffff  }
0x268: {  	v4 =	vadd.s32 $0xA000, v3;
	_ =	sdelay $0x2  }
0x269: {  	[tilespmem:s26+$0xFFFFFF10] =	vst v1  }
0x26a: {  	[tilespmem:s26+$0xFFFFFC10] =	vst v2;
	v0 =	vld.idx.msk [tilespmem:v0+s13+$0x0], $0xffff  }
0x26b: {  	v1 =	vld.idx.msk [tilespmem:v4+s13+$0x0], $0xffff  }
0x26c: {  	v2 =	vadd.s32 $0xC000, v3;
	_ =	sdelay $0x2  }
0x26d: {  	[tilespmem:s26+$0xFFFFFF90] =	vst v0  }
0x26e: {  	[tilespmem:s26+$0xFFFFFC90] =	vst v1;
	v0 =	vld [tilespmem:s11+$0x10]  }
0x26f: {  	v1 =	vld.idx.msk [tilespmem:v2+s13+$0x0], $0xffff  }
0x270: {  	v2 =	vadd.s32 $0xE000, v3;
	_ =	sdelay $0x2  }
0x271: {  	v3 =	vadd.s32 $0x8000, v0  }
0x272: {  	[tilespmem:s26+$0xFFFFFD10] =	vst v1  }
0x273: {  	v1 =	vld.idx.msk [tilespmem:v2+s13+$0x0], $0xffff;
	_ =	sdelay $0x2  }
0x274: {  	v2 =	vld.idx.msk [tilespmem:v3+s13+$0x0], $0xffff  }
0x275: {  	v3 =	vadd.s32 $0xA000, v0  }
0x276: {  	[tilespmem:s26+$0xFFFFFD90] =	vst v1  }
0x277: {  	v1 =	vld [tilespmem:s11+$0xFFFFFF90];
	_ =	sdelay $0x1  }
0x278: {  	[tilespmem:s26+$0xFFFFFE20] =	vst v2  }
0x279: {  	v2 =	vld.idx.msk [tilespmem:v3+s13+$0x0], $0xffff  }
0x27a: {  	v3 =	vadd.s32 $0xC000, v0  }
0x27b: {  	v4 =	vadd.s32 $0x8000, v1;
	_ =	sdelay $0x2  }
0x27c: {  	[tilespmem:s26+$0xFFFFFEA0] =	vst v2  }
0x27d: {  	v2 =	vld.idx.msk [tilespmem:v3+s13+$0x0], $0xffff  }
0x27e: {  	v0 =	vadd.s32 $0xE000, v0;
	v3 =	vld.idx.msk [tilespmem:v4+s13+$0x0], $0xffff  }
0x27f: {  	v4 =	vadd.s32 $0xA000, v1;
	_ =	sdelay $0x2  }
0x280: {  	[tilespmem:s26+$0xFFFFFF20] =	vst v2  }
0x281: {  	[tilespmem:s26+$0xFFFFFC20] =	vst v3;
	v0 =	vld.idx.msk [tilespmem:v0+s13+$0x0], $0xffff  }
0x282: {  	v2 =	vld.idx.msk [tilespmem:v4+s13+$0x0], $0xffff  }
0x283: {  	v3 =	vadd.s32 $0xC000, v1;
	_ =	sdelay $0x2  }
0x284: {  	[tilespmem:s26+$0xFFFFFFA0] =	vst v0  }
0x285: {  	[tilespmem:s26+$0xFFFFFCA0] =	vst v2;
	v0 =	vld [tilespmem:s11+$0x20]  }
0x286: {  	v2 =	vld.idx.msk [tilespmem:v3+s13+$0x0], $0xffff  }
0x287: {  	v1 =	vadd.s32 $0xE000, v1  }
0x288: {  	s1 =	simm.s32 $0x180  }
0x289: {  	v3 =	vld [tilespmem:s1+$0x0]  }
0x28a: {  	v4 =	vld [tilespmem:s1+$0xFFFFFF80];
	v5 =	vadd.s32 $0x8000, v0  }
0x28b: {  	[tilespmem:s26+$0xFFFFFD20] =	vst v2  }
0x28c: {  	v1 =	vld.idx.msk [tilespmem:v1+s13+$0x0], $0xffff;
	_ =	sdelay $0x1  }
0x28d: {  	v2 =	vadd.s32 $0x8000, v3  }
0x28e: {  	v6 =	vadd.s32 $0x8000, v4;
	v5 =	vld.idx.msk [tilespmem:v5+s13+$0x0], $0xffff  }
0x28f: {  	v7 =	vadd.s32 $0xA000, v0  }
0x290: {  	[tilespmem:s26+$0xFFFFFDA0] =	vst v1  }
0x291: {  	v1 =	vld [tilespmem:s11+$0xFFFFFFA0]  }
0x292: {  	v2 =	vld.idx.msk [tilespmem:v2+s13+$0x0], $0xffff  }
0x293: {  	v6 =	vld.idx.msk [tilespmem:v6+s13+$0x0], $0xffff;
	v8 =	vadd.s32 $0xA000, v3;
	[tilespmem:s26+$0xFFFFFE30] =	vst v5  }
0x294: {  	v5 =	vadd.s32 $0xA000, v4;
	v7 =	vld.idx.msk [tilespmem:v7+s13+$0x0], $0xffff  }
0x295: {  	v9 =	vadd.s32 $0xC000, v0  }
0x296: {  	s28 =	simm.s32 $0x177F0;
	v10 =	vadd.s32 $0x8000, v1  }
0x297: {  	[tilespmem:s28+$0xFFFFFE10] =	vst v2  }
0x298: {  	[tilespmem:s28+$0xFFFFFC10] =	vst v6;
	v2 =	vld.idx.msk [tilespmem:v8+s13+$0x0], $0xffff  }
0x299: {  	v6 =	vadd.s32 $0xC000, v3;
	v5 =	vld.idx.msk [tilespmem:v5+s13+$0x0], $0xffff;
	[tilespmem:s26+$0xFFFFFEB0] =	vst v7  }
0x29a: {  	v7 =	vadd.s32 $0xC000, v4;
	v8 =	vld.idx.msk [tilespmem:v9+s13+$0x0], $0xffff  }
0x29b: {  	v0 =	vadd.s32 $0xE000, v0;
	v9 =	vld.idx.msk [tilespmem:v10+s13+$0x0], $0xffff  }
0x29c: {  	v10 =	vadd.s32 $0xA000, v1  }
0x29d: {  	[tilespmem:s28+$0xFFFFFE90] =	vst v2  }
0x29e: {  	v2 =	vld.idx.msk [tilespmem:v6+s13+$0x0], $0xffff;
	[tilespmem:s28+$0xFFFFFC90] =	vst v5  }
0x29f: {  	v3 =	vadd.s32 $0xE000, v3;
	v5 =	vld.idx.msk [tilespmem:v7+s13+$0x0], $0xffff;
	[tilespmem:s26+$0xFFFFFF30] =	vst v8  }
0x2a0: {  	v4 =	vadd.s32 $0xE000, v4;
	[tilespmem:s26+$0xFFFFFC30] =	vst v9;
	v0 =	vld.idx.msk [tilespmem:v0+s13+$0x0], $0xffff  }
0x2a1: {  	v6 =	vld.idx.msk [tilespmem:v10+s13+$0x0], $0xffff  }
0x2a2: {  	v7 =	vadd.s32 $0xC000, v1  }
0x2a3: {  	[tilespmem:s28+$0xFFFFFF10] =	vst v2  }
0x2a4: {  	v2 =	vld.idx.msk [tilespmem:v3+s13+$0x0], $0xffff;
	[tilespmem:s28+$0xFFFFFD10] =	vst v5  }
0x2a5: {  	v3 =	vld.idx.msk [tilespmem:v4+s13+$0x0], $0xffff;
	[tilespmem:s26+$0xFFFFFFB0] =	vst v0  }
0x2a6: {  	[tilespmem:s26+$0xFFFFFCB0] =	vst v6;
	v0 =	vld [tilespmem:s11+$0x30]  }
0x2a7: {  	v4 =	vld.idx.msk [tilespmem:v7+s13+$0x0], $0xffff  }
0x2a8: {  	v1 =	vadd.s32 $0xE000, v1  }
0x2a9: {  	[tilespmem:s28+$0xFFFFFF90] =	vst v2  }
0x2aa: {  	v2 =	vld [tilespmem:s1+$0x10];
	[tilespmem:s28+$0xFFFFFD90] =	vst v3  }
0x2ab: {  	v3 =	vld [tilespmem:s1+$0xFFFFFF90];
	v5 =	vadd.s32 $0x8000, v0  }
0x2ac: {  	[tilespmem:s26+$0xFFFFFD30] =	vst v4  }
0x2ad: {  	v1 =	vld.idx.msk [tilespmem:v1+s13+$0x0], $0xffff;
	_ =	sdelay $0x1  }
0x2ae: {  	v4 =	vadd.s32 $0x8000, v2  }
0x2af: {  	v6 =	vadd.s32 $0x8000, v3;
	v5 =	vld.idx.msk [tilespmem:v5+s13+$0x0], $0xffff  }
0x2b0: {  	v7 =	vadd.s32 $0xA000, v0  }
0x2b1: {  	[tilespmem:s26+$0xFFFFFDB0] =	vst v1  }
0x2b2: {  	v1 =	vld [tilespmem:s11+$0xFFFFFFB0]  }
0x2b3: {  	v4 =	vld.idx.msk [tilespmem:v4+s13+$0x0], $0xffff  }
0x2b4: {  	v8 =	vadd.s32 $0xA000, v2;
	v6 =	vld.idx.msk [tilespmem:v6+s13+$0x0], $0xffff;
	[tilespmem:s26+$0xFFFFFE40] =	vst v5  }
0x2b5: {  	v5 =	vadd.s32 $0xA000, v3;
	v7 =	vld.idx.msk [tilespmem:v7+s13+$0x0], $0xffff  }
0x2b6: {  	v9 =	vadd.s32 $0xC000, v0  }
0x2b7: {  	v10 =	vadd.s32 $0x8000, v1  }
0x2b8: {  	[tilespmem:s28+$0xFFFFFE20] =	vst v4  }
0x2b9: {  	v4 =	vld.idx.msk [tilespmem:v8+s13+$0x0], $0xffff;
	[tilespmem:s28+$0xFFFFFC20] =	vst v6  }
0x2ba: {  	v6 =	vadd.s32 $0xC000, v2;
	v5 =	vld.idx.msk [tilespmem:v5+s13+$0x0], $0xffff;
	[tilespmem:s26+$0xFFFFFEC0] =	vst v7  }
0x2bb: {  	v7 =	vadd.s32 $0xC000, v3;
	v8 =	vld.idx.msk [tilespmem:v9+s13+$0x0], $0xffff  }
0x2bc: {  	v0 =	vadd.s32 $0xE000, v0;
	v9 =	vld.idx.msk [tilespmem:v10+s13+$0x0], $0xffff  }
0x2bd: {  	v10 =	vadd.s32 $0xA000, v1  }
0x2be: {  	[tilespmem:s28+$0xFFFFFEA0] =	vst v4  }
0x2bf: {  	v4 =	vld.idx.msk [tilespmem:v6+s13+$0x0], $0xffff;
	[tilespmem:s28+$0xFFFFFCA0] =	vst v5  }
0x2c0: {  	v2 =	vadd.s32 $0xE000, v2;
	v5 =	vld.idx.msk [tilespmem:v7+s13+$0x0], $0xffff;
	[tilespmem:s26+$0xFFFFFF40] =	vst v8  }
0x2c1: {  	v3 =	vadd.s32 $0xE000, v3;
	[tilespmem:s26+$0xFFFFFC40] =	vst v9;
	v0 =	vld.idx.msk [tilespmem:v0+s13+$0x0], $0xffff  }
0x2c2: {  	v6 =	vld.idx.msk [tilespmem:v10+s13+$0x0], $0xffff  }
0x2c3: {  	v7 =	vadd.s32 $0xC000, v1  }
0x2c4: {  	[tilespmem:s28+$0xFFFFFF20] =	vst v4  }
0x2c5: {  	v2 =	vld.idx.msk [tilespmem:v2+s13+$0x0], $0xffff;
	[tilespmem:s28+$0xFFFFFD20] =	vst v5  }
0x2c6: {  	v3 =	vld.idx.msk [tilespmem:v3+s13+$0x0], $0xffff;
	[tilespmem:s26+$0xFFFFFFC0] =	vst v0  }
0x2c7: {  	[tilespmem:s26+$0xFFFFFCC0] =	vst v6;
	v0 =	vld [tilespmem:s11+$0x40]  }
0x2c8: {  	v4 =	vld.idx.msk [tilespmem:v7+s13+$0x0], $0xffff  }
0x2c9: {  	v1 =	vadd.s32 $0xE000, v1  }
0x2ca: {  	[tilespmem:s28+$0xFFFFFFA0] =	vst v2  }
0x2cb: {  	v2 =	vld [tilespmem:s1+$0x20];
	[tilespmem:s28+$0xFFFFFDA0] =	vst v3  }
0x2cc: {  	v3 =	vld [tilespmem:s1+$0xFFFFFFA0];
	v5 =	vadd.s32 $0x8000, v0  }
0x2cd: {  	[tilespmem:s26+$0xFFFFFD40] =	vst v4  }
0x2ce: {  	s30 =	simm.s32 $0x280;
	v1 =	vld.idx.msk [tilespmem:v1+s13+$0x0], $0xffff  }
0x2cf: {  	v4 =	vld [tilespmem:s30+$0x0]  }
0x2d0: {  	v6 =	vld [tilespmem:s30+$0xFFFFFF80];
	v7 =	vadd.s32 $0x8000, v2  }
0x2d1: {  	v8 =	vadd.s32 $0x8000, v3;
	v5 =	vld.idx.msk [tilespmem:v5+s13+$0x0], $0xffff  }
0x2d2: {  	v9 =	vadd.s32 $0xA000, v0  }
0x2d3: {  	[tilespmem:s26+$0xFFFFFDC0] =	vst v1  }
0x2d4: {  	v10 =	vadd.s32 $0x8000, v4;
	v1 =	vld [tilespmem:s11+$0xFFFFFFC0]  }
0x2d5: {  	v11 =	vadd.s32 $0x8000, v6;
	v7 =	vld.idx.msk [tilespmem:v7+s13+$0x0], $0xffff  }
0x2d6: {  	v12 =	vadd.s32 $0xA000, v2;
	v8 =	vld.idx.msk [tilespmem:v8+s13+$0x0], $0xffff;
	[tilespmem:s26+$0xFFFFFE50] =	vst v5  }
0x2d7: {  	v5 =	vadd.s32 $0xA000, v3;
	v9 =	vld.idx.msk [tilespmem:v9+s13+$0x0], $0xffff  }
0x2d8: {  	v13 =	vadd.s32 $0xC000, v0  }
0x2d9: {  	v10 =	vld.idx.msk [tilespmem:v10+s13+$0x0], $0xffff;
	v14 =	vadd.s32 $0x8000, v1  }
0x2da: {  	v11 =	vld.idx.msk [tilespmem:v11+s13+$0x0], $0xffff;
	v15 =	vadd.s32 $0xA000, v4;
	[tilespmem:s28+$0xFFFFFE30] =	vst v7  }
0x2db: {  	v7 =	vadd.s32 $0xA000, v6;
	[tilespmem:s28+$0xFFFFFC30] =	vst v8;
	v8 =	vld.idx.msk [tilespmem:v12+s13+$0x0], $0xffff  }
0x2dc: {  	v12 =	vadd.s32 $0xC000, v2;
	v5 =	vld.idx.msk [tilespmem:v5+s13+$0x0], $0xffff;
	[tilespmem:s26+$0xFFFFFED0] =	vst v9  }
0x2dd: {  	s29 =	simm.s32 $0x17BF0;
	v9 =	vadd.s32 $0xC000, v3;
	v13 =	vld.idx.msk [tilespmem:v13+s13+$0x0], $0xffff  }
0x2de: {  	v0 =	vadd.s32 $0xE000, v0;
	[tilespmem:s29+$0xFFFFFE10] =	vst v10;
	v14 =	vld.idx.msk [tilespmem:v14+s13+$0x0], $0xffff  }
0x2df: {  	[tilespmem:s29+$0xFFFFFC10] =	vst v11;
	v10 =	vadd.s32 $0xA000, v1;
	v11 =	vld.idx.msk [tilespmem:v15+s13+$0x0], $0xffff  }
0x2e0: {  	v15 =	vadd.s32 $0xC000, v4;
	v7 =	vld.idx.msk [tilespmem:v7+s13+$0x0], $0xffff;
	[tilespmem:s28+$0xFFFFFEB0] =	vst v8  }
0x2e1: {  	v8 =	vadd.s32 $0xC000, v6;
	[tilespmem:s28+$0xFFFFFCB0] =	vst v5;
	v5 =	vld.idx.msk [tilespmem:v12+s13+$0x0], $0xffff  }
0x2e2: {  	v2 =	vadd.s32 $0xE000, v2;
	v9 =	vld.idx.msk [tilespmem:v9+s13+$0x0], $0xffff;
	[tilespmem:s26+$0xFFFFFF50] =	vst v13  }
0x2e3: {  	v3 =	vadd.s32 $0xE000, v3;
	[tilespmem:s26+$0xFFFFFC50] =	vst v14;
	v0 =	vld.idx.msk [tilespmem:v0+s13+$0x0], $0xffff  }
0x2e4: {  	[tilespmem:s29+$0xFFFFFE90] =	vst v11;
	v10 =	vld.idx.msk [tilespmem:v10+s13+$0x0], $0xffff  }
0x2e5: {  	v11 =	vadd.s32 $0xC000, v1;
	[tilespmem:s29+$0xFFFFFC90] =	vst v7;
	v7 =	vld.idx.msk [tilespmem:v15+s13+$0x0], $0xffff  }
0x2e6: {  	v4 =	vadd.s32 $0xE000, v4;
	v8 =	vld.idx.msk [tilespmem:v8+s13+$0x0], $0xffff;
	[tilespmem:s28+$0xFFFFFF30] =	vst v5  }
0x2e7: {  	v5 =	vadd.s32 $0xE000, v6;
	[tilespmem:s28+$0xFFFFFD30] =	vst v9;
	v2 =	vld.idx.msk [tilespmem:v2+s13+$0x0], $0xffff  }
0x2e8: {  	v3 =	vld.idx.msk [tilespmem:v3+s13+$0x0], $0xffff;
	[tilespmem:s26+$0xFFFFFFD0] =	vst v0  }
0x2e9: {  	[tilespmem:s26+$0xFFFFFCD0] =	vst v10;
	v0 =	vld [tilespmem:s11+$0x50]  }
0x2ea: {  	[tilespmem:s29+$0xFFFFFF10] =	vst v7;
	v6 =	vld.idx.msk [tilespmem:v11+s13+$0x0], $0xffff  }
0x2eb: {  	v1 =	vadd.s32 $0xE000, v1;
	v4 =	vld.idx.msk [tilespmem:v4+s13+$0x0], $0xffff;
	[tilespmem:s29+$0xFFFFFD10] =	vst v8  }
0x2ec: {  	v5 =	vld.idx.msk [tilespmem:v5+s13+$0x0], $0xffff;
	[tilespmem:s28+$0xFFFFFFB0] =	vst v2  }
0x2ed: {  	[tilespmem:s28+$0xFFFFFDB0] =	vst v3;
	v2 =	vld [tilespmem:s1+$0x30]  }
0x2ee: {  	v3 =	vld [tilespmem:s1+$0xFFFFFFB0];
	v7 =	vadd.s32 $0x8000, v0  }
0x2ef: {  	[tilespmem:s26+$0xFFFFFD50] =	vst v6  }
0x2f0: {  	[tilespmem:s29+$0xFFFFFF90] =	vst v4;
	v1 =	vld.idx.msk [tilespmem:v1+s13+$0x0], $0xffff  }
0x2f1: {  	v4 =	vld [tilespmem:s30+$0x10];
	[tilespmem:s29+$0xFFFFFD90] =	vst v5  }
0x2f2: {  	v5 =	vld [tilespmem:s30+$0xFFFFFF90];
	v6 =	vadd.s32 $0x8000, v2  }
0x2f3: {  	v8 =	vadd.s32 $0x8000, v3;
	v7 =	vld.idx.msk [tilespmem:v7+s13+$0x0], $0xffff  }
0x2f4: {  	v9 =	vadd.s32 $0xA000, v0  }
0x2f5: {  	[tilespmem:s26+$0xFFFFFDD0] =	vst v1  }
0x2f6: {  	v10 =	vadd.s32 $0x8000, v4;
	v1 =	vld [tilespmem:s11+$0xFFFFFFD0]  }
0x2f7: {  	v11 =	vadd.s32 $0x8000, v5;
	v6 =	vld.idx.msk [tilespmem:v6+s13+$0x0], $0xffff  }
0x2f8: {  	v12 =	vadd.s32 $0xA000, v2;
	v8 =	vld.idx.msk [tilespmem:v8+s13+$0x0], $0xffff;
	[tilespmem:s26+$0xFFFFFE60] =	vst v7  }
0x2f9: {  	v7 =	vadd.s32 $0xA000, v3;
	v9 =	vld.idx.msk [tilespmem:v9+s13+$0x0], $0xffff  }
0x2fa: {  	v13 =	vadd.s32 $0xC000, v0  }
0x2fb: {  	v10 =	vld.idx.msk [tilespmem:v10+s13+$0x0], $0xffff;
	v14 =	vadd.s32 $0x8000, v1  }
0x2fc: {  	v15 =	vadd.s32 $0xA000, v4;
	v11 =	vld.idx.msk [tilespmem:v11+s13+$0x0], $0xffff;
	[tilespmem:s28+$0xFFFFFE40] =	vst v6  }
0x2fd: {  	v6 =	vadd.s32 $0xA000, v5;
	[tilespmem:s28+$0xFFFFFC40] =	vst v8;
	v8 =	vld.idx.msk [tilespmem:v12+s13+$0x0], $0xffff  }
0x2fe: {  	v12 =	vadd.s32 $0xC000, v2;
	v7 =	vld.idx.msk [tilespmem:v7+s13+$0x0], $0xffff;
	[tilespmem:s26+$0xFFFFFEE0] =	vst v9  }
0x2ff: {  	v9 =	vadd.s32 $0xC000, v3;
	v13 =	vld.idx.msk [tilespmem:v13+s13+$0x0], $0xffff  }
0x300: {  	v0 =	vadd.s32 $0xE000, v0;
	[tilespmem:s29+$0xFFFFFE20] =	vst v10;
	v14 =	vld.idx.msk [tilespmem:v14+s13+$0x0], $0xffff  }
0x301: {  	v10 =	vadd.s32 $0xA000, v1;
	[tilespmem:s29+$0xFFFFFC20] =	vst v11;
	v11 =	vld.idx.msk [tilespmem:v15+s13+$0x0], $0xffff  }
0x302: {  	v15 =	vadd.s32 $0xC000, v4;
	v6 =	vld.idx.msk [tilespmem:v6+s13+$0x0], $0xffff;
	[tilespmem:s28+$0xFFFFFEC0] =	vst v8  }
0x303: {  	v8 =	vadd.s32 $0xC000, v5;
	[tilespmem:s28+$0xFFFFFCC0] =	vst v7;
	v7 =	vld.idx.msk [tilespmem:v12+s13+$0x0], $0xffff  }
0x304: {  	v2 =	vadd.s32 $0xE000, v2;
	v9 =	vld.idx.msk [tilespmem:v9+s13+$0x0], $0xffff;
	[tilespmem:s26+$0xFFFFFF60] =	vst v13  }
0x305: {  	v3 =	vadd.s32 $0xE000, v3;
	[tilespmem:s26+$0xFFFFFC60] =	vst v14;
	v0 =	vld.idx.msk [tilespmem:v0+s13+$0x0], $0xffff  }
0x306: {  	[tilespmem:s29+$0xFFFFFEA0] =	vst v11;
	v10 =	vld.idx.msk [tilespmem:v10+s13+$0x0], $0xffff  }
0x307: {  	v11 =	vadd.s32 $0xC000, v1;
	[tilespmem:s29+$0xFFFFFCA0] =	vst v6;
	v6 =	vld.idx.msk [tilespmem:v15+s13+$0x0], $0xffff  }
0x308: {  	v4 =	vadd.s32 $0xE000, v4;
	v8 =	vld.idx.msk [tilespmem:v8+s13+$0x0], $0xffff;
	[tilespmem:s28+$0xFFFFFF40] =	vst v7  }
0x309: {  	[tilespmem:s28+$0xFFFFFD40] =	vst v9;
	v2 =	vld.idx.msk [tilespmem:v2+s13+$0x0], $0xffff  }
0x30a: {  	v5 =	vadd.s32 $0xE000, v5;
	v3 =	vld.idx.msk [tilespmem:v3+s13+$0x0], $0xffff;
	[tilespmem:s26+$0xFFFFFFE0] =	vst v0  }
0x30b: {  	[tilespmem:s26+$0xFFFFFCE0] =	vst v10;
	v0 =	vld [tilespmem:s11+$0x60]  }
0x30c: {  	[tilespmem:s29+$0xFFFFFF20] =	vst v6;
	v7 =	vld.idx.msk [tilespmem:v11+s13+$0x0], $0xffff  }
0x30d: {  	s0 =	simm.s32 $0x380;
	v4 =	vld.idx.msk [tilespmem:v4+s13+$0x0], $0xffff  }
0x30e: {  	v1 =	vadd.s32 $0xE000, v1;
	[tilespmem:s29+$0xFFFFFD20] =	vst v8;
	v11 =	vld [tilespmem:s0+$0xFFFFFF80]  }
0x30f: {  	v5 =	vld.idx.msk [tilespmem:v5+s13+$0x0], $0xffff  }
0x310: {  	[tilespmem:s28+$0xFFFFFFC0] =	vst v2  }
0x311: {  	[tilespmem:s28+$0xFFFFFDC0] =	vst v3;
	v2 =	vld [tilespmem:s1+$0x40]  }
0x312: {  	v3 =	vld [tilespmem:s1+$0xFFFFFFC0];
	v6 =	vadd.s32 $0x8000, v0;
	[tilespmem:s26+$0xFFFFFD60] =	vst v7  }
0x313: {  	[tilespmem:s29+$0xFFFFFFA0] =	vst v4;
	v1 =	vld.idx.msk [tilespmem:v1+s13+$0x0], $0xffff  }
0x314: {  	v15 =	vadd.s32 $0x8000, v11;
	[tilespmem:s29+$0xFFFFFDA0] =	vst v5;
	v4 =	vld [tilespmem:s30+$0x20]  }
0x315: {  	v5 =	vld [tilespmem:s30+$0xFFFFFFA0]  }
0x316: {  	v7 =	vadd.s32 $0x8000, v2  }
0x317: {  	v8 =	vadd.s32 $0x8000, v3;
	v6 =	vld.idx.msk [tilespmem:v6+s13+$0x0], $0xffff  }
0x318: {  	v9 =	vld [tilespmem:s0+$0x0];
	v10 =	vadd.s32 $0xA000, v0  }
0x319: {  	v15 =	vld.idx.msk [tilespmem:v15+s13+$0x0], $0xffff;
	v12 =	vadd.s32 $0x8000, v4;
	[tilespmem:s26+$0xFFFFFDE0] =	vst v1  }
0x31a: {  	v13 =	vadd.s32 $0x8000, v5;
	v1 =	vld [tilespmem:s11+$0xFFFFFFE0]  }
0x31b: {  	v29 =	vadd.s32 $0xA000, v11;
	v7 =	vld.idx.msk [tilespmem:v7+s13+$0x0], $0xffff  }
0x31c: {  	v14 =	vadd.s32 $0xA000, v2;
	v8 =	vld.idx.msk [tilespmem:v8+s13+$0x0], $0xffff;
	[tilespmem:s26+$0xFFFFFE70] =	vst v6  }
0x31d: {  	v6 =	vadd.s32 $0x8000, v9;
	v10 =	vld.idx.msk [tilespmem:v10+s13+$0x0], $0xffff  }
0x31e: {  	s31 =	simm.s32 $0x17FF0;
	v16 =	vadd.s32 $0xC000, v0;
	v12 =	vld.idx.msk [tilespmem:v12+s13+$0x0], $0xffff  }
0x31f: {  	v17 =	vadd.s32 $0xA000, v4;
	[tilespmem:s31+$0xFFFFFC10] =	vst v15;
	v13 =	vld.idx.msk [tilespmem:v13+s13+$0x0], $0xffff  }
0x320: {  	v15 =	vld.idx.msk [tilespmem:v29+s13+$0x0], $0xffff;
	[tilespmem:s28+$0xFFFFFE50] =	vst v7;
	v7 =	vadd.s32 $0xA000, v5  }
0x321: {  	v18 =	vadd.s32 $0xA000, v3;
	v14 =	vld.idx.msk [tilespmem:v14+s13+$0x0], $0xffff  }
0x322: {  	v19 =	vadd.s32 $0xC000, v2;
	v6 =	vld.idx.msk [tilespmem:v6+s13+$0x0], $0xffff;
	[tilespmem:s26+$0xFFFFFEF0] =	vst v10  }
0x323: {  	v10 =	vadd.s32 $0xA000, v9;
	[tilespmem:s29+$0xFFFFFE30] =	vst v12;
	v12 =	vld.idx.msk [tilespmem:v16+s13+$0x0], $0xffff  }
0x324: {  	v0 =	vadd.s32 $0xE000, v0;
	[tilespmem:s29+$0xFFFFFC30] =	vst v13;
	v13 =	vld.idx.msk [tilespmem:v17+s13+$0x0], $0xffff  }
0x325: {  	[tilespmem:s28+$0xFFFFFC50] =	vst v8;
	v8 =	vadd.s32 $0xC000, v4;
	v7 =	vld.idx.msk [tilespmem:v7+s13+$0x0], $0xffff  }
0x326: {  	v30 =	vld.idx.msk [tilespmem:v18+s13+$0x0], $0xffff;
	[tilespmem:s28+$0xFFFFFED0] =	vst v14;
	v14 =	vadd.s32 $0xC000, v5  }
0x327: {  	v31 =	vadd.s32 $0xC000, v3;
	[tilespmem:s31+$0xFFFFFE10] =	vst v6;
	v6 =	vld.idx.msk [tilespmem:v19+s13+$0x0], $0xffff  }
0x328: {  	v2 =	vadd.s32 $0xE000, v2;
	v10 =	vld.idx.msk [tilespmem:v10+s13+$0x0], $0xffff;
	[tilespmem:s26+$0xFFFFFF70] =	vst v12  }
0x329: {  	v12 =	vadd.s32 $0xC000, v9;
	[tilespmem:s29+$0xFFFFFEB0] =	vst v13;
	v0 =	vld.idx.msk [tilespmem:v0+s13+$0x0], $0xffff  }
0x32a: {  	v13 =	vadd.s32 $0xC000, v11;
	[tilespmem:s29+$0xFFFFFCB0] =	vst v7;
	v7 =	vld.idx.msk [tilespmem:v8+s13+$0x0], $0xffff  }
0x32b: {  	[tilespmem:s28+$0xFFFFFCD0] =	vst v30;
	v8 =	vld.idx.msk [tilespmem:v14+s13+$0x0], $0xffff  }
0x32c: {  	v4 =	vadd.s32 $0xE000, v4;
	v14 =	vld.idx.msk [tilespmem:v31+s13+$0x0], $0xffff;
	[tilespmem:s28+$0xFFFFFF50] =	vst v6  }
0x32d: {  	v5 =	vadd.s32 $0xE000, v5;
	[tilespmem:s31+$0xFFFFFE90] =	vst v10;
	v2 =	vld.idx.msk [tilespmem:v2+s13+$0x0], $0xffff  }
0x32e: {  	v3 =	vadd.s32 $0xE000, v3;
	[tilespmem:s31+$0xFFFFFC90] =	vst v15;
	v6 =	vld.idx.msk [tilespmem:v12+s13+$0x0], $0xffff  }
0x32f: {  	v10 =	vld.idx.msk [tilespmem:v13+s13+$0x0], $0xffff;
	[tilespmem:s26+$0xFFFFFFF0] =	vst v0  }
0x330: {  	v0 =	vadd.s32 $0xE000, v9;
	[tilespmem:s29+$0xFFFFFF30] =	vst v7;
	v7 =	vld [tilespmem:s11+$0x70]  }
0x331: {  	v9 =	vadd.s32 $0xE000, v11;
	[tilespmem:s29+$0xFFFFFD30] =	vst v8;
	v4 =	vld.idx.msk [tilespmem:v4+s13+$0x0], $0xffff  }
0x332: {  	v8 =	vadd.s32 $0x8000, v1;
	[tilespmem:s28+$0xFFFFFD50] =	vst v14;
	v5 =	vld.idx.msk [tilespmem:v5+s13+$0x0], $0xffff  }
0x333: {  	v3 =	vld.idx.msk [tilespmem:v3+s13+$0x0], $0xffff;
	[tilespmem:s28+$0xFFFFFFD0] =	vst v2  }
0x334: {  	[tilespmem:s31+$0xFFFFFF10] =	vst v6;
	v2 =	vld [tilespmem:s1+$0x50]  }
0x335: {  	[tilespmem:s31+$0xFFFFFD10] =	vst v10;
	v0 =	vld.idx.msk [tilespmem:v0+s13+$0x0], $0xffff  }
0x336: {  	v9 =	vld.idx.msk [tilespmem:v9+s13+$0x0], $0xffff;
	v6 =	vadd.s32 $0x8000, v7  }
0x337: {  	[tilespmem:s29+$0xFFFFFFB0] =	vst v4;
	v4 =	vld.idx.msk [tilespmem:v8+s13+$0x0], $0xffff  }
0x338: {  	[tilespmem:s29+$0xFFFFFDB0] =	vst v5;
	v5 =	vld [tilespmem:s30+$0x30]  }
0x339: {  	[tilespmem:s28+$0xFFFFFDD0] =	vst v3;
	v8 =	vld [tilespmem:s30+$0xFFFFFFB0]  }
0x33a: {  	v14 =	vld [tilespmem:s1+$0xFFFFFFD0];
	v10 =	vadd.s32 $0x8000, v2  }
0x33b: {  	[tilespmem:s31+$0xFFFFFF90] =	vst v0;
	v0 =	vadd.s32 $0xA000, v1;
	v6 =	vld.idx.msk [tilespmem:v6+s13+$0x0], $0xffff  }
0x33c: {  	v11 =	vadd.s32 $0xA000, v7;
	[tilespmem:s31+$0xFFFFFD90] =	vst v9;
	v9 =	vld [tilespmem:s0+$0x10]  }
0x33d: {  	v12 =	vld [tilespmem:s0+$0xFFFFFF90];
	v13 =	vadd.s32 $0x8000, v5  }
0x33e: {  	v3 =	vadd.s32 $0x8000, v8  }
0x33f: {  	[tilespmem:s26+$0xFFFFFC70] =	vst v4;
	v34 =	vadd.s32 $0x8000, v14;
	v10 =	vld.idx.msk [tilespmem:v10+s13+$0x0], $0xffff  }
0x340: {  	v4 =	vadd.s32 $0xA000, v2;
	v15 =	vld.idx.msk [tilespmem:v0+s13+$0x0], $0xffff;
	[tilespmem:s26+$0xFFFFFE80] =	vst v6  }
0x341: {  	v0 =	vadd.s32 $0x8000, v9;
	v6 =	vld.idx.msk [tilespmem:v11+s13+$0x0], $0xffff  }
0x342: {  	v11 =	vadd.s32 $0x8000, v12;
	v13 =	vld.idx.msk [tilespmem:v13+s13+$0x0], $0xffff  }
0x343: {  	v32 =	vadd.s32 $0xC000, v7;
	v3 =	vld.idx.msk [tilespmem:v3+s13+$0x0], $0xffff  }
0x344: {  	v33 =	vadd.s32 $0xA000, v5;
	v18 =	vld.idx.msk [tilespmem:v34+s13+$0x0], $0xffff;
	[tilespmem:s28+$0xFFFFFE60] =	vst v10  }
0x345: {  	v10 =	vadd.s32 $0xA000, v8;
	v4 =	vld.idx.msk [tilespmem:v4+s13+$0x0], $0xffff  }
0x346: {  	v20 =	vadd.s32 $0xA000, v14;
	v0 =	vld.idx.msk [tilespmem:v0+s13+$0x0], $0xffff  }
0x347: {  	v35 =	vadd.s32 $0xC000, v2;
	v11 =	vld.idx.msk [tilespmem:v11+s13+$0x0], $0xffff;
	[tilespmem:s26+$0xFFFFFF00] =	vst v6  }
0x348: {  	v6 =	vadd.s32 $0xA000, v9;
	[tilespmem:s29+$0xFFFFFE40] =	vst v13;
	v13 =	vld.idx.msk [tilespmem:v32+s13+$0x0], $0xffff  }
0x349: {  	v36 =	vadd.s32 $0xA000, v12;
	[tilespmem:s29+$0xFFFFFC40] =	vst v3;
	v3 =	vld.idx.msk [tilespmem:v33+s13+$0x0], $0xffff  }
0x34a: {  	v7 =	vadd.s32 $0xE000, v7;
	[tilespmem:s28+$0xFFFFFC60] =	vst v18;
	v10 =	vld.idx.msk [tilespmem:v10+s13+$0x0], $0xffff  }
0x34b: {  	v37 =	vadd.s32 $0xC000, v5;
	v38 =	vld.idx.msk [tilespmem:v20+s13+$0x0], $0xffff;
	[tilespmem:s28+$0xFFFFFEE0] =	vst v4  }
0x34c: {  	v4 =	vadd.s32 $0xC000, v8;
	[tilespmem:s31+$0xFFFFFE20] =	vst v0;
	v19 =	vld.idx.msk [tilespmem:v35+s13+$0x0], $0xffff  }
0x34d: {  	v2 =	vadd.s32 $0xE000, v2;
	[tilespmem:s31+$0xFFFFFC20] =	vst v11;
	v6 =	vld.idx.msk [tilespmem:v6+s13+$0x0], $0xffff  }
0x34e: {  	v11 =	vld.idx.msk [tilespmem:v36+s13+$0x0], $0xffff;
	[tilespmem:s26+$0xFFFFFF80] =	vst v13;
	v13 =	vadd.s32 $0xC000, v9  }
0x34f: {  	[tilespmem:s29+$0xFFFFFEC0] =	vst v3;
	v3 =	vadd.s32 $0xC000, v12;
	v0 =	vld.idx.msk [tilespmem:v7+s13+$0x0], $0xffff  }
0x350: {  	[tilespmem:s29+$0xFFFFFCC0] =	vst v10;
	v7 =	vld.idx.msk [tilespmem:v37+s13+$0x0], $0xffff;
	v10 =	vadd.s32 $0xC000, v1  }
0x351: {  	v5 =	vadd.s32 $0xE000, v5;
	v4 =	vld.idx.msk [tilespmem:v4+s13+$0x0], $0xffff;
	[tilespmem:s28+$0xFFFFFF60] =	vst v19  }
0x352: {  	v8 =	vadd.s32 $0xE000, v8;
	[tilespmem:s31+$0xFFFFFEA0] =	vst v6;
	v2 =	vld.idx.msk [tilespmem:v2+s13+$0x0], $0xffff  }
0x353: {  	[tilespmem:s31+$0xFFFFFCA0] =	vst v11;
	v6 =	vld.idx.msk [tilespmem:v13+s13+$0x0], $0xffff  }
0x354: {  	[tilespmem:s26+$0xFFFFFCF0] =	vst v15;
	v11 =	vadd.s32 $0xC000, v14;
	v3 =	vld.idx.msk [tilespmem:v3+s13+$0x0], $0xffff  }
0x355: {  	[tilespmem:s29+$0xFFFFFF40] =	vst v7;
	v7 =	vld.idx.msk [tilespmem:v10+s13+$0x0], $0xffff  }
0x356: {  	v9 =	vadd.s32 $0xE000, v9;
	[tilespmem:s29+$0xFFFFFD40] =	vst v4;
	v4 =	vld.idx.msk [tilespmem:v5+s13+$0x0], $0xffff  }
0x357: {  	v10 =	vadd.s32 $0xE000, v12;
	v5 =	vld.idx.msk [tilespmem:v8+s13+$0x0], $0xffff;
	[tilespmem:s28+$0xFFFFFFE0] =	vst v2  }
0x358: {  	[tilespmem:s28+$0xFFFFFCE0] =	vst v38;
	v1 =	vadd.s32 $0xE000, v1;
	v8 =	vld [tilespmem:s1+$0x60]  }
0x359: {  	s2 =	simm.s32 $0x480;
	v2 =	vld.idx.msk [tilespmem:v11+s13+$0x0], $0xffff  }
0x35a: {  	[tilespmem:s31+$0xFFFFFF20] =	vst v6;
	v6 =	vadd.s32 $0xE000, v14;
	v14 =	vld [tilespmem:s2+$0xFFFFFF80]  }
0x35b: {  	[tilespmem:s31+$0xFFFFFD20] =	vst v3;
	v3 =	vld.idx.msk [tilespmem:v9+s13+$0x0], $0xffff  }
0x35c: {  	[tilespmem:s26+$0xFFFFFD70] =	vst v7;
	v9 =	vld.idx.msk [tilespmem:v10+s13+$0x0], $0xffff  }
0x35d: {  	[tilespmem:s29+$0xFFFFFFC0] =	vst v4;
	v1 =	vld.idx.msk [tilespmem:v1+s13+$0x0], $0xffff  }
0x35e: {  	[tilespmem:s29+$0xFFFFFDC0] =	vst v5;
	v4 =	vld [tilespmem:s30+$0x40]  }
0x35f: {  	v5 =	vld [tilespmem:s30+$0xFFFFFFC0];
	v7 =	vadd.s32 $0x8000, v8;
	[tilespmem:s28+$0xFFFFFD60] =	vst v2  }
0x360: {  	v6 =	vld.idx.msk [tilespmem:v6+s13+$0x0], $0xffff;
	[tilespmem:s31+$0xFFFFFFA0] =	vst v3  }
0x361: {  	v40 =	vadd.s32 $0x8000, v14;
	[tilespmem:s31+$0xFFFFFDA0] =	vst v9;
	v3 =	vld [tilespmem:s0+$0x20]  }
0x362: {  	v9 =	vld [tilespmem:s0+$0xFFFFFFA0]  }
0x363: {  	v12 =	vld [tilespmem:s2+$0x0];
	v10 =	vadd.s32 $0x8000, v4  }
0x364: {  	[tilespmem:s26+$0xFFFFFDF0] =	vst v1;
	v11 =	vadd.s32 $0x8000, v5;
	v7 =	vld.idx.msk [tilespmem:v7+s13+$0x0], $0xffff  }
0x365: {  	v13 =	vadd.s32 $0xA000, v8;
	v2 =	vld [tilespmem:s11+$0xFFFFFFF0]  }
0x366: {  	v17 =	vld.idx.msk [tilespmem:v40+s13+$0x0], $0xffff;
	[tilespmem:s28+$0xFFFFFDE0] =	vst v6;
	v15 =	vadd.s32 $0x8000, v3  }
0x367: {  	v1 =	vld [tilespmem:s1+$0xFFFFFFE0];
	v39 =	vadd.s32 $0x8000, v9  }
0x368: {  	v44 =	vadd.s32 $0xA000, v14;
	v10 =	vld.idx.msk [tilespmem:v10+s13+$0x0], $0xffff  }
0x369: {  	v6 =	vld.idx.msk [tilespmem:v11+s13+$0x0], $0xffff;
	v11 =	vadd.s32 $0xA000, v4;
	[tilespmem:s28+$0xFFFFFE70] =	vst v7  }
0x36a: {  	v7 =	vadd.s32 $0x8000, v12;
	v13 =	vld.idx.msk [tilespmem:v13+s13+$0x0], $0xffff  }
0x36b: {  	v41 =	vadd.s32 $0xC000, v8;
	s11 =	simm.s32 $0x183F0;
	v15 =	vld.idx.msk [tilespmem:v15+s13+$0x0], $0xffff  }
0x36c: {  	v42 =	vadd.s32 $0xA000, v3;
	[tilespmem:s11+$0xFFFFFC10] =	vst v17;
	v16 =	vld.idx.msk [tilespmem:v39+s13+$0x0], $0xffff  }
0x36d: {  	v17 =	vld.idx.msk [tilespmem:v44+s13+$0x0], $0xffff;
	[tilespmem:s29+$0xFFFFFE50] =	vst v10;
	v10 =	vadd.s32 $0xA000, v9  }
0x36e: {  	v43 =	vadd.s32 $0xA000, v5;
	v11 =	vld.idx.msk [tilespmem:v11+s13+$0x0], $0xffff  }
0x36f: {  	v21 =	vadd.s32 $0xC000, v4;
	v7 =	vld.idx.msk [tilespmem:v7+s13+$0x0], $0xffff;
	[tilespmem:s28+$0xFFFFFEF0] =	vst v13  }
0x370: {  	v13 =	vadd.s32 $0xA000, v12;
	[tilespmem:s31+$0xFFFFFE30] =	vst v15;
	v15 =	vld.idx.msk [tilespmem:v41+s13+$0x0], $0xffff  }
0x371: {  	v8 =	vadd.s32 $0xE000, v8;
	[tilespmem:s31+$0xFFFFFC30] =	vst v16;
	v45 =	vld.idx.msk [tilespmem:v42+s13+$0x0], $0xffff  }
0x372: {  	[tilespmem:s29+$0xFFFFFC50] =	vst v6;
	v6 =	vld.idx.msk [tilespmem:v10+s13+$0x0], $0xffff;
	v10 =	vadd.s32 $0xC000, v3  }
0x373: {  	v46 =	vld.idx.msk [tilespmem:v43+s13+$0x0], $0xffff;
	[tilespmem:s29+$0xFFFFFED0] =	vst v11;
	v11 =	vadd.s32 $0xC000, v9  }
0x374: {  	v47 =	vadd.s32 $0xC000, v5;
	[tilespmem:s11+$0xFFFFFE10] =	vst v7;
	v7 =	vld.idx.msk [tilespmem:v21+s13+$0x0], $0xffff  }
0x375: {  	v4 =	vadd.s32 $0xE000, v4;
	v13 =	vld.idx.msk [tilespmem:v13+s13+$0x0], $0xffff;
	[tilespmem:s28+$0xFFFFFF70] =	vst v15  }
0x376: {  	v48 =	vadd.s32 $0xC000, v14;
	[tilespmem:s31+$0xFFFFFEB0] =	vst v45;
	v8 =	vld.idx.msk [tilespmem:v8+s13+$0x0], $0xffff  }
0x377: {  	v15 =	vadd.s32 $0xC000, v12;
	[tilespmem:s31+$0xFFFFFCB0] =	vst v6;
	v6 =	vld.idx.msk [tilespmem:v10+s13+$0x0], $0xffff  }
0x378: {  	[tilespmem:s29+$0xFFFFFCD0] =	vst v46;
	v10 =	vld.idx.msk [tilespmem:v11+s13+$0x0], $0xffff  }
0x379: {  	v3 =	vadd.s32 $0xE000, v3;
	v11 =	vld.idx.msk [tilespmem:v47+s13+$0x0], $0xffff;
	[tilespmem:s29+$0xFFFFFF50] =	vst v7  }
0x37a: {  	[tilespmem:s11+$0xFFFFFC90] =	vst v17;
	v7 =	vadd.s32 $0xE000, v9;
	v4 =	vld.idx.msk [tilespmem:v4+s13+$0x0], $0xffff  }
0x37b: {  	v5 =	vadd.s32 $0xE000, v5;
	[tilespmem:s11+$0xFFFFFE90] =	vst v13;
	v13 =	vld.idx.msk [tilespmem:v48+s13+$0x0], $0xffff  }
0x37c: {  	v9 =	vld.idx.msk [tilespmem:v15+s13+$0x0], $0xffff;
	[tilespmem:s28+$0xFFFFFFF0] =	vst v8  }
0x37d: {  	v8 =	vadd.s32 $0xE000, v12;
	[tilespmem:s31+$0xFFFFFF30] =	vst v6;
	v6 =	vld [tilespmem:s1+$0x70]  }
0x37e: {  	v12 =	vadd.s32 $0xE000, v14;
	[tilespmem:s31+$0xFFFFFD30] =	vst v10;
	v3 =	vld.idx.msk [tilespmem:v3+s13+$0x0], $0xffff  }
0x37f: {  	v10 =	vadd.s32 $0x8000, v1;
	[tilespmem:s29+$0xFFFFFD50] =	vst v11;
	v7 =	vld.idx.msk [tilespmem:v7+s13+$0x0], $0xffff  }
0x380: {  	v5 =	vld.idx.msk [tilespmem:v5+s13+$0x0], $0xffff;
	[tilespmem:s29+$0xFFFFFFD0] =	vst v4  }
0x381: {  	[tilespmem:s11+$0xFFFFFF10] =	vst v9;
	v4 =	vld [tilespmem:s30+$0x50]  }
0x382: {  	[tilespmem:s11+$0xFFFFFD10] =	vst v13;
	v8 =	vld.idx.msk [tilespmem:v8+s13+$0x0], $0xffff  }
0x383: {  	v11 =	vld.idx.msk [tilespmem:v12+s13+$0x0], $0xffff;
	v9 =	vadd.s32 $0x8000, v6  }
0x384: {  	[tilespmem:s31+$0xFFFFFFB0] =	vst v3;
	v3 =	vld.idx.msk [tilespmem:v10+s13+$0x0], $0xffff  }
0x385: {  	[tilespmem:s31+$0xFFFFFDB0] =	vst v7;
	v7 =	vld [tilespmem:s0+$0x30]  }
0x386: {  	v13 =	vadd.s32 $0xA000, v1;
	[tilespmem:s29+$0xFFFFFDD0] =	vst v5;
	v10 =	vld [tilespmem:s0+$0xFFFFFFB0]  }
0x387: {  	v12 =	vadd.s32 $0x8000, v4;
	v15 =	vld [tilespmem:s30+$0xFFFFFFD0]  }
0x388: {  	[tilespmem:s11+$0xFFFFFF90] =	vst v8;
	v8 =	vadd.s32 $0x8000, v2;
	v9 =	vld.idx.msk [tilespmem:v9+s13+$0x0], $0xffff  }
0x389: {  	v5 =	vadd.s32 $0xA000, v6;
	[tilespmem:s11+$0xFFFFFD90] =	vst v11;
	v11 =	vld [tilespmem:s2+$0x10]  }
0x38a: {  	v14 =	vld [tilespmem:s2+$0xFFFFFF90];
	[tilespmem:s28+$0xFFFFFC70] =	vst v3;
	v49 =	vadd.s32 $0x8000, v7  }
0x38b: {  	v13 =	vld.idx.msk [tilespmem:v13+s13+$0x0], $0xffff;
	v3 =	vadd.s32 $0x8000, v10  }
0x38c: {  	v12 =	vld.idx.msk [tilespmem:v12+s13+$0x0], $0xffff;
	v54 =	vadd.s32 $0x8000, v15  }
0x38d: {  	v50 =	vadd.s32 $0xA000, v4;
	v8 =	vld.idx.msk [tilespmem:v8+s13+$0x0], $0xffff;
	[tilespmem:s28+$0xFFFFFE80] =	vst v9  }
0x38e: {  	v9 =	vadd.s32 $0x8000, v11;
	v5 =	vld.idx.msk [tilespmem:v5+s13+$0x0], $0xffff  }
0x38f: {  	v51 =	vadd.s32 $0x8000, v14;
	v16 =	vld.idx.msk [tilespmem:v49+s13+$0x0], $0xffff  }
0x390: {  	v52 =	vadd.s32 $0xC000, v6;
	v3 =	vld.idx.msk [tilespmem:v3+s13+$0x0], $0xffff  }
0x391: {  	v53 =	vadd.s32 $0xA000, v7;
	[tilespmem:s29+$0xFFFFFE60] =	vst v12;
	v21 =	vld.idx.msk [tilespmem:v54+s13+$0x0], $0xffff  }
0x392: {  	v12 =	vadd.s32 $0xA000, v10;
	v17 =	vld.idx.msk [tilespmem:v50+s13+$0x0], $0xffff  }
0x393: {  	v59 =	vadd.s32 $0xA000, v15;
	v9 =	vld.idx.msk [tilespmem:v9+s13+$0x0], $0xffff  }
0x394: {  	v22 =	vadd.s32 $0xC000, v4;
	v18 =	vld.idx.msk [tilespmem:v51+s13+$0x0], $0xffff;
	[tilespmem:s28+$0xFFFFFF00] =	vst v5  }
0x395: {  	v5 =	vadd.s32 $0xA000, v11;
	[tilespmem:s31+$0xFFFFFE40] =	vst v16;
	v55 =	vld.idx.msk [tilespmem:v52+s13+$0x0], $0xffff  }
0x396: {  	v56 =	vadd.s32 $0xA000, v14;
	[tilespmem:s31+$0xFFFFFC40] =	vst v3;
	v3 =	vld.idx.msk [tilespmem:v53+s13+$0x0], $0xffff  }
0x397: {  	v6 =	vadd.s32 $0xE000, v6;
	[tilespmem:s29+$0xFFFFFC60] =	vst v21;
	v12 =	vld.idx.msk [tilespmem:v12+s13+$0x0], $0xffff  }
0x398: {  	v57 =	vadd.s32 $0xC000, v7;
	[tilespmem:s29+$0xFFFFFEE0] =	vst v17;
	v62 =	vld.idx.msk [tilespmem:v59+s13+$0x0], $0xffff  }
0x399: {  	v58 =	vadd.s32 $0xC000, v10;
	[tilespmem:s11+$0xFFFFFE20] =	vst v9;
	v9 =	vld.idx.msk [tilespmem:v22+s13+$0x0], $0xffff  }
0x39a: {  	v4 =	vadd.s32 $0xE000, v4;
	[tilespmem:s11+$0xFFFFFC20] =	vst v18;
	v5 =	vld.idx.msk [tilespmem:v5+s13+$0x0], $0xffff  }
0x39b: {  	v60 =	vadd.s32 $0xC000, v11;
	v18 =	vld.idx.msk [tilespmem:v56+s13+$0x0], $0xffff;
	[tilespmem:s28+$0xFFFFFF80] =	vst v55  }
0x39c: {  	[tilespmem:s31+$0xFFFFFEC0] =	vst v3;
	v61 =	vld.idx.msk [tilespmem:v6+s13+$0x0], $0xffff;
	v3 =	vadd.s32 $0xC000, v14  }
0x39d: {  	[tilespmem:s31+$0xFFFFFCC0] =	vst v12;
	v6 =	vld.idx.msk [tilespmem:v57+s13+$0x0], $0xffff;
	v12 =	vadd.s32 $0xC000, v1  }
0x39e: {  	v7 =	vadd.s32 $0xE000, v7;
	v17 =	vld.idx.msk [tilespmem:v58+s13+$0x0], $0xffff;
	[tilespmem:s29+$0xFFFFFF60] =	vst v9  }
0x39f: {  	v9 =	vadd.s32 $0xE000, v10;
	[tilespmem:s11+$0xFFFFFEA0] =	vst v5;
	v4 =	vld.idx.msk [tilespmem:v4+s13+$0x0], $0xffff  }
0x3a0: {  	v5 =	vadd.s32 $0xC000, v15;
	[tilespmem:s11+$0xFFFFFCA0] =	vst v18;
	v10 =	vld.idx.msk [tilespmem:v60+s13+$0x0], $0xffff  }
0x3a1: {  	[tilespmem:s28+$0xFFFFFCF0] =	vst v13;
	v13 =	vld.idx.msk [tilespmem:v3+s13+$0x0], $0xffff  }
0x3a2: {  	v11 =	vadd.s32 $0xE000, v11;
	[tilespmem:s31+$0xFFFFFF40] =	vst v6;
	v6 =	vld.idx.msk [tilespmem:v12+s13+$0x0], $0xffff  }
0x3a3: {  	v12 =	vadd.s32 $0xE000, v14;
	[tilespmem:s31+$0xFFFFFD40] =	vst v17;
	v7 =	vld.idx.msk [tilespmem:v7+s13+$0x0], $0xffff  }
0x3a4: {  	v1 =	vadd.s32 $0xE000, v1;
	[tilespmem:s29+$0xFFFFFCE0] =	vst v62;
	v9 =	vld.idx.msk [tilespmem:v9+s13+$0x0], $0xffff  }
0x3a5: {  	v5 =	vld.idx.msk [tilespmem:v5+s13+$0x0], $0xffff;
	[tilespmem:s29+$0xFFFFFFE0] =	vst v4  }
0x3a6: {  	[tilespmem:s11+$0xFFFFFF20] =	vst v10;
	v3 =	vld [tilespmem:s30+$0x60]  }
0x3a7: {  	v4 =	vadd.s32 $0xE000, v15;
	[tilespmem:s11+$0xFFFFFD20] =	vst v13;
	v10 =	vld.idx.msk [tilespmem:v11+s13+$0x0], $0xffff  }
0x3a8: {  	v11 =	vadd.s32 $0xA000, v2;
	v12 =	vld.idx.msk [tilespmem:v12+s13+$0x0], $0xffff;
	[tilespmem:s28+$0xFFFFFD70] =	vst v6  }
0x3a9: {  	[tilespmem:s31+$0xFFFFFFC0] =	vst v7;
	v15 =	vld.idx.msk [tilespmem:v1+s13+$0x0], $0xffff  }
0x3aa: {  	[tilespmem:s31+$0xFFFFFDC0] =	vst v9;
	v6 =	vld [tilespmem:s0+$0x40]  }
0x3ab: {  	[tilespmem:s29+$0xFFFFFD60] =	vst v5;
	v63 =	vld [tilespmem:s0+$0xFFFFFFC0]  }
0x3ac: {  	[tilespmem:s26+$0xFFFFFC80] =	vst v8;
	v5 =	vadd.s32 $0x8000, v3;
	v7 =	vld.idx.msk [tilespmem:v4+s13+$0x0], $0xffff  }
0x3ad: {  	[tilespmem:s11+$0xFFFFFFA0] =	vst v10;
	v4 =	vld.idx.msk [tilespmem:v11+s13+$0x0], $0xffff  }
0x3ae: {  	[tilespmem:s11+$0xFFFFFDA0] =	vst v12;
	v11 =	vld [tilespmem:s2+$0x20]  }
0x3af: {  	v14 =	vld [tilespmem:s2+$0xFFFFFFA0];
	[tilespmem:s28+$0xFFFFFDF0] =	vst v15;
	v13 =	vadd.s32 $0x8000, v6  }
0x3b0: {  	[tilespmem:s26+$0x0] =	vst v0;
	v0 =	vadd.s32 $0xE000, v2;
	v1 =	vadd.s32 $0xC000, v2;
	v2 =	vld [tilespmem:s1+$0xFFFFFFF0];
	v12 =	vadd.s32 $0x8000, v63  }
0x3b1: {  	s5 =	simm.s32 $0x8;
	s6 =	simm.s32 $0x580;
	[tilespmem:s28+$0x0] =	vst v61;
	s1 =	simm.s32 $0x183F0;
	v9 =	vld.idx.msk [tilespmem:v5+s13+$0x0], $0xffff;
	v10 =	vadd.s32 $0xA000, v63;
	v8 =	vadd.s32 $0xC000, v63;
	v5 =	vadd.s32 $0xE000, v63  }
.LBB2_9:
0x3b2: {  	v15 =	vld [tilespmem:s6+$0x0];
	s5 =	sadd.s32 $0x2, s5;
	[tilespmem:s29+$0xFFFFFDE0] =	vst v7;
	v7 =	vadd.s32 $0xA000, v3;
	s9 =	smov.u32 s2;
	s2 =	smov.u32 s6  }
0x3b3: {  	v16 =	vld [tilespmem:s6+$0xFFFFFF80];
	p0 =	slt.u32 s5, $0x1E;
	v17 =	vadd.s32 $0x8000, v11;
	[tilespmem:s26+$0xFFFFFD00] =	vst v4  }
0x3b4: {  	v18 =	vadd.s32 $0x8000, v14;
	v19 =	vadd.s32 $0xA000, v14;
	v20 =	vadd.s32 $0xC000, v14;
	v13 =	vld.idx.msk [tilespmem:v13+s13+$0x0], $0xffff  }
0x3b5: {  	v14 =	vadd.s32 $0xE000, v14;
	v21 =	vld.idx.msk [tilespmem:v12+s13+$0x0], $0xffff  }
0x3b6: {  	v22 =	vadd.s32 $0xA000, v6;
	v23 =	vld [tilespmem:s30+$0xFFFFFFE0];
	[tilespmem:s29+$0xFFFFFE70] =	vst v9;
	v12 =	vadd.s32 $0x8000, v2;
	v4 =	vadd.s32 $0xA000, v2  }
0x3b7: {  	v9 =	vadd.s32 $0xE000, v2;
	v24 =	vadd.s32 $0x8000, v15;
	v25 =	vld.idx.msk [tilespmem:v7+s13+$0x0], $0xffff;
	v7 =	vadd.s32 $0xC000, v2  }
0x3b8: {  	v26 =	vadd.s32 $0x8000, v16;
	v27 =	vadd.s32 $0xA000, v16;
	v28 =	vadd.s32 $0xC000, v16;
	v17 =	vld.idx.msk [tilespmem:v17+s13+$0x0], $0xffff  }
0x3b9: {  	v29 =	vadd.s32 $0xC000, v3;
	v16 =	vadd.s32 $0xE000, v16;
	v18 =	vld.idx.msk [tilespmem:v18+s13+$0x0], $0xffff  }
0x3ba: {  	v30 =	vadd.s32 $0xA000, v11;
	[tilespmem:s31+$0xFFFFFE50] =	vst v13;
	v13 =	vld.idx.msk [tilespmem:v1+s13+$0x0], $0xffff;
	v1 =	vmov v7  }
0x3bb: {  	[tilespmem:s31+$0xFFFFFC50] =	vst v21;
	v21 =	vld.idx.msk [tilespmem:v22+s13+$0x0], $0xffff;
	v22 =	vadd.s32 $0x8000, v23;
	v31 =	vadd.s32 $0xA000, v23;
	v7 =	vadd.s32 $0xC000, v23  }
0x3bc: {  	v2 =	vadd.s32 $0xE000, v23;
	v24 =	vld.idx.msk [tilespmem:v24+s13+$0x0], $0xffff  }
0x3bd: {  	v23 =	vld.idx.msk [tilespmem:v26+s13+$0x0], $0xffff;
	v26 =	vadd.s32 $0xC000, v6;
	[tilespmem:s29+$0xFFFFFEF0] =	vst v25  }
0x3be: {  	v25 =	vadd.s32 $0xA000, v15;
	[tilespmem:s11+$0xFFFFFE30] =	vst v17;
	v17 =	vld.idx.msk [tilespmem:v29+s13+$0x0], $0xffff  }
0x3bf: {  	[tilespmem:s11+$0xFFFFFC30] =	vst v18;
	v18 =	vld.idx.msk [tilespmem:v30+s13+$0x0], $0xffff  }
0x3c0: {  	v3 =	vadd.s32 $0xE000, v3;
	v19 =	vld.idx.msk [tilespmem:v19+s13+$0x0], $0xffff;
	[tilespmem:s26+$0xFFFFFD80] =	vst v13  }
0x3c1: {  	s11 =	sadd.s32 $0x400, s11;
	v13 =	vadd.s32 $0xC000, v11;
	v10 =	vld.idx.msk [tilespmem:v10+s13+$0x0], $0xffff;
	[tilespmem:s31+$0xFFFFFED0] =	vst v21  }
0x3c2: {  	[tilespmem:s11+$0xFFFFFE10] =	vst v24;
	v21 =	vld.idx.msk [tilespmem:v26+s13+$0x0], $0xffff  }
0x3c3: {  	[tilespmem:s11+$0xFFFFFC10] =	vst v23;
	v23 =	vld.idx.msk [tilespmem:v25+s13+$0x0], $0xffff  }
0x3c4: {  	v6 =	vadd.s32 $0xE000, v6;
	v24 =	vld.idx.msk [tilespmem:v27+s13+$0x0], $0xffff;
	[tilespmem:s29+$0xFFFFFF70] =	vst v17  }
0x3c5: {  	v17 =	vadd.s32 $0xC000, v15;
	[tilespmem:s1+$0xFFFFFEB0] =	vst v18;
	v3 =	vld.idx.msk [tilespmem:v3+s13+$0x0], $0xffff  }
0x3c6: {  	[tilespmem:s1+$0xFFFFFCB0] =	vst v19;
	v13 =	vld.idx.msk [tilespmem:v13+s13+$0x0], $0xffff  }
0x3c7: {  	v18 =	vld.idx.msk [tilespmem:v20+s13+$0x0], $0xffff;
	[tilespmem:s31+$0xFFFFFCD0] =	vst v10  }
0x3c8: {  	v10 =	vadd.s32 $0xE000, v11;
	v8 =	vld.idx.msk [tilespmem:v8+s13+$0x0], $0xffff;
	[tilespmem:s31+$0xFFFFFF50] =	vst v21  }
0x3c9: {  	[tilespmem:s11+$0xFFFFFE90] =	vst v23;
	v6 =	vld.idx.msk [tilespmem:v6+s13+$0x0], $0xffff  }
0x3ca: {  	[tilespmem:s11+$0xFFFFFC90] =	vst v24;
	v11 =	vld.idx.msk [tilespmem:v17+s13+$0x0], $0xffff  }
0x3cb: {  	v17 =	vld.idx.msk [tilespmem:v28+s13+$0x0], $0xffff;
	[tilespmem:s29+$0xFFFFFFF0] =	vst v3  }
0x3cc: {  	v3 =	vadd.s32 $0xE000, v15;
	[tilespmem:s1+$0xFFFFFF30] =	vst v13;
	v13 =	vld [tilespmem:s30+$0x70]  }
0x3cd: {  	[tilespmem:s1+$0xFFFFFD30] =	vst v18;
	v10 =	vld.idx.msk [tilespmem:v10+s13+$0x0], $0xffff  }
0x3ce: {  	v14 =	vld.idx.msk [tilespmem:v14+s13+$0x0], $0xffff;
	[tilespmem:s31+$0xFFFFFD50] =	vst v8  }
0x3cf: {  	v5 =	vld.idx.msk [tilespmem:v5+s13+$0x0], $0xffff;
	[tilespmem:s31+$0xFFFFFFD0] =	vst v6  }
0x3d0: {  	[tilespmem:s11+$0xFFFFFF10] =	vst v11;
	v6 =	vld [tilespmem:s0+$0x50]  }
0x3d1: {  	[tilespmem:s11+$0xFFFFFD10] =	vst v17;
	v3 =	vld.idx.msk [tilespmem:v3+s13+$0x0], $0xffff;
	v8 =	vadd.s32 $0x8000, v13  }
0x3d2: {  	v11 =	vld.idx.msk [tilespmem:v16+s13+$0x0], $0xffff  }
0x3d3: {  	[tilespmem:s1+$0xFFFFFFB0] =	vst v10;
	v10 =	vld.idx.msk [tilespmem:v22+s13+$0x0], $0xffff  }
0x3d4: {  	[tilespmem:s1+$0xFFFFFDB0] =	vst v14;
	v14 =	vld [tilespmem:s9+$0x30]  }
0x3d5: {  	v15 =	vld [tilespmem:s9+$0xFFFFFFB0];
	[tilespmem:s31+$0xFFFFFDD0] =	vst v5;
	v5 =	vadd.s32 $0x8000, v6  }
0x3d6: {  	v8 =	vld.idx.msk [tilespmem:v8+s13+$0x0], $0xffff  }
0x3d7: {  	[tilespmem:s11+$0xFFFFFF90] =	vst v3;
	v3 =	vld [tilespmem:s0+$0xFFFFFFD0]  }
0x3d8: {  	v16 =	vadd.s32 $0xA000, v13;
	[tilespmem:s11+$0xFFFFFD90] =	vst v11;
	v11 =	vld [tilespmem:s6+$0x10]  }
0x3d9: {  	v17 =	vld [tilespmem:s6+$0xFFFFFF90];
	v18 =	vadd.s32 $0x8000, v14;
	[tilespmem:s29+$0xFFFFFC70] =	vst v10  }
0x3da: {  	v10 =	vadd.s32 $0x8000, v15;
	v19 =	vadd.s32 $0xA000, v15;
	v20 =	vadd.s32 $0xC000, v15;
	v5 =	vld.idx.msk [tilespmem:v5+s13+$0x0], $0xffff  }
0x3db: {  	v15 =	vadd.s32 $0xE000, v15;
	v21 =	vld.idx.msk [tilespmem:v31+s13+$0x0], $0xffff  }
0x3dc: {  	v24 =	vadd.s32 $0xA000, v6;
	v22 =	vadd.s32 $0x8000, v3;
	v23 =	vadd.s32 $0xA000, v3;
	[tilespmem:s29+$0xFFFFFE80] =	vst v8;
	v8 =	vld.idx.msk [tilespmem:v12+s13+$0x0], $0xffff  }
0x3dd: {  	v25 =	vadd.s32 $0xC000, v3;
	v26 =	vadd.s32 $0xE000, v3;
	v12 =	vadd.s32 $0x8000, v11;
	v3 =	vld.idx.msk [tilespmem:v16+s13+$0x0], $0xffff  }
0x3de: {  	v16 =	vadd.s32 $0x8000, v17;
	v27 =	vadd.s32 $0xA000, v17;
	v28 =	vadd.s32 $0xC000, v17;
	v18 =	vld.idx.msk [tilespmem:v18+s13+$0x0], $0xffff  }
0x3df: {  	v29 =	vadd.s32 $0xC000, v13;
	v17 =	vadd.s32 $0xE000, v17;
	v10 =	vld.idx.msk [tilespmem:v10+s13+$0x0], $0xffff  }
0x3e0: {  	v30 =	vadd.s32 $0xA000, v14;
	[tilespmem:s31+$0xFFFFFE60] =	vst v5;
	v5 =	vld.idx.msk [tilespmem:v0+s13+$0x0], $0xffff;
	v0 =	vmov v9  }
0x3e1: {  	v9 =	vld.idx.msk [tilespmem:v24+s13+$0x0], $0xffff;
	[tilespmem:s29+$0xFFFFFCF0] =	vst v21  }
0x3e2: {  	v12 =	vld.idx.msk [tilespmem:v12+s13+$0x0], $0xffff;
	[tilespmem:s28+$0xFFFFFC80] =	vst v8  }
0x3e3: {  	v8 =	vld.idx.msk [tilespmem:v16+s13+$0x0], $0xffff;
	v16 =	vadd.s32 $0xC000, v6;
	[tilespmem:s29+$0xFFFFFF00] =	vst v3  }
0x3e4: {  	v3 =	vadd.s32 $0xA000, v11;
	[tilespmem:s1+$0xFFFFFE40] =	vst v18;
	v18 =	vld.idx.msk [tilespmem:v29+s13+$0x0], $0xffff  }
0x3e5: {  	[tilespmem:s1+$0xFFFFFC40] =	vst v10;
	v10 =	vld.idx.msk [tilespmem:v30+s13+$0x0], $0xffff  }
0x3e6: {  	v13 =	vadd.s32 $0xE000, v13;
	v19 =	vld.idx.msk [tilespmem:v19+s13+$0x0], $0xffff;
	[tilespmem:s26+$0xFFFFFE00] =	vst v5;
	s26 =	smov.u32 s28;
	s28 =	smov.u32 s29;
	s29 =	smov.u32 s31  }
0x3e7: {  	v5 =	vadd.s32 $0xC000, v14;
	s31 =	smov.u32 s1;
	s1 =	smov.u32 s11;
	v21 =	vld.idx.msk [tilespmem:v22+s13+$0x0], $0xffff;
	[tilespmem:s29+$0xFFFFFEE0] =	vst v9  }
0x3e8: {  	[tilespmem:s11+$0xFFFFFE20] =	vst v12;
	v9 =	vld.idx.msk [tilespmem:v16+s13+$0x0], $0xffff  }
0x3e9: {  	[tilespmem:s11+$0xFFFFFC20] =	vst v8;
	v3 =	vld.idx.msk [tilespmem:v3+s13+$0x0], $0xffff  }
0x3ea: {  	v6 =	vadd.s32 $0xE000, v6;
	v8 =	vld.idx.msk [tilespmem:v27+s13+$0x0], $0xffff;
	[tilespmem:s28+$0xFFFFFF80] =	vst v18  }
0x3eb: {  	v12 =	vadd.s32 $0xC000, v11;
	[tilespmem:s31+$0xFFFFFEC0] =	vst v10;
	v10 =	vld.idx.msk [tilespmem:v13+s13+$0x0], $0xffff  }
0x3ec: {  	[tilespmem:s31+$0xFFFFFCC0] =	vst v19;
	v5 =	vld.idx.msk [tilespmem:v5+s13+$0x0], $0xffff  }
0x3ed: {  	v13 =	vld.idx.msk [tilespmem:v20+s13+$0x0], $0xffff;
	[tilespmem:s29+$0xFFFFFC60] =	vst v21  }
0x3ee: {  	v14 =	vadd.s32 $0xE000, v14;
	v16 =	vld.idx.msk [tilespmem:v23+s13+$0x0], $0xffff;
	[tilespmem:s29+$0xFFFFFF60] =	vst v9  }
0x3ef: {  	[tilespmem:s11+$0xFFFFFEA0] =	vst v3;
	v3 =	vld.idx.msk [tilespmem:v6+s13+$0x0], $0xffff  }
0x3f0: {  	[tilespmem:s11+$0xFFFFFCA0] =	vst v8;
	v6 =	vld.idx.msk [tilespmem:v12+s13+$0x0], $0xffff  }
0x3f1: {  	v8 =	vld.idx.msk [tilespmem:v28+s13+$0x0], $0xffff;
	[tilespmem:s28+$0x0] =	vst v10  }
0x3f2: {  	v9 =	vadd.s32 $0xE000, v11;
	[tilespmem:s31+$0xFFFFFF40] =	vst v5;
	v5 =	vld.idx.msk [tilespmem:v7+s13+$0x0], $0xffff  }
0x3f3: {  	[tilespmem:s31+$0xFFFFFD40] =	vst v13;
	v7 =	vld.idx.msk [tilespmem:v14+s13+$0x0], $0xffff  }
0x3f4: {  	v10 =	vld.idx.msk [tilespmem:v15+s13+$0x0], $0xffff;
	[tilespmem:s29+$0xFFFFFCE0] =	vst v16  }
0x3f5: {  	v11 =	vld.idx.msk [tilespmem:v25+s13+$0x0], $0xffff;
	[tilespmem:s29+$0xFFFFFFE0] =	vst v3  }
0x3f6: {  	[tilespmem:s11+$0xFFFFFF20] =	vst v6;
	v3 =	vld [tilespmem:s0+$0x60]  }
0x3f7: {  	[tilespmem:s11+$0xFFFFFD20] =	vst v8;
	v8 =	vld.idx.msk [tilespmem:v9+s13+$0x0], $0xffff  }
0x3f8: {  	v9 =	vld.idx.msk [tilespmem:v17+s13+$0x0], $0xffff;
	[tilespmem:s28+$0xFFFFFD70] =	vst v5  }
0x3f9: {  	[tilespmem:s31+$0xFFFFFFC0] =	vst v7;
	v2 =	vld.idx.msk [tilespmem:v2+s13+$0x0], $0xffff  }
0x3fa: {  	[tilespmem:s31+$0xFFFFFDC0] =	vst v10;
	v6 =	vld [tilespmem:s9+$0x40]  }
0x3fb: {  	v5 =	vld [tilespmem:s9+$0xFFFFFFC0];
	[tilespmem:s29+$0xFFFFFD60] =	vst v11;
	v15 =	vadd.s32 $0x8000, v3  }
0x3fc: {  	v7 =	vld.idx.msk [tilespmem:v26+s13+$0x0], $0xffff  }
.Ltmp4:
0x3fd: {  	[tilespmem:s11+$0xFFFFFFA0] =	vst v8;
	v4 =	vld.idx.msk [tilespmem:v4+s13+$0x0], $0xffff;
	(pc) =	sbr.rel @p0 .LBB2_9-.Ltmp4, $4  }
0x3fe: {  	[tilespmem:s11+$0xFFFFFDA0] =	vst v9;
	v11 =	vld [tilespmem:s6+$0x20]  }
0x3ff: {  	v14 =	vld [tilespmem:s6+$0xFFFFFFA0];
	v13 =	vadd.s32 $0x8000, v6;
	[tilespmem:s28+$0xFFFFFDF0] =	vst v2  }
0x400: {  	v12 =	vadd.s32 $0x8000, v5;
	v10 =	vadd.s32 $0xA000, v5;
	v8 =	vadd.s32 $0xC000, v5;
	v9 =	vld.idx.msk [tilespmem:v15+s13+$0x0], $0xffff  }
0x401: {  	s6 =	sadd.s32 $0x100, s6;
	v5 =	vadd.s32 $0xE000, v5;
	v2 =	vld [tilespmem:s30+$0xFFFFFFF0];
	s30 =	smov.u32 s0;
	s0 =	smov.u32 s9  }
0x402: {  	_ = 	snop  }
0x403: {  	v15 =	vadd.s32 $0x8000, v11  }
0x404: {  	v16 =	vadd.s32 $0x8000, v14;
	_ =	sdelay $0x3  }
0x405: {  	v15 =	vld.idx.msk [tilespmem:v15+s13+$0x0], $0xffff  }
0x406: {  	v17 =	vadd.s32 $0xA000, v11;
	v16 =	vld.idx.msk [tilespmem:v16+s13+$0x0], $0xffff  }
0x407: {  	v18 =	vadd.s32 $0xA000, v14;
	_ =	sdelay $0x2  }
0x408: {  	[tilespmem:s11+$0xFFFFFE30] =	vst v15  }
0x409: {  	v15 =	vld.idx.msk [tilespmem:v17+s13+$0x0], $0xffff;
	[tilespmem:s11+$0xFFFFFC30] =	vst v16  }
0x40a: {  	v34 =	vadd.s32 $0xC000, v11;
	v35 =	vld.idx.msk [tilespmem:v18+s13+$0x0], $0xffff  }
0x40b: {  	v36 =	vadd.s32 $0xC000, v14;
	_ =	sdelay $0x2  }
0x40c: {  	[tilespmem:s1+$0xFFFFFEB0] =	vst v15  }
0x40d: {  	v15 =	vld.idx.msk [tilespmem:v34+s13+$0x0], $0xffff;
	[tilespmem:s1+$0xFFFFFCB0] =	vst v35  }
0x40e: {  	v37 =	vadd.s32 $0xE000, v11;
	v38 =	vld.idx.msk [tilespmem:v36+s13+$0x0], $0xffff  }
0x40f: {  	v39 =	vadd.s32 $0xE000, v14;
	_ =	sdelay $0x2  }
0x410: {  	[tilespmem:s1+$0xFFFFFF30] =	vst v15  }
0x411: {  	v11 =	vld.idx.msk [tilespmem:v37+s13+$0x0], $0xffff;
	[tilespmem:s1+$0xFFFFFD30] =	vst v38  }
0x412: {  	v14 =	vld.idx.msk [tilespmem:v39+s13+$0x0], $0xffff;
	_ =	sdelay $0x3  }
0x413: {  	[tilespmem:s1+$0xFFFFFFB0] =	vst v11  }
0x414: {  	v11 =	vld [tilespmem:s2+$0x30];
	[tilespmem:s1+$0xFFFFFDB0] =	vst v14  }
0x415: {  	v14 =	vld [tilespmem:s2+$0xFFFFFFB0];
	_ =	sdelay $0x3  }
0x416: {  	v40 =	vadd.s32 $0x8000, v11  }
0x417: {  	v41 =	vadd.s32 $0x8000, v14;
	_ =	sdelay $0x3  }
0x418: {  	v15 =	vld.idx.msk [tilespmem:v40+s13+$0x0], $0xffff  }
0x419: {  	v42 =	vadd.s32 $0xA000, v11;
	v16 =	vld.idx.msk [tilespmem:v41+s13+$0x0], $0xffff  }
0x41a: {  	v43 =	vadd.s32 $0xA000, v14;
	_ =	sdelay $0x2  }
0x41b: {  	[tilespmem:s1+$0xFFFFFE40] =	vst v15  }
0x41c: {  	v15 =	vld.idx.msk [tilespmem:v42+s13+$0x0], $0xffff;
	[tilespmem:s1+$0xFFFFFC40] =	vst v16  }
0x41d: {  	v44 =	vadd.s32 $0xC000, v11;
	v45 =	vld.idx.msk [tilespmem:v43+s13+$0x0], $0xffff  }
0x41e: {  	v46 =	vadd.s32 $0xC000, v14;
	_ =	sdelay $0x2  }
0x41f: {  	[tilespmem:s1+$0xFFFFFEC0] =	vst v15  }
0x420: {  	v15 =	vld.idx.msk [tilespmem:v44+s13+$0x0], $0xffff;
	[tilespmem:s1+$0xFFFFFCC0] =	vst v45  }
0x421: {  	v11 =	vadd.s32 $0xE000, v11;
	v47 =	vld.idx.msk [tilespmem:v46+s13+$0x0], $0xffff  }
0x422: {  	v14 =	vadd.s32 $0xE000, v14;
	_ =	sdelay $0x2  }
0x423: {  	[tilespmem:s1+$0xFFFFFF40] =	vst v15  }
0x424: {  	v11 =	vld.idx.msk [tilespmem:v11+s13+$0x0], $0xffff;
	[tilespmem:s1+$0xFFFFFD40] =	vst v47  }
0x425: {  	v14 =	vld.idx.msk [tilespmem:v14+s13+$0x0], $0xffff;
	_ =	sdelay $0x3  }
0x426: {  	[tilespmem:s1+$0xFFFFFFC0] =	vst v11  }
0x427: {  	v11 =	vld [tilespmem:s2+$0x40];
	[tilespmem:s1+$0xFFFFFDC0] =	vst v14  }
0x428: {  	v14 =	vld [tilespmem:s2+$0xFFFFFFC0]  }
0x429: {  	v13 =	vld.idx.msk [tilespmem:v13+s13+$0x0], $0xffff  }
0x42a: {  	v50 =	vadd.s32 $0xA000, v6;
	_ =	sdelay $0x1  }
0x42b: {  	v48 =	vadd.s32 $0x8000, v11  }
0x42c: {  	v49 =	vadd.s32 $0x8000, v14  }
0x42d: {  	[tilespmem:s31+$0xFFFFFE50] =	vst v13  }
0x42e: {  	v17 =	vld.idx.msk [tilespmem:v50+s13+$0x0], $0xffff  }
0x42f: {  	v12 =	vld.idx.msk [tilespmem:v12+s13+$0x0], $0xffff;
	v19 =	vadd.s32 $0xC000, v6  }
0x430: {  	v15 =	vld.idx.msk [tilespmem:v48+s13+$0x0], $0xffff  }
0x431: {  	v51 =	vadd.s32 $0xA000, v11;
	v16 =	vld.idx.msk [tilespmem:v49+s13+$0x0], $0xffff  }
0x432: {  	v52 =	vadd.s32 $0xA000, v14  }
0x433: {  	[tilespmem:s31+$0xFFFFFED0] =	vst v17  }
0x434: {  	[tilespmem:s31+$0xFFFFFC50] =	vst v12;
	v17 =	vld.idx.msk [tilespmem:v19+s13+$0x0], $0xffff  }
0x435: {  	v56 =	vadd.s32 $0xE000, v6;
	v10 =	vld.idx.msk [tilespmem:v10+s13+$0x0], $0xffff;
	[tilespmem:s1+$0xFFFFFE50] =	vst v15  }
0x436: {  	v53 =	vld.idx.msk [tilespmem:v51+s13+$0x0], $0xffff;
	[tilespmem:s1+$0xFFFFFC50] =	vst v16  }
0x437: {  	v54 =	vadd.s32 $0xC000, v11;
	v13 =	vld.idx.msk [tilespmem:v52+s13+$0x0], $0xffff  }
0x438: {  	v55 =	vadd.s32 $0xC000, v14  }
0x439: {  	[tilespmem:s31+$0xFFFFFF50] =	vst v17  }
0x43a: {  	[tilespmem:s31+$0xFFFFFCD0] =	vst v10;
	v6 =	vld.idx.msk [tilespmem:v56+s13+$0x0], $0xffff  }
0x43b: {  	v8 =	vld.idx.msk [tilespmem:v8+s13+$0x0], $0xffff;
	[tilespmem:s1+$0xFFFFFED0] =	vst v53  }
0x43c: {  	v57 =	vld.idx.msk [tilespmem:v54+s13+$0x0], $0xffff;
	[tilespmem:s1+$0xFFFFFCD0] =	vst v13  }
0x43d: {  	v11 =	vadd.s32 $0xE000, v11;
	v58 =	vld.idx.msk [tilespmem:v55+s13+$0x0], $0xffff  }
0x43e: {  	v59 =	vadd.s32 $0xE000, v14  }
0x43f: {  	[tilespmem:s31+$0xFFFFFFD0] =	vst v6  }
0x440: {  	[tilespmem:s31+$0xFFFFFD50] =	vst v8;
	v6 =	vld [tilespmem:s0+$0x50]  }
0x441: {  	v5 =	vld.idx.msk [tilespmem:v5+s13+$0x0], $0xffff;
	[tilespmem:s1+$0xFFFFFF50] =	vst v57  }
0x442: {  	v60 =	vld.idx.msk [tilespmem:v11+s13+$0x0], $0xffff;
	[tilespmem:s1+$0xFFFFFD50] =	vst v58  }
0x443: {  	v61 =	vld.idx.msk [tilespmem:v59+s13+$0x0], $0xffff;
	_ =	sdelay $0x1  }
0x444: {  	v20 =	vadd.s32 $0x8000, v6  }
0x445: {  	[tilespmem:s31+$0xFFFFFDD0] =	vst v5  }
0x446: {  	v63 =	vld [tilespmem:s0+$0xFFFFFFD0];
	[tilespmem:s1+$0xFFFFFFD0] =	vst v60  }
0x447: {  	v62 =	vld [tilespmem:s2+$0x50];
	[tilespmem:s1+$0xFFFFFDD0] =	vst v61  }
0x448: {  	v10 =	vld [tilespmem:s2+$0xFFFFFFD0]  }
0x449: {  	v11 =	vld.idx.msk [tilespmem:v20+s13+$0x0], $0xffff  }
0x44a: {  	v24 =	vadd.s32 $0xA000, v6  }
0x44b: {  	v22 =	vadd.s32 $0x8000, v63  }
0x44c: {  	v21 =	vadd.s32 $0x8000, v62  }
0x44d: {  	v23 =	vadd.s32 $0x8000, v10  }
0x44e: {  	[tilespmem:s31+$0xFFFFFE60] =	vst v11  }
0x44f: {  	v15 =	vld.idx.msk [tilespmem:v24+s13+$0x0], $0xffff  }
0x450: {  	v28 =	vadd.s32 $0xC000, v6;
	v13 =	vld.idx.msk [tilespmem:v22+s13+$0x0], $0xffff  }
0x451: {  	v26 =	vadd.s32 $0xA000, v63;
	v12 =	vld.idx.msk [tilespmem:v21+s13+$0x0], $0xffff  }
0x452: {  	v25 =	vadd.s32 $0xA000, v62;
	v14 =	vld.idx.msk [tilespmem:v23+s13+$0x0], $0xffff  }
0x453: {  	v27 =	vadd.s32 $0xA000, v10  }
0x454: {  	[tilespmem:s31+$0xFFFFFEE0] =	vst v15  }
0x455: {  	[tilespmem:s31+$0xFFFFFC60] =	vst v13;
	v35 =	vld.idx.msk [tilespmem:v28+s13+$0x0], $0xffff  }
0x456: {  	v6 =	vadd.s32 $0xE000, v6;
	v31 =	vld.idx.msk [tilespmem:v26+s13+$0x0], $0xffff;
	[tilespmem:s1+$0xFFFFFE60] =	vst v12  }
0x457: {  	v33 =	vadd.s32 $0xC000, v63;
	v30 =	vld.idx.msk [tilespmem:v25+s13+$0x0], $0xffff;
	[tilespmem:s1+$0xFFFFFC60] =	vst v14  }
0x458: {  	v32 =	vadd.s32 $0xC000, v62;
	v11 =	vld.idx.msk [tilespmem:v27+s13+$0x0], $0xffff  }
0x459: {  	v34 =	vadd.s32 $0xC000, v10  }
0x45a: {  	v29 =	vadd.s32 $0xA000, v3;
	[tilespmem:s31+$0xFFFFFF60] =	vst v35  }
0x45b: {  	[tilespmem:s31+$0xFFFFFCE0] =	vst v31;
	v6 =	vld.idx.msk [tilespmem:v6+s13+$0x0], $0xffff  }
0x45c: {  	v14 =	vld.idx.msk [tilespmem:v33+s13+$0x0], $0xffff;
	[tilespmem:s1+$0xFFFFFEE0] =	vst v30  }
0x45d: {  	v8 =	vadd.s32 $0xE000, v63;
	v37 =	vld.idx.msk [tilespmem:v32+s13+$0x0], $0xffff;
	[tilespmem:s1+$0xFFFFFCE0] =	vst v11  }
0x45e: {  	[tilespmem:s29+$0xFFFFFE70] =	vst v9;
	v5 =	vadd.s32 $0xE000, v62;
	v11 =	vld.idx.msk [tilespmem:v34+s13+$0x0], $0xffff  }
0x45f: {  	v38 =	vadd.s32 $0xE000, v10;
	v12 =	vld.idx.msk [tilespmem:v29+s13+$0x0], $0xffff  }
0x460: {  	v36 =	vadd.s32 $0xC000, v3;
	[tilespmem:s31+$0xFFFFFFE0] =	vst v6  }
0x461: {  	v6 =	vld [tilespmem:s0+$0x60];
	[tilespmem:s31+$0xFFFFFD60] =	vst v14  }
0x462: {  	v8 =	vld.idx.msk [tilespmem:v8+s13+$0x0], $0xffff;
	[tilespmem:s1+$0xFFFFFF60] =	vst v37  }
0x463: {  	v5 =	vld.idx.msk [tilespmem:v5+s13+$0x0], $0xffff;
	[tilespmem:s1+$0xFFFFFD60] =	vst v11  }
0x464: {  	[tilespmem:s29+$0xFFFFFEF0] =	vst v12;
	v41 =	vld.idx.msk [tilespmem:v38+s13+$0x0], $0xffff  }
0x465: {  	[tilespmem:s29+$0xFFFFFDE0] =	vst v7;
	v39 =	vld.idx.msk [tilespmem:v36+s13+$0x0], $0xffff  }
0x466: {  	v40 =	vadd.s32 $0xE000, v3;
	v42 =	vld [tilespmem:s30+$0xFFFFFFE0]  }
0x467: {  	[tilespmem:s31+$0xFFFFFDE0] =	vst v8  }
0x468: {  	v8 =	vld [tilespmem:s0+$0xFFFFFFE0];
	[tilespmem:s1+$0xFFFFFFE0] =	vst v5  }
0x469: {  	v5 =	vld [tilespmem:s2+$0x60];
	[tilespmem:s1+$0xFFFFFDE0] =	vst v41  }
0x46a: {  	v43 =	vadd.s32 $0x8000, v6;
	[tilespmem:s29+$0xFFFFFF70] =	vst v39;
	v7 =	vld [tilespmem:s2+$0xFFFFFFE0]  }
0x46b: {  	v44 =	vadd.s32 $0x8000, v42;
	v3 =	vld.idx.msk [tilespmem:v40+s13+$0x0], $0xffff;
	_ =	sdelay $0x1  }
0x46c: {  	v46 =	vadd.s32 $0x8000, v8  }
0x46d: {  	v45 =	vadd.s32 $0x8000, v5  }
0x46e: {  	v10 =	vld.idx.msk [tilespmem:v43+s13+$0x0], $0xffff;
	v48 =	vadd.s32 $0x8000, v7  }
0x46f: {  	v49 =	vadd.s32 $0xA000, v6;
	v11 =	vld.idx.msk [tilespmem:v44+s13+$0x0], $0xffff;
	[tilespmem:s29+$0xFFFFFFF0] =	vst v3  }
0x470: {  	v47 =	vld [tilespmem:s30+$0x70]  }
0x471: {  	v50 =	vadd.s32 $0xA000, v42;
	v3 =	vld.idx.msk [tilespmem:v46+s13+$0x0], $0xffff  }
0x472: {  	v52 =	vadd.s32 $0xA000, v8;
	v12 =	vld.idx.msk [tilespmem:v45+s13+$0x0], $0xffff  }
0x473: {  	[tilespmem:s31+$0xFFFFFE70] =	vst v10;
	v51 =	vadd.s32 $0xA000, v5;
	v14 =	vld.idx.msk [tilespmem:v48+s13+$0x0], $0xffff  }
0x474: {  	[tilespmem:s26+$0xFFFFFD00] =	vst v4;
	v55 =	vld.idx.msk [tilespmem:v49+s13+$0x0], $0xffff;
	v53 =	vadd.s32 $0xA000, v7  }
0x475: {  	v1 =	vld.idx.msk [tilespmem:v1+s13+$0x0], $0xffff;
	v57 =	vadd.s32 $0xC000, v6;
	[tilespmem:s29+$0xFFFFFC70] =	vst v11  }
0x476: {  	v56 =	vld.idx.msk [tilespmem:v50+s13+$0x0], $0xffff;
	v54 =	vadd.s32 $0x8000, v47;
	[tilespmem:s31+$0xFFFFFC70] =	vst v3  }
0x477: {  	v58 =	vadd.s32 $0xC000, v42;
	v4 =	vld.idx.msk [tilespmem:v52+s13+$0x0], $0xffff;
	[tilespmem:s1+$0xFFFFFE70] =	vst v12  }
0x478: {  	v61 =	vadd.s32 $0xC000, v8;
	v59 =	vld.idx.msk [tilespmem:v51+s13+$0x0], $0xffff;
	[tilespmem:s1+$0xFFFFFC70] =	vst v14  }
0x479: {  	v60 =	vadd.s32 $0xC000, v5;
	[tilespmem:s31+$0xFFFFFEF0] =	vst v55;
	v10 =	vld.idx.msk [tilespmem:v53+s13+$0x0], $0xffff  }
0x47a: {  	v62 =	vadd.s32 $0xC000, v7;
	v21 =	vld.idx.msk [tilespmem:v57+s13+$0x0], $0xffff  }
0x47b: {  	v6 =	vadd.s32 $0xE000, v6;
	[tilespmem:s29+$0xFFFFFCF0] =	vst v56;
	v18 =	vld.idx.msk [tilespmem:v54+s13+$0x0], $0xffff  }
0x47c: {  	v63 =	vadd.s32 $0xA000, v47;
	v12 =	vld.idx.msk [tilespmem:v58+s13+$0x0], $0xffff;
	[tilespmem:s31+$0xFFFFFCF0] =	vst v4  }
0x47d: {  	v22 =	vadd.s32 $0xE000, v42;
	v24 =	vld.idx.msk [tilespmem:v61+s13+$0x0], $0xffff;
	[tilespmem:s1+$0xFFFFFEF0] =	vst v59  }
0x47e: {  	v8 =	vadd.s32 $0xE000, v8;
	v23 =	vld.idx.msk [tilespmem:v60+s13+$0x0], $0xffff;
	[tilespmem:s1+$0xFFFFFCF0] =	vst v10  }
0x47f: {  	v5 =	vadd.s32 $0xE000, v5;
	[tilespmem:s31+$0xFFFFFF70] =	vst v21;
	v10 =	vld.idx.msk [tilespmem:v62+s13+$0x0], $0xffff  }
0x480: {  	v7 =	vadd.s32 $0xE000, v7;
	v6 =	vld.idx.msk [tilespmem:v6+s13+$0x0], $0xffff;
	[tilespmem:s29+$0xFFFFFE80] =	vst v18  }
0x481: {  	v25 =	vld.idx.msk [tilespmem:v63+s13+$0x0], $0xffff;
	[tilespmem:s29+$0xFFFFFD70] =	vst v12  }
0x482: {  	v26 =	vadd.s32 $0xC000, v47;
	v3 =	vld.idx.msk [tilespmem:v22+s13+$0x0], $0xffff;
	[tilespmem:s31+$0xFFFFFD70] =	vst v24  }
0x483: {  	v27 =	vld.idx.msk [tilespmem:v8+s13+$0x0], $0xffff;
	[tilespmem:s1+$0xFFFFFF70] =	vst v23  }
0x484: {  	v4 =	vld.idx.msk [tilespmem:v5+s13+$0x0], $0xffff;
	[tilespmem:s1+$0xFFFFFD70] =	vst v10  }
0x485: {  	[tilespmem:s31+$0xFFFFFFF0] =	vst v6;
	v7 =	vld.idx.msk [tilespmem:v7+s13+$0x0], $0xffff  }
0x486: {  	v29 =	vld [tilespmem:s0+$0x70];
	[tilespmem:s29+$0xFFFFFF00] =	vst v25  }
0x487: {  	v28 =	vld.idx.msk [tilespmem:v26+s13+$0x0], $0xffff;
	[tilespmem:s29+$0xFFFFFDF0] =	vst v3  }
0x488: {  	v30 =	vld [tilespmem:s30+$0xFFFFFFF0];
	[tilespmem:s31+$0xFFFFFDF0] =	vst v27  }
0x489: {  	v9 =	vld [tilespmem:s0+$0xFFFFFFF0];
	[tilespmem:s1+$0xFFFFFFF0] =	vst v4  }
0x48a: {  	v31 =	vadd.s32 $0x8000, v2;
	v32 =	vld [tilespmem:s2+$0x70];
	[tilespmem:s1+$0xFFFFFDF0] =	vst v7  }
0x48b: {  	v34 =	vadd.s32 $0x8000, v29;
	v10 =	vld [tilespmem:s2+$0xFFFFFFF0]  }
0x48c: {  	v33 =	vadd.s32 $0xE000, v47  }
0x48d: {  	[tilespmem:s26+$0xFFFFFD80] =	vst v1;
	v35 =	vadd.s32 $0x8000, v30  }
0x48e: {  	v0 =	vld.idx.msk [tilespmem:v0+s13+$0x0], $0xffff;
	v38 =	vadd.s32 $0x8000, v9  }
0x48f: {  	v36 =	vld.idx.msk [tilespmem:v31+s13+$0x0], $0xffff;
	v37 =	vadd.s32 $0x8000, v32  }
0x490: {  	[tilespmem:s29+$0xFFFFFF80] =	vst v28;
	v11 =	vld.idx.msk [tilespmem:v34+s13+$0x0], $0xffff;
	v39 =	vadd.s32 $0x8000, v10  }
0x491: {  	v40 =	vadd.s32 $0xA000, v2;
	v7 =	vld.idx.msk [tilespmem:v33+s13+$0x0], $0xffff  }
0x492: {  	v41 =	vadd.s32 $0xA000, v29;
	v12 =	vld.idx.msk [tilespmem:v35+s13+$0x0], $0xffff  }
0x493: {  	[tilespmem:s26+$0xFFFFFE00] =	vst v0;
	v42 =	vadd.s32 $0xA000, v30;
	v8 =	vld.idx.msk [tilespmem:v38+s13+$0x0], $0xffff  }
0x494: {  	[tilespmem:s28+$0xFFFFFC80] =	vst v36;
	v44 =	vadd.s32 $0xA000, v9;
	v4 =	vld.idx.msk [tilespmem:v37+s13+$0x0], $0xffff  }
0x495: {  	[tilespmem:s31+$0xFFFFFE80] =	vst v11;
	v43 =	vadd.s32 $0xA000, v32;
	v13 =	vld.idx.msk [tilespmem:v39+s13+$0x0], $0xffff  }
0x496: {  	v14 =	vld.idx.msk [tilespmem:v40+s13+$0x0], $0xffff;
	[tilespmem:s29+$0x0] =	vst v7;
	v45 =	vadd.s32 $0xA000, v10  }
0x497: {  	v46 =	vadd.s32 $0xC000, v2;
	v15 =	vld.idx.msk [tilespmem:v41+s13+$0x0], $0xffff;
	[tilespmem:s29+$0xFFFFFC80] =	vst v12  }
0x498: {  	v47 =	vadd.s32 $0xC000, v29;
	v1 =	vld.idx.msk [tilespmem:v42+s13+$0x0], $0xffff;
	[tilespmem:s31+$0xFFFFFC80] =	vst v8  }
0x499: {  	v48 =	vadd.s32 $0xC000, v30;
	v7 =	vld.idx.msk [tilespmem:v44+s13+$0x0], $0xffff;
	[tilespmem:s1+$0xFFFFFE80] =	vst v4  }
0x49a: {  	v50 =	vadd.s32 $0xC000, v9;
	v0 =	vld.idx.msk [tilespmem:v43+s13+$0x0], $0xffff;
	[tilespmem:s1+$0xFFFFFC80] =	vst v13  }
0x49b: {  	[tilespmem:s28+$0xFFFFFD00] =	vst v14;
	v49 =	vadd.s32 $0xC000, v32;
	v11 =	vld.idx.msk [tilespmem:v45+s13+$0x0], $0xffff  }
0x49c: {  	v14 =	vld.idx.msk [tilespmem:v46+s13+$0x0], $0xffff;
	[tilespmem:s31+$0xFFFFFF00] =	vst v15;
	v51 =	vadd.s32 $0xC000, v10  }
0x49d: {  	v52 =	vadd.s32 $0xE000, v2;
	v12 =	vld.idx.msk [tilespmem:v47+s13+$0x0], $0xffff;
	[tilespmem:s29+$0xFFFFFD00] =	vst v1  }
0x49e: {  	v53 =	vadd.s32 $0xE000, v29;
	v54 =	vld.idx.msk [tilespmem:v48+s13+$0x0], $0xffff;
	[tilespmem:s31+$0xFFFFFD00] =	vst v7  }
0x49f: {  	v55 =	vadd.s32 $0xE000, v30;
	v57 =	vld.idx.msk [tilespmem:v50+s13+$0x0], $0xffff;
	[tilespmem:s1+$0xFFFFFF00] =	vst v0  }
0x4a0: {  	v58 =	vadd.s32 $0xE000, v9;
	v56 =	vld.idx.msk [tilespmem:v49+s13+$0x0], $0xffff;
	[tilespmem:s1+$0xFFFFFD00] =	vst v11  }
0x4a1: {  	[tilespmem:s28+$0xFFFFFD80] =	vst v14;
	v5 =	vadd.s32 $0xE000, v32;
	v59 =	vld.idx.msk [tilespmem:v51+s13+$0x0], $0xffff  }
0x4a2: {  	v2 =	vld.idx.msk [tilespmem:v52+s13+$0x0], $0xffff;
	v60 =	vadd.s32 $0xE000, v10;
	[tilespmem:s31+$0xFFFFFF80] =	vst v12  }
0x4a3: {  	v1 =	vld.idx.msk [tilespmem:v53+s13+$0x0], $0xffff;
	[tilespmem:s29+$0xFFFFFD80] =	vst v54  }
0x4a4: {  	v0 =	vld.idx.msk [tilespmem:v55+s13+$0x0], $0xffff;
	[tilespmem:s31+$0xFFFFFD80] =	vst v57  }
0x4a5: {  	v62 =	vld.idx.msk [tilespmem:v58+s13+$0x0], $0xffff;
	[tilespmem:s1+$0xFFFFFF80] =	vst v56  }
0x4a6: {  	v61 =	vld.idx.msk [tilespmem:v5+s13+$0x0], $0xffff;
	[tilespmem:s1+$0xFFFFFD80] =	vst v59  }
0x4a7: {  	s24 =	sadd.s32 $0x1, s24;
	[tilespmem:s28+$0xFFFFFE00] =	vst v2;
	v63 =	vld.idx.msk [tilespmem:v60+s13+$0x0], $0xffff  }
0x4a8: {  	p0 =	sne.s32 s24, $0x10;
	[tilespmem:s31+$0x0] =	vst v1  }
.Ltmp5:
0x4a9: {  	[tilespmem:s29+$0xFFFFFE00] =	vst v0;
	(pc) =	sbr.rel @p0 .LBB2_2-.Ltmp5, $4  }
0x4aa: {  	[tilespmem:s31+$0xFFFFFE00] =	vst v62  }
0x4ab: {  	[tilespmem:s1+$0x0] =	vst v61  }
0x4ac: {  	s31 =	sadd.s32 s25, s8;
	[tilespmem:s1+$0xFFFFFE00] =	vst v63  }
0x4ad: {  	[hbm4b:s31+s16] =	stream.strided.scatter [tilespmem:s21], [sflag:$0x4], $0x4000, s17, s16, $0x38;
	[tilespmem:$0x1B000] =	vst v63  }
0x4ae: {  	_ =	swait.ge [sflag:s22], $0x4000  }
0x4af: {  	[sflag:s22] =	ssyncset.done $0x0  }
0x4b0: {  	[sflag:s22] =	ssyncadd.s32 $0xFFFFC000  }
0x4b1: {  	_ =	swait.ge [sflag:s20], $0x4000  }
0x4b2: {  	s23 =	sadd.s32 $0x1, s23;
	s0 =	rddreg [dreg:$0x6]  }
0x4b3: {  	p0 =	sne.s32 s23, s0  }
.Ltmp6:
0x4b4: {  	_ = 	snop;
	(pc) =	sbr.rel @p0 .LBB2_1-.Ltmp6, $3  }
0x4b5: {  	_ =	sdelay $0x1  }
0x4b6: {  	[sflag:s20] =	ssyncset.done $0x0  }
0x4b7: {  	[sflag:s20] =	ssyncadd.s32 $0xFFFFC000  }
0x4b8: {  	_ =	sfence.sel $0x180000  }
0x4b9: {  	[bflag:$0x0] =	sbarrier.arrive $0xFFFF  }
0x4ba: {  	_ =	strace $0x90000047  }
0x4bb: {  	s0 =	stileid.u32;
	[bflag:$0x2] =	sbarrier.arrive $0xFFFF  }
0x4bc: {  	p0 =	sne.s32 s0, $0x0;
	s0 =	rddreg [dreg:$0x4]  }
0x4bd: {  	s0 =	sadd.s32 @!p0 $0x100000, s0  }
0x4be: {  	[sflag:s0] =	ssyncadd.tile.s32 @!p0 $0x1;
	_ =	shalt  }
.Lfunc_end2:
_tile_overlayer_lowered:
.L_overlay_start_2:
0x4bf: {  	(tag) =	ssettag $0x2  }
0x4c0: {  	s0 =	rddreg [dreg:$0x0];
	s2 =	stileid.u32  }
0x4c1: {  	s1 =	rddreg [dreg:$0x1];
	p0 =	sne.s32 s2, $0x0  }
0x4c2: {  	s3 =	rddreg [dreg:$0x2];
	[bflag:$0x3] =	sbarrier.arrive $0xFFFF;
	s2 =	simm.s32 @!p0 $0x1C05  }
0x4c3: {  	[timem:s3], [sflag:s2] =	dma.local @!p0 [hbm:s0], s1  }
0x4c4: {  	s0 =	simm.s32 @!p0 $0x5  }
0x4c5: {  	_ =	swait.ge @!p0 [sflag:s0], s1  }
0x4c6: {  	s1 =	ssub.s32 @!p0 $0x0, s1;
	[sflag:s0] =	ssyncset.done @!p0 $0x0  }
0x4c7: {  	[sflag:s0] =	ssyncadd.s32 @!p0 s1  }
0x4c8: {  	[bflag:$0x3] =	sbarrier.arrive $0xFFFF  }
0x4c9: {  	_ =	shalt  }

</sc_bundles>
